<compile_context>
chip_gen: v7x
topology: tpu7x:2x2x1
jax: 0.10.2.dev20260603
libtpu: 0.0.44.dev20260713+nightly
codegen_flags: <defaults>
</compile_context>

<pallas_src>
import functools

import jax
import jax.numpy as jnp
from jax import lax
from jax.experimental import pallas as pl
from jax.experimental.pallas import tpu as pltpu
from jax.experimental.pallas import tpu_sc as plsc

B = 3276800
V = 1000000
CHUNK = 5120
ROWS = V // 2
GBLK = 999936 // 128
BLK_W = 488
PASS = 8


def _rsqrt(x):
    i = lax.bitcast_convert_type(x, jnp.int32)
    i = jnp.int32(0x5F3759DF) - (i >> 1)
    y = lax.bitcast_convert_type(i, jnp.float32)
    for _ in range(3):
        y = y * (1.5 - 0.5 * x * y * y)
    return y


def _make_impl(b_per_w):
    n_chunks = b_per_w // CHUNK
    assert n_chunks % 2 == 0
    mesh = plsc.VectorSubcoreMesh(core_axis_name="c", subcore_axis_name="s")

    @functools.partial(
        pl.kernel,
        out_type=[jax.ShapeDtypeStruct((B,), jnp.float32),
                  jax.ShapeDtypeStruct((2, ROWS, 8), jnp.float32)],
        mesh=mesh,
        compiler_params=pltpu.CompilerParams(
            needs_layout_passes=False, use_tc_tiling_on_sc=False),
        scratch_types=[
            pltpu.VMEM((CHUNK,), jnp.int32),
            pltpu.VMEM((CHUNK,), jnp.int32),
            pltpu.VMEM((CHUNK,), jnp.int32),
            pltpu.VMEM((CHUNK,), jnp.int32),
            pltpu.VMEM((CHUNK,), jnp.int32),
            pltpu.VMEM((CHUNK,), jnp.int32),
            pltpu.VMEM((CHUNK, 8), jnp.float32),
            pltpu.VMEM((CHUNK, 8), jnp.float32),
            pltpu.VMEM((CHUNK,), jnp.float32),
            pltpu.VMEM((CHUNK,), jnp.float32),
            pltpu.VMEM((64,), jnp.float32),
            pltpu.VMEM((16,), jnp.float32),
            pltpu.SemaphoreType.DMA,
            pltpu.SemaphoreType.DMA,
        ],
    )
    def impl(legs_hbm, votes_hbm, ip_hbm, ymain_hbm, ytail_hbm, nmain_hbm,
             ntail_hbm, w_hbm, out_hbm, stbl,
             votes_v0, votes_v1, idx_v0, idx_v1, legs_v0, legs_v1,
             rows_v0, rows_v1, out_v0, out_v1, ip_v, w_v, sem0, sem1):
        info = plsc.get_sparse_core_info()
        nc = info.num_cores
        scid = lax.axis_index("c")
        sid = lax.axis_index("s")
        wid = sid * nc + scid

        votes_b = (votes_v0, votes_v1)
        idx_b = (idx_v0, idx_v1)
        legs_b = (legs_v0, legs_v1)
        rows_b = (rows_v0, rows_v1)
        out_b = (out_v0, out_v1)
        sem_b = (sem0, sem1)

        lanes = lax.iota(jnp.int32, 16)
        zeros = jnp.zeros((16,), jnp.int32)

        def scatter_block(src_v, elems, coff):
            @plsc.parallel_loop(0, elems // 16, unroll=8)
            def body(i):
                s = lanes + i * 16
                blk = s >> 8
                q = s & 255
                c = q >> 7
                k = q & 127
                row = blk * 64 + (k >> 1)
                col = 2 * (k & 1) + c + coff
                plsc.store_scatter(rows_v0, [row, col],
                                   src_v[pl.ds(i * 16, 16)])

        def do_pass(b, p_blocks):
            elems = 256 * p_blocks
            for src_ref, coff in ((ymain_hbm, 0), (nmain_hbm, 4)):
                pltpu.sync_copy(src_ref.at[pl.ds(b * 256, elems)],
                                out_v0.at[pl.ds(0, elems)])
                scatter_block(out_v0, elems, coff)
            pltpu.sync_copy(rows_v0.at[pl.ds(0, 64 * p_blocks), :],
                            stbl.at[scid, pl.ds(b * 64, 64 * p_blocks), :])

        b0 = sid * BLK_W + jnp.minimum(sid, 4)

        def pass_body(p, _):
            do_pass(b0 + p * PASS, PASS)
            return 0

        lax.fori_loop(0, BLK_W // PASS, pass_body, 0)

        @pl.when(sid < 4)
        def _():
            do_pass(b0 + BLK_W, 1)

        @pl.when(sid == 15)
        def _():
            for src_ref, coff in ((ytail_hbm, 0), (ntail_hbm, 4)):
                pltpu.sync_copy(src_ref, out_v0.at[pl.ds(0, 128)])
                for i in range(8):
                    pos = lanes + i * 16
                    row = pos >> 2
                    col = (pos >> 1) % 2 * 2 + (pos & 1) + coff
                    plsc.store_scatter(rows_v0, [row, col],
                                       out_v0[pl.ds(i * 16, 16)])
            pltpu.sync_copy(rows_v0.at[pl.ds(0, 32), :],
                            stbl.at[scid, pl.ds(GBLK * 64, 32), :])

        plsc.subcore_barrier()

        pltpu.sync_copy(w_hbm, w_v)
        pltpu.sync_copy(ip_hbm, ip_v)
        wv = w_v[...]
        w0 = wv.at[zeros].get(mode="promise_in_bounds")
        w1 = wv.at[zeros + 1].get(mode="promise_in_bounds")
        w20 = w0 * w0
        w21 = w1 * w1

        for j in range(2):
            rows = lanes + 16 * j
            i0 = rows * 2
            i1 = i0 + 1
            x0 = plsc.load_gather(ip_v, [i0])
            x1 = plsc.load_gather(ip_v, [i1])
            n2 = x0 * x0 + x1 * x1
            n = n2 * _rsqrt(n2)
            scale = jnp.where(n2 > 1.0, 1.0 / (n + 1e-7), 1.0)
            plsc.store_scatter(ip_v, [i0], x0 * scale)
            plsc.store_scatter(ip_v, [i1], x1 * scale)

        ssc = stbl.at[scid]
        wbase = wid * b_per_w

        def fetch(g, b):
            base = wbase + g * CHUNK
            pltpu.sync_copy(votes_hbm.at[pl.ds(base, CHUNK)], votes_b[b])

            @plsc.parallel_loop(0, CHUNK // 16, unroll=8)
            def shift_body(i):
                k0 = i * 16
                idx_b[b][pl.ds(k0, 16)] = votes_b[b][pl.ds(k0, 16)] >> 1
            pltpu.make_async_copy(ssc.at[idx_b[b]], rows_b[b], sem_b[b]).start()
            pltpu.sync_copy(legs_hbm.at[pl.ds(base, CHUNK)], legs_b[b])

        def compute(g, b):
            pltpu.make_async_copy(ssc.at[idx_b[b]], rows_b[b], sem_b[b]).wait()

            @plsc.parallel_loop(0, CHUNK // 16, unroll=8)
            def group_body(i):
                k0 = i * 16
                v = votes_b[b][pl.ds(k0, 16)]
                p2 = (v & 1) * 2
                lv = legs_b[b][pl.ds(k0, 16)]
                g0 = plsc.load_gather(ip_v, [lv * 2])
                g1 = plsc.load_gather(ip_v, [lv * 2 + 1])
                ridx = lanes + k0
                yp0 = plsc.load_gather(rows_b[b], [ridx, p2])
                yp1 = plsc.load_gather(rows_b[b], [ridx, p2 + 1])
                np0 = plsc.load_gather(rows_b[b], [ridx, p2 + 4])
                np1 = plsc.load_gather(rows_b[b], [ridx, p2 + 5])
                dy0 = g0 - yp0
                dy1 = g1 - yp1
                dn0 = g0 - np0
                dn1 = g1 - np1
                dy = w20 * (dy0 * dy0) + w21 * (dy1 * dy1)
                dn = w20 * (dn0 * dn0) + w21 * (dn1 * dn1)
                out_b[b][pl.ds(k0, 16)] = (jnp.exp(-0.5 * dy)
                                           - jnp.exp(-0.5 * dn))
            pltpu.sync_copy(out_b[b], out_hbm.at[pl.ds(wbase + g * CHUNK,
                                                       CHUNK)])

        fetch(0, 0)

        def loop_body(gg, _):
            for b in range(2):
                g = gg * 2 + b

                @pl.when(g + 1 < n_chunks)
                def _():
                    fetch(g + 1, 1 - b)

                compute(g, b)
            return 0

        lax.fori_loop(0, n_chunks // 2, loop_body, 0)

    return impl


def kernel(legs, votes, ideal_points, yes_points, no_points, w):
    M = GBLK * 128
    ymain = yes_points[:M].reshape(GBLK, 128, 2).transpose(0, 2, 1).reshape(-1)
    nmain = no_points[:M].reshape(GBLK, 128, 2).transpose(0, 2, 1).reshape(-1)
    ytail = yes_points[M:].reshape(-1)
    ntail = no_points[M:].reshape(-1)
    wpad = jnp.pad(w.astype(jnp.float32), (0, 14))
    ip_flat = jnp.reshape(ideal_points.astype(jnp.float32), (-1,))
    info = plsc.get_sparse_core_info()
    nw = info.num_cores * info.num_subcores
    impl = _make_impl(B // nw)
    out, _ = impl(legs.astype(jnp.int32), votes.astype(jnp.int32),
                  ip_flat, ymain, ytail, nmain, ntail, wpad)
    return out

# --- scband reference (transcript-rebuilt; emitter-appended) ---
"""Pipeline reference for scband-wnom-28862180229187 (READ-ONLY COPY).

The authoritative reference and input builder live on the scoring server;
editing this copy changes nothing except your own understanding.
"""

import jax, jax.numpy as jnp
import numpy as np

PRETRAINED = np.array([[0.11,-0.42],[-0.53,0.27],[0.68,0.14],[-0.21,-0.77],[0.35,0.59],[-0.84,0.08],[0.47,-0.63],[-0.09,0.91],[0.73,0.22],[-0.38,-0.55],[0.16,0.84],[-0.67,-0.12],[0.29,-0.88],[-0.51,0.44],[0.92,-0.07],[-0.25,0.66],[0.58,0.31],[-0.79,-0.36],[0.04,-0.71],[-0.44,0.87],[0.61,-0.19],[-0.13,0.52],[0.86,0.41],[-0.62,-0.28],[0.33,0.76],[-0.95,0.17],[0.24,-0.49],[-0.72,0.63],[0.49,0.08],[-0.31,-0.82],[0.77,-0.54],[-0.06,0.37]], dtype=np.float32)

NUM_LEGS = 32
NUM_VOTES = 1000000
K_DIM = 2
B = 3276800

def setup_inputs(seed: int = 0) -> dict:
    key = jax.random.key(seed)
    k1, k2, k3, k4 = jax.random.split(key, 4)
    legs = jax.random.randint(k1, (B,), 0, NUM_LEGS, dtype=jnp.int64 if jax.config.jax_enable_x64 else jnp.int32)
    votes = jax.random.randint(k2, (B,), 0, NUM_VOTES, dtype=jnp.int64 if jax.config.jax_enable_x64 else jnp.int32)
    ideal_points = jnp.asarray(PRETRAINED)
    yes_points = jax.random.uniform(k3, (NUM_VOTES, K_DIM), dtype=jnp.float32)
    no_points = jax.random.uniform(k4, (NUM_VOTES, K_DIM), dtype=jnp.float32)
    w = 5.0 * jnp.ones((K_DIM,), dtype=jnp.float32)
    return {"legs": legs, "votes": votes, "ideal_points": ideal_points, "yes_points": yes_points, "no_points": no_points, "w": w}

def _renorm_rows(rows, max_norm=1.0, eps=1e-7):
    # emulates torch nn.Embedding(max_norm=1.0): rows with norm > max_norm are rescaled to max_norm
    n = jnp.linalg.norm(rows, axis=1, keepdims=True)
    scale = jnp.where(n > max_norm, max_norm / (n + eps), 1.0)
    return rows * scale

def reference(legs, votes, ideal_points, yes_points, no_points, w):
    ip = _renorm_rows(jnp.take(ideal_points, legs, axis=0))
    yp = jnp.take(yes_points, votes, axis=0)
    npts = jnp.take(no_points, votes, axis=0)
    w2 = jnp.square(w)
    distances1 = jnp.sum(jnp.square(ip - yp) * w2, axis=1)
    distances2 = jnp.sum(jnp.square(ip - npts) * w2, axis=1)
    return jnp.exp(-0.5 * distances1) - jnp.exp(-0.5 * distances2)

if __name__ == "__main__":
    import jax
    _d = setup_inputs()
    print(jax.jit(kernel)(*tuple(_d.values())))

</pallas_src>

<mosaic_0001>
#map = affine_map<(d0, d1) -> (0)>
#map1 = affine_map<(d0, d1) -> (0, 0, 0)>
module attributes {stable_mosaic.version = 14 : i64} {
  func.func @impl(%arg0: i32, %arg1: i32, %arg2: memref<3276800xi32, #tpu.memory_space<hbm>>, %arg3: memref<3276800xi32, #tpu.memory_space<hbm>>, %arg4: memref<64xf32, #tpu.memory_space<hbm>>, %arg5: memref<1999872xf32, #tpu.memory_space<hbm>>, %arg6: memref<128xf32, #tpu.memory_space<hbm>>, %arg7: memref<1999872xf32, #tpu.memory_space<hbm>>, %arg8: memref<128xf32, #tpu.memory_space<hbm>>, %arg9: memref<16xf32, #tpu.memory_space<hbm>>, %arg10: memref<3276800xf32, #tpu.memory_space<hbm>>, %arg11: memref<2x500000x8xf32, #tpu.memory_space<hbm>>, %arg12: memref<5120xi32, #tpu.memory_space<vmem>>, %arg13: memref<5120xi32, #tpu.memory_space<vmem>>, %arg14: memref<5120xi32, #tpu.memory_space<vmem>>, %arg15: memref<5120xi32, #tpu.memory_space<vmem>>, %arg16: memref<5120xi32, #tpu.memory_space<vmem>>, %arg17: memref<5120xi32, #tpu.memory_space<vmem>>, %arg18: memref<5120x8xf32, #tpu.memory_space<vmem>>, %arg19: memref<5120x8xf32, #tpu.memory_space<vmem>>, %arg20: memref<5120xf32, #tpu.memory_space<vmem>>, %arg21: memref<5120xf32, #tpu.memory_space<vmem>>, %arg22: memref<64xf32, #tpu.memory_space<vmem>>, %arg23: memref<16xf32, #tpu.memory_space<vmem>>, %arg24: memref<!tpu.dma_semaphore, #tpu.memory_space<semaphore_mem>>, %arg25: memref<!tpu.dma_semaphore, #tpu.memory_space<semaphore_mem>>) attributes {dimension_semantics = [#tpu.dimension_semantics<core_parallel>, #tpu.dimension_semantics<subcore_parallel>], iteration_bounds = array<i64: 2, 16>, scalar_prefetch = 0 : i64, scratch_operands = 14 : i64, tpu.core_type = #tpu.core_type<sc_vector_subcore>, window_params = [{transform_indices = #map}, {transform_indices = #map}, {transform_indices = #map}, {transform_indices = #map}, {transform_indices = #map}, {transform_indices = #map}, {transform_indices = #map}, {transform_indices = #map}, {transform_indices = #map}, {transform_indices = #map1}]} {
    %mul3A = arith.constant 2 : i32
    %mul3A_0 = arith.muli %arg1, %mul3A : i32
    %add3A = arith.addi %mul3A_0, %arg0 : i32
    %iota3A = tpu.iota {dimensions = array<i32: 0>} : vector<16xi32>
    %broadcast_in_dim3A = arith.constant 0 : i32
    %broadcast_in_dim3A_1 = vector.broadcast %broadcast_in_dim3A : i32 to vector<16xi32>
    %mul3A_2 = arith.constant 488 : i32
    %mul3A_3 = arith.muli %arg1, %mul3A_2 : i32
    %min3A = arith.constant 4 : i32
    %min3A_4 = arith.minsi %arg1, %min3A : i32
    %add3A_5 = arith.addi %mul3A_3, %min3A_4 : i32
    %scan3A = arith.constant 0 : i32
    %scan3A_6 = arith.constant 0 : i32
    %scan3A_7 = arith.constant 61 : i32
    %scan3A_8 = arith.addi %scan3A_6, %scan3A_7 : i32
    %scan3A_9 = arith.constant 1 : i32
    %scan3A_10 = scf.for %scan3A_183 = %scan3A_6 to %scan3A_8 step %scan3A_9 iter_args(%scan3A_184 = %scan3A) -> (i32)  : i32 {
      %mul3A_185 = arith.constant 8 : i32
      %mul3A_186 = arith.muli %scan3A_183, %mul3A_185 : i32
      %add3A_187 = arith.addi %add3A_5, %mul3A_186 : i32
      %mul3A_188 = arith.constant 256 : i32
      %mul3A_189 = arith.muli %add3A_187, %mul3A_188 : i32
      "tpu.region"() ({
        %run_scoped3A = tpu.sem_alloc : memref<!tpu.dma_semaphore, #tpu.memory_space<semaphore_mem>>
        %dma_start3A_201 = arith.constant 0 : i32
        %dma_start3A_202 = tpu.memref_slice %arg20[%dma_start3A_201] : memref<5120xf32, #tpu.memory_space<vmem>> -> memref<2048xf32, #tpu.memory_space<vmem>>
        %dma_start3A_203 = tpu.memref_slice %arg5[%mul3A_189] : memref<1999872xf32, #tpu.memory_space<hbm>> -> memref<2048xf32, #tpu.memory_space<hbm>>
        %dma_start3A_204 = arith.constant 0 : i32
        %dma_start3A_205 = tpu.memref_slice %arg20[%dma_start3A_204] : memref<5120xf32, #tpu.memory_space<vmem>> -> memref<2048xf32, #tpu.memory_space<vmem>>
        %dma_start3A_206 = tpu.memref_slice %arg5[%mul3A_189] : memref<1999872xf32, #tpu.memory_space<hbm>> -> memref<2048xf32, #tpu.memory_space<hbm>>
        tpu.enqueue_dma source(%dma_start3A_206 : memref<2048xf32, #tpu.memory_space<hbm>>) target(%dma_start3A_205 : memref<2048xf32, #tpu.memory_space<vmem>>) target_semaphore(%run_scoped3A : memref<!tpu.dma_semaphore, #tpu.memory_space<semaphore_mem>>)
        %dma_wait3A = arith.constant 0 : i32
        %dma_wait3A_207 = tpu.memref_slice %arg20[%dma_wait3A] : memref<5120xf32, #tpu.memory_space<vmem>> -> memref<2048xf32, #tpu.memory_space<vmem>>
        %dma_wait3A_208 = tpu.memref_slice %arg5[%mul3A_189] : memref<1999872xf32, #tpu.memory_space<hbm>> -> memref<2048xf32, #tpu.memory_space<hbm>>
        %dma_wait3A_209 = arith.constant 0 : i32
        %dma_wait3A_210 = tpu.memref_slice %arg20[%dma_wait3A_209] : memref<5120xf32, #tpu.memory_space<vmem>> -> memref<2048xf32, #tpu.memory_space<vmem>>
        %dma_wait3A_211 = tpu.memref_slice %arg5[%mul3A_189] : memref<1999872xf32, #tpu.memory_space<hbm>> -> memref<2048xf32, #tpu.memory_space<hbm>>
        tpu.wait_dma2 semaphore(%run_scoped3A : memref<!tpu.dma_semaphore, #tpu.memory_space<semaphore_mem>>) src(%dma_wait3A_211 : memref<2048xf32, #tpu.memory_space<hbm>>) dst(%dma_wait3A_210 : memref<2048xf32, #tpu.memory_space<vmem>>)
        tpu.yield
      }) : () -> ()
      %parallel_loop3A_190 = arith.constant 0 : i32
      %parallel_loop3A_191 = arith.constant 128 : i32
      %parallel_loop3A_192 = arith.constant 1 : i32
      scf.for %parallel_loop3A_201 = %parallel_loop3A_190 to %parallel_loop3A_191 step %parallel_loop3A_192  : i32 {
        %parallel_loop3A_202 = arith.constant 16 : i32
        %parallel_loop3A_203 = arith.muli %parallel_loop3A_201, %parallel_loop3A_202 : i32
        %parallel_loop3A_204 = vector.broadcast %parallel_loop3A_203 : i32 to vector<16xi32>
        %parallel_loop3A_205 = arith.addi %iota3A, %parallel_loop3A_204 : vector<16xi32>
        %parallel_loop3A_206 = arith.constant 8 : i32
        %parallel_loop3A_207 = vector.broadcast %parallel_loop3A_206 : i32 to vector<16xi32>
        %parallel_loop3A_208 = arith.shrsi %parallel_loop3A_205, %parallel_loop3A_207 : vector<16xi32>
        %parallel_loop3A_209 = arith.constant 255 : i32
        %parallel_loop3A_210 = vector.broadcast %parallel_loop3A_209 : i32 to vector<16xi32>
        %parallel_loop3A_211 = arith.andi %parallel_loop3A_205, %parallel_loop3A_210 : vector<16xi32>
        %parallel_loop3A_212 = arith.constant 7 : i32
        %parallel_loop3A_213 = vector.broadcast %parallel_loop3A_212 : i32 to vector<16xi32>
        %parallel_loop3A_214 = arith.shrsi %parallel_loop3A_211, %parallel_loop3A_213 : vector<16xi32>
        %parallel_loop3A_215 = arith.constant 127 : i32
        %parallel_loop3A_216 = vector.broadcast %parallel_loop3A_215 : i32 to vector<16xi32>
        %parallel_loop3A_217 = arith.andi %parallel_loop3A_211, %parallel_loop3A_216 : vector<16xi32>
        %parallel_loop3A_218 = arith.constant 64 : i32
        %parallel_loop3A_219 = vector.broadcast %parallel_loop3A_218 : i32 to vector<16xi32>
        %parallel_loop3A_220 = arith.muli %parallel_loop3A_208, %parallel_loop3A_219 : vector<16xi32>
        %parallel_loop3A_221 = arith.constant 1 : i32
        %parallel_loop3A_222 = vector.broadcast %parallel_loop3A_221 : i32 to vector<16xi32>
        %parallel_loop3A_223 = arith.shrsi %parallel_loop3A_217, %parallel_loop3A_222 : vector<16xi32>
        %parallel_loop3A_224 = arith.addi %parallel_loop3A_220, %parallel_loop3A_223 : vector<16xi32>
        %parallel_loop3A_225 = arith.constant 1 : i32
        %parallel_loop3A_226 = vector.broadcast %parallel_loop3A_225 : i32 to vector<16xi32>
        %parallel_loop3A_227 = arith.andi %parallel_loop3A_217, %parallel_loop3A_226 : vector<16xi32>
        %parallel_loop3A_228 = arith.constant 2 : i32
        %parallel_loop3A_229 = vector.broadcast %parallel_loop3A_228 : i32 to vector<16xi32>
        %parallel_loop3A_230 = arith.muli %parallel_loop3A_229, %parallel_loop3A_227 : vector<16xi32>
        %parallel_loop3A_231 = arith.addi %parallel_loop3A_230, %parallel_loop3A_214 : vector<16xi32>
        %parallel_loop3A_232 = arith.constant 0 : i32
        %parallel_loop3A_233 = vector.broadcast %parallel_loop3A_232 : i32 to vector<16xi32>
        %parallel_loop3A_234 = arith.addi %parallel_loop3A_231, %parallel_loop3A_233 : vector<16xi32>
        %parallel_loop3A_235 = arith.constant 16 : i32
        %parallel_loop3A_236 = arith.muli %parallel_loop3A_201, %parallel_loop3A_235 : i32
        %parallel_loop3A_237 = arith.index_cast %parallel_loop3A_236 : i32 to index
        %parallel_loop3A_238 = tpu.vector_load %arg20[%parallel_loop3A_237] {strides = array<i32>} : memref<5120xf32, #tpu.memory_space<vmem>>, vector<16xf32>,
        tpu.vector_store_idx %arg18[%parallel_loop3A_224, %parallel_loop3A_234], %parallel_loop3A_238 : memref<5120x8xf32, #tpu.memory_space<vmem>>[vector<16xi32>, vector<16xi32>], vector<16xf32>,
      } {sc.loop_unroll_factor = 8 : i64, sc.parallel_access}
      %mul3A_193 = arith.constant 256 : i32
      %mul3A_194 = arith.muli %add3A_187, %mul3A_193 : i32
      "tpu.region"() ({
        %run_scoped3A = tpu.sem_alloc : memref<!tpu.dma_semaphore, #tpu.memory_space<semaphore_mem>>
        %dma_start3A_201 = arith.constant 0 : i32
        %dma_start3A_202 = tpu.memref_slice %arg20[%dma_start3A_201] : memref<5120xf32, #tpu.memory_space<vmem>> -> memref<2048xf32, #tpu.memory_space<vmem>>
        %dma_start3A_203 = tpu.memref_slice %arg7[%mul3A_194] : memref<1999872xf32, #tpu.memory_space<hbm>> -> memref<2048xf32, #tpu.memory_space<hbm>>
        %dma_start3A_204 = arith.constant 0 : i32
        %dma_start3A_205 = tpu.memref_slice %arg20[%dma_start3A_204] : memref<5120xf32, #tpu.memory_space<vmem>> -> memref<2048xf32, #tpu.memory_space<vmem>>
        %dma_start3A_206 = tpu.memref_slice %arg7[%mul3A_194] : memref<1999872xf32, #tpu.memory_space<hbm>> -> memref<2048xf32, #tpu.memory_space<hbm>>
        tpu.enqueue_dma source(%dma_start3A_206 : memref<2048xf32, #tpu.memory_space<hbm>>) target(%dma_start3A_205 : memref<2048xf32, #tpu.memory_space<vmem>>) target_semaphore(%run_scoped3A : memref<!tpu.dma_semaphore, #tpu.memory_space<semaphore_mem>>)
        %dma_wait3A = arith.constant 0 : i32
        %dma_wait3A_207 = tpu.memref_slice %arg20[%dma_wait3A] : memref<5120xf32, #tpu.memory_space<vmem>> -> memref<2048xf32, #tpu.memory_space<vmem>>
        %dma_wait3A_208 = tpu.memref_slice %arg7[%mul3A_194] : memref<1999872xf32, #tpu.memory_space<hbm>> -> memref<2048xf32, #tpu.memory_space<hbm>>
        %dma_wait3A_209 = arith.constant 0 : i32
        %dma_wait3A_210 = tpu.memref_slice %arg20[%dma_wait3A_209] : memref<5120xf32, #tpu.memory_space<vmem>> -> memref<2048xf32, #tpu.memory_space<vmem>>
        %dma_wait3A_211 = tpu.memref_slice %arg7[%mul3A_194] : memref<1999872xf32, #tpu.memory_space<hbm>> -> memref<2048xf32, #tpu.memory_space<hbm>>
        tpu.wait_dma2 semaphore(%run_scoped3A : memref<!tpu.dma_semaphore, #tpu.memory_space<semaphore_mem>>) src(%dma_wait3A_211 : memref<2048xf32, #tpu.memory_space<hbm>>) dst(%dma_wait3A_210 : memref<2048xf32, #tpu.memory_space<vmem>>)
        tpu.yield
      }) : () -> ()
      %parallel_loop3A_195 = arith.constant 0 : i32
      %parallel_loop3A_196 = arith.constant 128 : i32
      %parallel_loop3A_197 = arith.constant 1 : i32
      scf.for %parallel_loop3A_201 = %parallel_loop3A_195 to %parallel_loop3A_196 step %parallel_loop3A_197  : i32 {
        %parallel_loop3A_202 = arith.constant 16 : i32
        %parallel_loop3A_203 = arith.muli %parallel_loop3A_201, %parallel_loop3A_202 : i32
        %parallel_loop3A_204 = vector.broadcast %parallel_loop3A_203 : i32 to vector<16xi32>
        %parallel_loop3A_205 = arith.addi %iota3A, %parallel_loop3A_204 : vector<16xi32>
        %parallel_loop3A_206 = arith.constant 8 : i32
        %parallel_loop3A_207 = vector.broadcast %parallel_loop3A_206 : i32 to vector<16xi32>
        %parallel_loop3A_208 = arith.shrsi %parallel_loop3A_205, %parallel_loop3A_207 : vector<16xi32>
        %parallel_loop3A_209 = arith.constant 255 : i32
        %parallel_loop3A_210 = vector.broadcast %parallel_loop3A_209 : i32 to vector<16xi32>
        %parallel_loop3A_211 = arith.andi %parallel_loop3A_205, %parallel_loop3A_210 : vector<16xi32>
        %parallel_loop3A_212 = arith.constant 7 : i32
        %parallel_loop3A_213 = vector.broadcast %parallel_loop3A_212 : i32 to vector<16xi32>
        %parallel_loop3A_214 = arith.shrsi %parallel_loop3A_211, %parallel_loop3A_213 : vector<16xi32>
        %parallel_loop3A_215 = arith.constant 127 : i32
        %parallel_loop3A_216 = vector.broadcast %parallel_loop3A_215 : i32 to vector<16xi32>
        %parallel_loop3A_217 = arith.andi %parallel_loop3A_211, %parallel_loop3A_216 : vector<16xi32>
        %parallel_loop3A_218 = arith.constant 64 : i32
        %parallel_loop3A_219 = vector.broadcast %parallel_loop3A_218 : i32 to vector<16xi32>
        %parallel_loop3A_220 = arith.muli %parallel_loop3A_208, %parallel_loop3A_219 : vector<16xi32>
        %parallel_loop3A_221 = arith.constant 1 : i32
        %parallel_loop3A_222 = vector.broadcast %parallel_loop3A_221 : i32 to vector<16xi32>
        %parallel_loop3A_223 = arith.shrsi %parallel_loop3A_217, %parallel_loop3A_222 : vector<16xi32>
        %parallel_loop3A_224 = arith.addi %parallel_loop3A_220, %parallel_loop3A_223 : vector<16xi32>
        %parallel_loop3A_225 = arith.constant 1 : i32
        %parallel_loop3A_226 = vector.broadcast %parallel_loop3A_225 : i32 to vector<16xi32>
        %parallel_loop3A_227 = arith.andi %parallel_loop3A_217, %parallel_loop3A_226 : vector<16xi32>
        %parallel_loop3A_228 = arith.constant 2 : i32
        %parallel_loop3A_229 = vector.broadcast %parallel_loop3A_228 : i32 to vector<16xi32>
        %parallel_loop3A_230 = arith.muli %parallel_loop3A_229, %parallel_loop3A_227 : vector<16xi32>
        %parallel_loop3A_231 = arith.addi %parallel_loop3A_230, %parallel_loop3A_214 : vector<16xi32>
        %parallel_loop3A_232 = arith.constant 4 : i32
        %parallel_loop3A_233 = vector.broadcast %parallel_loop3A_232 : i32 to vector<16xi32>
        %parallel_loop3A_234 = arith.addi %parallel_loop3A_231, %parallel_loop3A_233 : vector<16xi32>
        %parallel_loop3A_235 = arith.constant 16 : i32
        %parallel_loop3A_236 = arith.muli %parallel_loop3A_201, %parallel_loop3A_235 : i32
        %parallel_loop3A_237 = arith.index_cast %parallel_loop3A_236 : i32 to index
        %parallel_loop3A_238 = tpu.vector_load %arg20[%parallel_loop3A_237] {strides = array<i32>} : memref<5120xf32, #tpu.memory_space<vmem>>, vector<16xf32>,
        tpu.vector_store_idx %arg18[%parallel_loop3A_224, %parallel_loop3A_234], %parallel_loop3A_238 : memref<5120x8xf32, #tpu.memory_space<vmem>>[vector<16xi32>, vector<16xi32>], vector<16xf32>,
      } {sc.loop_unroll_factor = 8 : i64, sc.parallel_access}
      %mul3A_198 = arith.constant 64 : i32
      %mul3A_199 = arith.muli %add3A_187, %mul3A_198 : i32
      "tpu.region"() ({
        %run_scoped3A = tpu.sem_alloc : memref<!tpu.dma_semaphore, #tpu.memory_space<semaphore_mem>>
        %dma_start3A_201 = arith.constant 0 : i32
        %dma_start3A_202 = arith.constant 0 : i32
        %dma_start3A_203 = tpu.memref_slice %arg18[%dma_start3A_201, %dma_start3A_202] : memref<5120x8xf32, #tpu.memory_space<vmem>> -> memref<512x8xf32, #tpu.memory_space<vmem>>
        %dma_start3A_204 = arith.constant 0 : i32
        %dma_start3A_205 = tpu.memref_slice %arg11[%arg0, %mul3A_199, %dma_start3A_204] : memref<2x500000x8xf32, #tpu.memory_space<hbm>> -> memref<1x512x8xf32, #tpu.memory_space<hbm>>
        %dma_start3A_206 = tpu.memref_squeeze %dma_start3A_205 : memref<1x512x8xf32, #tpu.memory_space<hbm>> -> memref<512x8xf32, #tpu.memory_space<hbm>>
        %dma_start3A_207 = arith.constant 0 : i32
        %dma_start3A_208 = tpu.memref_slice %arg11[%arg0, %mul3A_199, %dma_start3A_207] : memref<2x500000x8xf32, #tpu.memory_space<hbm>> -> memref<1x512x8xf32, #tpu.memory_space<hbm>>
        %dma_start3A_209 = tpu.memref_squeeze %dma_start3A_208 : memref<1x512x8xf32, #tpu.memory_space<hbm>> -> memref<512x8xf32, #tpu.memory_space<hbm>>
        %dma_start3A_210 = arith.constant 0 : i32
        %dma_start3A_211 = arith.constant 0 : i32
        %dma_start3A_212 = tpu.memref_slice %arg18[%dma_start3A_210, %dma_start3A_211] : memref<5120x8xf32, #tpu.memory_space<vmem>> -> memref<512x8xf32, #tpu.memory_space<vmem>>
        tpu.enqueue_dma source(%dma_start3A_212 : memref<512x8xf32, #tpu.memory_space<vmem>>) target(%dma_start3A_209 : memref<512x8xf32, #tpu.memory_space<hbm>>) target_semaphore(%run_scoped3A : memref<!tpu.dma_semaphore, #tpu.memory_space<semaphore_mem>>)
        %dma_wait3A = arith.constant 0 : i32
        %dma_wait3A_213 = arith.constant 0 : i32
        %dma_wait3A_214 = tpu.memref_slice %arg18[%dma_wait3A, %dma_wait3A_213] : memref<5120x8xf32, #tpu.memory_space<vmem>> -> memref<512x8xf32, #tpu.memory_space<vmem>>
        %dma_wait3A_215 = arith.constant 0 : i32
        %dma_wait3A_216 = tpu.memref_slice %arg11[%arg0, %mul3A_199, %dma_wait3A_215] : memref<2x500000x8xf32, #tpu.memory_space<hbm>> -> memref<1x512x8xf32, #tpu.memory_space<hbm>>
        %dma_wait3A_217 = tpu.memref_squeeze %dma_wait3A_216 : memref<1x512x8xf32, #tpu.memory_space<hbm>> -> memref<512x8xf32, #tpu.memory_space<hbm>>
        %dma_wait3A_218 = arith.constant 0 : i32
        %dma_wait3A_219 = tpu.memref_slice %arg11[%arg0, %mul3A_199, %dma_wait3A_218] : memref<2x500000x8xf32, #tpu.memory_space<hbm>> -> memref<1x512x8xf32, #tpu.memory_space<hbm>>
        %dma_wait3A_220 = tpu.memref_squeeze %dma_wait3A_219 : memref<1x512x8xf32, #tpu.memory_space<hbm>> -> memref<512x8xf32, #tpu.memory_space<hbm>>
        %dma_wait3A_221 = arith.constant 0 : i32
        %dma_wait3A_222 = arith.constant 0 : i32
        %dma_wait3A_223 = tpu.memref_slice %arg18[%dma_wait3A_221, %dma_wait3A_222] : memref<5120x8xf32, #tpu.memory_space<vmem>> -> memref<512x8xf32, #tpu.memory_space<vmem>>
        tpu.wait_dma2 semaphore(%run_scoped3A : memref<!tpu.dma_semaphore, #tpu.memory_space<semaphore_mem>>) src(%dma_wait3A_223 : memref<512x8xf32, #tpu.memory_space<vmem>>) dst(%dma_wait3A_220 : memref<512x8xf32, #tpu.memory_space<hbm>>)
        tpu.yield
      }) : () -> ()
      %scan3A_200 = arith.constant 0 : i32
      scf.yield %scan3A_200 : i32
    }
    %scan3A_11 = arith.constant 61 : i32
    %lt3A = arith.constant 4 : i32
    %lt3A_12 = arith.cmpi slt, %arg1, %lt3A : i32
    %convert_element_type3A = arith.extui %lt3A_12 : i1 to i32
    %cond3A = arith.constant 0 : i32
    %cond3A_13 = arith.cmpi ne, %convert_element_type3A, %cond3A : i32
    scf.if %cond3A_13 {
      %add3A_183 = arith.constant 488 : i32
      %add3A_184 = arith.addi %add3A_5, %add3A_183 : i32
      %mul3A_185 = arith.constant 256 : i32
      %mul3A_186 = arith.muli %add3A_184, %mul3A_185 : i32
      "tpu.region"() ({
        %run_scoped3A = tpu.sem_alloc : memref<!tpu.dma_semaphore, #tpu.memory_space<semaphore_mem>>
        %dma_start3A_197 = arith.constant 0 : i32
        %dma_start3A_198 = tpu.memref_slice %arg20[%dma_start3A_197] : memref<5120xf32, #tpu.memory_space<vmem>> -> memref<256xf32, #tpu.memory_space<vmem>>
        %dma_start3A_199 = tpu.memref_slice %arg5[%mul3A_186] : memref<1999872xf32, #tpu.memory_space<hbm>> -> memref<256xf32, #tpu.memory_space<hbm>>
        %dma_start3A_200 = arith.constant 0 : i32
        %dma_start3A_201 = tpu.memref_slice %arg20[%dma_start3A_200] : memref<5120xf32, #tpu.memory_space<vmem>> -> memref<256xf32, #tpu.memory_space<vmem>>
        %dma_start3A_202 = tpu.memref_slice %arg5[%mul3A_186] : memref<1999872xf32, #tpu.memory_space<hbm>> -> memref<256xf32, #tpu.memory_space<hbm>>
        tpu.enqueue_dma source(%dma_start3A_202 : memref<256xf32, #tpu.memory_space<hbm>>) target(%dma_start3A_201 : memref<256xf32, #tpu.memory_space<vmem>>) target_semaphore(%run_scoped3A : memref<!tpu.dma_semaphore, #tpu.memory_space<semaphore_mem>>)
        %dma_wait3A = arith.constant 0 : i32
        %dma_wait3A_203 = tpu.memref_slice %arg20[%dma_wait3A] : memref<5120xf32, #tpu.memory_space<vmem>> -> memref<256xf32, #tpu.memory_space<vmem>>
        %dma_wait3A_204 = tpu.memref_slice %arg5[%mul3A_186] : memref<1999872xf32, #tpu.memory_space<hbm>> -> memref<256xf32, #tpu.memory_space<hbm>>
        %dma_wait3A_205 = arith.constant 0 : i32
        %dma_wait3A_206 = tpu.memref_slice %arg20[%dma_wait3A_205] : memref<5120xf32, #tpu.memory_space<vmem>> -> memref<256xf32, #tpu.memory_space<vmem>>
        %dma_wait3A_207 = tpu.memref_slice %arg5[%mul3A_186] : memref<1999872xf32, #tpu.memory_space<hbm>> -> memref<256xf32, #tpu.memory_space<hbm>>
        tpu.wait_dma2 semaphore(%run_scoped3A : memref<!tpu.dma_semaphore, #tpu.memory_space<semaphore_mem>>) src(%dma_wait3A_207 : memref<256xf32, #tpu.memory_space<hbm>>) dst(%dma_wait3A_206 : memref<256xf32, #tpu.memory_space<vmem>>)
        tpu.yield
      }) : () -> ()
      %parallel_loop3A_187 = arith.constant 0 : i32
      %parallel_loop3A_188 = arith.constant 16 : i32
      %parallel_loop3A_189 = arith.constant 1 : i32
      scf.for %parallel_loop3A_197 = %parallel_loop3A_187 to %parallel_loop3A_188 step %parallel_loop3A_189  : i32 {
        %parallel_loop3A_198 = arith.constant 16 : i32
        %parallel_loop3A_199 = arith.muli %parallel_loop3A_197, %parallel_loop3A_198 : i32
        %parallel_loop3A_200 = vector.broadcast %parallel_loop3A_199 : i32 to vector<16xi32>
        %parallel_loop3A_201 = arith.addi %iota3A, %parallel_loop3A_200 : vector<16xi32>
        %parallel_loop3A_202 = arith.constant 8 : i32
        %parallel_loop3A_203 = vector.broadcast %parallel_loop3A_202 : i32 to vector<16xi32>
        %parallel_loop3A_204 = arith.shrsi %parallel_loop3A_201, %parallel_loop3A_203 : vector<16xi32>
        %parallel_loop3A_205 = arith.constant 255 : i32
        %parallel_loop3A_206 = vector.broadcast %parallel_loop3A_205 : i32 to vector<16xi32>
        %parallel_loop3A_207 = arith.andi %parallel_loop3A_201, %parallel_loop3A_206 : vector<16xi32>
        %parallel_loop3A_208 = arith.constant 7 : i32
        %parallel_loop3A_209 = vector.broadcast %parallel_loop3A_208 : i32 to vector<16xi32>
        %parallel_loop3A_210 = arith.shrsi %parallel_loop3A_207, %parallel_loop3A_209 : vector<16xi32>
        %parallel_loop3A_211 = arith.constant 127 : i32
        %parallel_loop3A_212 = vector.broadcast %parallel_loop3A_211 : i32 to vector<16xi32>
        %parallel_loop3A_213 = arith.andi %parallel_loop3A_207, %parallel_loop3A_212 : vector<16xi32>
        %parallel_loop3A_214 = arith.constant 64 : i32
        %parallel_loop3A_215 = vector.broadcast %parallel_loop3A_214 : i32 to vector<16xi32>
        %parallel_loop3A_216 = arith.muli %parallel_loop3A_204, %parallel_loop3A_215 : vector<16xi32>
        %parallel_loop3A_217 = arith.constant 1 : i32
        %parallel_loop3A_218 = vector.broadcast %parallel_loop3A_217 : i32 to vector<16xi32>
        %parallel_loop3A_219 = arith.shrsi %parallel_loop3A_213, %parallel_loop3A_218 : vector<16xi32>
        %parallel_loop3A_220 = arith.addi %parallel_loop3A_216, %parallel_loop3A_219 : vector<16xi32>
        %parallel_loop3A_221 = arith.constant 1 : i32
        %parallel_loop3A_222 = vector.broadcast %parallel_loop3A_221 : i32 to vector<16xi32>
        %parallel_loop3A_223 = arith.andi %parallel_loop3A_213, %parallel_loop3A_222 : vector<16xi32>
        %parallel_loop3A_224 = arith.constant 2 : i32
        %parallel_loop3A_225 = vector.broadcast %parallel_loop3A_224 : i32 to vector<16xi32>
        %parallel_loop3A_226 = arith.muli %parallel_loop3A_225, %parallel_loop3A_223 : vector<16xi32>
        %parallel_loop3A_227 = arith.addi %parallel_loop3A_226, %parallel_loop3A_210 : vector<16xi32>
        %parallel_loop3A_228 = arith.constant 0 : i32
        %parallel_loop3A_229 = vector.broadcast %parallel_loop3A_228 : i32 to vector<16xi32>
        %parallel_loop3A_230 = arith.addi %parallel_loop3A_227, %parallel_loop3A_229 : vector<16xi32>
        %parallel_loop3A_231 = arith.constant 16 : i32
        %parallel_loop3A_232 = arith.muli %parallel_loop3A_197, %parallel_loop3A_231 : i32
        %parallel_loop3A_233 = arith.index_cast %parallel_loop3A_232 : i32 to index
        %parallel_loop3A_234 = tpu.vector_load %arg20[%parallel_loop3A_233] {strides = array<i32>} : memref<5120xf32, #tpu.memory_space<vmem>>, vector<16xf32>,
        tpu.vector_store_idx %arg18[%parallel_loop3A_220, %parallel_loop3A_230], %parallel_loop3A_234 : memref<5120x8xf32, #tpu.memory_space<vmem>>[vector<16xi32>, vector<16xi32>], vector<16xf32>,
      } {sc.loop_unroll_factor = 8 : i64, sc.parallel_access}
      %mul3A_190 = arith.constant 256 : i32
      %mul3A_191 = arith.muli %add3A_184, %mul3A_190 : i32
      "tpu.region"() ({
        %run_scoped3A = tpu.sem_alloc : memref<!tpu.dma_semaphore, #tpu.memory_space<semaphore_mem>>
        %dma_start3A_197 = arith.constant 0 : i32
        %dma_start3A_198 = tpu.memref_slice %arg20[%dma_start3A_197] : memref<5120xf32, #tpu.memory_space<vmem>> -> memref<256xf32, #tpu.memory_space<vmem>>
        %dma_start3A_199 = tpu.memref_slice %arg7[%mul3A_191] : memref<1999872xf32, #tpu.memory_space<hbm>> -> memref<256xf32, #tpu.memory_space<hbm>>
        %dma_start3A_200 = arith.constant 0 : i32
        %dma_start3A_201 = tpu.memref_slice %arg20[%dma_start3A_200] : memref<5120xf32, #tpu.memory_space<vmem>> -> memref<256xf32, #tpu.memory_space<vmem>>
        %dma_start3A_202 = tpu.memref_slice %arg7[%mul3A_191] : memref<1999872xf32, #tpu.memory_space<hbm>> -> memref<256xf32, #tpu.memory_space<hbm>>
        tpu.enqueue_dma source(%dma_start3A_202 : memref<256xf32, #tpu.memory_space<hbm>>) target(%dma_start3A_201 : memref<256xf32, #tpu.memory_space<vmem>>) target_semaphore(%run_scoped3A : memref<!tpu.dma_semaphore, #tpu.memory_space<semaphore_mem>>)
        %dma_wait3A = arith.constant 0 : i32
        %dma_wait3A_203 = tpu.memref_slice %arg20[%dma_wait3A] : memref<5120xf32, #tpu.memory_space<vmem>> -> memref<256xf32, #tpu.memory_space<vmem>>
        %dma_wait3A_204 = tpu.memref_slice %arg7[%mul3A_191] : memref<1999872xf32, #tpu.memory_space<hbm>> -> memref<256xf32, #tpu.memory_space<hbm>>
        %dma_wait3A_205 = arith.constant 0 : i32
        %dma_wait3A_206 = tpu.memref_slice %arg20[%dma_wait3A_205] : memref<5120xf32, #tpu.memory_space<vmem>> -> memref<256xf32, #tpu.memory_space<vmem>>
        %dma_wait3A_207 = tpu.memref_slice %arg7[%mul3A_191] : memref<1999872xf32, #tpu.memory_space<hbm>> -> memref<256xf32, #tpu.memory_space<hbm>>
        tpu.wait_dma2 semaphore(%run_scoped3A : memref<!tpu.dma_semaphore, #tpu.memory_space<semaphore_mem>>) src(%dma_wait3A_207 : memref<256xf32, #tpu.memory_space<hbm>>) dst(%dma_wait3A_206 : memref<256xf32, #tpu.memory_space<vmem>>)
        tpu.yield
      }) : () -> ()
      %parallel_loop3A_192 = arith.constant 0 : i32
      %parallel_loop3A_193 = arith.constant 16 : i32
      %parallel_loop3A_194 = arith.constant 1 : i32
      scf.for %parallel_loop3A_197 = %parallel_loop3A_192 to %parallel_loop3A_193 step %parallel_loop3A_194  : i32 {
        %parallel_loop3A_198 = arith.constant 16 : i32
        %parallel_loop3A_199 = arith.muli %parallel_loop3A_197, %parallel_loop3A_198 : i32
        %parallel_loop3A_200 = vector.broadcast %parallel_loop3A_199 : i32 to vector<16xi32>
        %parallel_loop3A_201 = arith.addi %iota3A, %parallel_loop3A_200 : vector<16xi32>
        %parallel_loop3A_202 = arith.constant 8 : i32
        %parallel_loop3A_203 = vector.broadcast %parallel_loop3A_202 : i32 to vector<16xi32>
        %parallel_loop3A_204 = arith.shrsi %parallel_loop3A_201, %parallel_loop3A_203 : vector<16xi32>
        %parallel_loop3A_205 = arith.constant 255 : i32
        %parallel_loop3A_206 = vector.broadcast %parallel_loop3A_205 : i32 to vector<16xi32>
        %parallel_loop3A_207 = arith.andi %parallel_loop3A_201, %parallel_loop3A_206 : vector<16xi32>
        %parallel_loop3A_208 = arith.constant 7 : i32
        %parallel_loop3A_209 = vector.broadcast %parallel_loop3A_208 : i32 to vector<16xi32>
        %parallel_loop3A_210 = arith.shrsi %parallel_loop3A_207, %parallel_loop3A_209 : vector<16xi32>
        %parallel_loop3A_211 = arith.constant 127 : i32
        %parallel_loop3A_212 = vector.broadcast %parallel_loop3A_211 : i32 to vector<16xi32>
        %parallel_loop3A_213 = arith.andi %parallel_loop3A_207, %parallel_loop3A_212 : vector<16xi32>
        %parallel_loop3A_214 = arith.constant 64 : i32
        %parallel_loop3A_215 = vector.broadcast %parallel_loop3A_214 : i32 to vector<16xi32>
        %parallel_loop3A_216 = arith.muli %parallel_loop3A_204, %parallel_loop3A_215 : vector<16xi32>
        %parallel_loop3A_217 = arith.constant 1 : i32
        %parallel_loop3A_218 = vector.broadcast %parallel_loop3A_217 : i32 to vector<16xi32>
        %parallel_loop3A_219 = arith.shrsi %parallel_loop3A_213, %parallel_loop3A_218 : vector<16xi32>
        %parallel_loop3A_220 = arith.addi %parallel_loop3A_216, %parallel_loop3A_219 : vector<16xi32>
        %parallel_loop3A_221 = arith.constant 1 : i32
        %parallel_loop3A_222 = vector.broadcast %parallel_loop3A_221 : i32 to vector<16xi32>
        %parallel_loop3A_223 = arith.andi %parallel_loop3A_213, %parallel_loop3A_222 : vector<16xi32>
        %parallel_loop3A_224 = arith.constant 2 : i32
        %parallel_loop3A_225 = vector.broadcast %parallel_loop3A_224 : i32 to vector<16xi32>
        %parallel_loop3A_226 = arith.muli %parallel_loop3A_225, %parallel_loop3A_223 : vector<16xi32>
        %parallel_loop3A_227 = arith.addi %parallel_loop3A_226, %parallel_loop3A_210 : vector<16xi32>
        %parallel_loop3A_228 = arith.constant 4 : i32
        %parallel_loop3A_229 = vector.broadcast %parallel_loop3A_228 : i32 to vector<16xi32>
        %parallel_loop3A_230 = arith.addi %parallel_loop3A_227, %parallel_loop3A_229 : vector<16xi32>
        %parallel_loop3A_231 = arith.constant 16 : i32
        %parallel_loop3A_232 = arith.muli %parallel_loop3A_197, %parallel_loop3A_231 : i32
        %parallel_loop3A_233 = arith.index_cast %parallel_loop3A_232 : i32 to index
        %parallel_loop3A_234 = tpu.vector_load %arg20[%parallel_loop3A_233] {strides = array<i32>} : memref<5120xf32, #tpu.memory_space<vmem>>, vector<16xf32>,
        tpu.vector_store_idx %arg18[%parallel_loop3A_220, %parallel_loop3A_230], %parallel_loop3A_234 : memref<5120x8xf32, #tpu.memory_space<vmem>>[vector<16xi32>, vector<16xi32>], vector<16xf32>,
      } {sc.loop_unroll_factor = 8 : i64, sc.parallel_access}
      %mul3A_195 = arith.constant 64 : i32
      %mul3A_196 = arith.muli %add3A_184, %mul3A_195 : i32
      "tpu.region"() ({
        %run_scoped3A = tpu.sem_alloc : memref<!tpu.dma_semaphore, #tpu.memory_space<semaphore_mem>>
        %dma_start3A_197 = arith.constant 0 : i32
        %dma_start3A_198 = arith.constant 0 : i32
        %dma_start3A_199 = tpu.memref_slice %arg18[%dma_start3A_197, %dma_start3A_198] : memref<5120x8xf32, #tpu.memory_space<vmem>> -> memref<64x8xf32, #tpu.memory_space<vmem>>
        %dma_start3A_200 = arith.constant 0 : i32
        %dma_start3A_201 = tpu.memref_slice %arg11[%arg0, %mul3A_196, %dma_start3A_200] : memref<2x500000x8xf32, #tpu.memory_space<hbm>> -> memref<1x64x8xf32, #tpu.memory_space<hbm>>
        %dma_start3A_202 = tpu.memref_squeeze %dma_start3A_201 : memref<1x64x8xf32, #tpu.memory_space<hbm>> -> memref<64x8xf32, #tpu.memory_space<hbm>>
        %dma_start3A_203 = arith.constant 0 : i32
        %dma_start3A_204 = tpu.memref_slice %arg11[%arg0, %mul3A_196, %dma_start3A_203] : memref<2x500000x8xf32, #tpu.memory_space<hbm>> -> memref<1x64x8xf32, #tpu.memory_space<hbm>>
        %dma_start3A_205 = tpu.memref_squeeze %dma_start3A_204 : memref<1x64x8xf32, #tpu.memory_space<hbm>> -> memref<64x8xf32, #tpu.memory_space<hbm>>
        %dma_start3A_206 = arith.constant 0 : i32
        %dma_start3A_207 = arith.constant 0 : i32
        %dma_start3A_208 = tpu.memref_slice %arg18[%dma_start3A_206, %dma_start3A_207] : memref<5120x8xf32, #tpu.memory_space<vmem>> -> memref<64x8xf32, #tpu.memory_space<vmem>>
        tpu.enqueue_dma source(%dma_start3A_208 : memref<64x8xf32, #tpu.memory_space<vmem>>) target(%dma_start3A_205 : memref<64x8xf32, #tpu.memory_space<hbm>>) target_semaphore(%run_scoped3A : memref<!tpu.dma_semaphore, #tpu.memory_space<semaphore_mem>>)
        %dma_wait3A = arith.constant 0 : i32
        %dma_wait3A_209 = arith.constant 0 : i32
        %dma_wait3A_210 = tpu.memref_slice %arg18[%dma_wait3A, %dma_wait3A_209] : memref<5120x8xf32, #tpu.memory_space<vmem>> -> memref<64x8xf32, #tpu.memory_space<vmem>>
        %dma_wait3A_211 = arith.constant 0 : i32
        %dma_wait3A_212 = tpu.memref_slice %arg11[%arg0, %mul3A_196, %dma_wait3A_211] : memref<2x500000x8xf32, #tpu.memory_space<hbm>> -> memref<1x64x8xf32, #tpu.memory_space<hbm>>
        %dma_wait3A_213 = tpu.memref_squeeze %dma_wait3A_212 : memref<1x64x8xf32, #tpu.memory_space<hbm>> -> memref<64x8xf32, #tpu.memory_space<hbm>>
        %dma_wait3A_214 = arith.constant 0 : i32
        %dma_wait3A_215 = tpu.memref_slice %arg11[%arg0, %mul3A_196, %dma_wait3A_214] : memref<2x500000x8xf32, #tpu.memory_space<hbm>> -> memref<1x64x8xf32, #tpu.memory_space<hbm>>
        %dma_wait3A_216 = tpu.memref_squeeze %dma_wait3A_215 : memref<1x64x8xf32, #tpu.memory_space<hbm>> -> memref<64x8xf32, #tpu.memory_space<hbm>>
        %dma_wait3A_217 = arith.constant 0 : i32
        %dma_wait3A_218 = arith.constant 0 : i32
        %dma_wait3A_219 = tpu.memref_slice %arg18[%dma_wait3A_217, %dma_wait3A_218] : memref<5120x8xf32, #tpu.memory_space<vmem>> -> memref<64x8xf32, #tpu.memory_space<vmem>>
        tpu.wait_dma2 semaphore(%run_scoped3A : memref<!tpu.dma_semaphore, #tpu.memory_space<semaphore_mem>>) src(%dma_wait3A_219 : memref<64x8xf32, #tpu.memory_space<vmem>>) dst(%dma_wait3A_216 : memref<64x8xf32, #tpu.memory_space<hbm>>)
        tpu.yield
      }) : () -> ()
    } else {
    }
    %eq3A = arith.constant 15 : i32
    %eq3A_14 = arith.cmpi eq, %arg1, %eq3A : i32
    %convert_element_type3A_15 = arith.extui %eq3A_14 : i1 to i32
    %cond3A_16 = arith.constant 0 : i32
    %cond3A_17 = arith.cmpi ne, %convert_element_type3A_15, %cond3A_16 : i32
    scf.if %cond3A_17 {
      "tpu.region"() ({
        %run_scoped3A = tpu.sem_alloc : memref<!tpu.dma_semaphore, #tpu.memory_space<semaphore_mem>>
        %dma_start3A_868 = arith.constant 0 : i32
        %dma_start3A_869 = tpu.memref_slice %arg20[%dma_start3A_868] : memref<5120xf32, #tpu.memory_space<vmem>> -> memref<128xf32, #tpu.memory_space<vmem>>
        %dma_start3A_870 = arith.constant 0 : i32
        %dma_start3A_871 = tpu.memref_slice %arg20[%dma_start3A_870] : memref<5120xf32, #tpu.memory_space<vmem>> -> memref<128xf32, #tpu.memory_space<vmem>>
        tpu.enqueue_dma source(%arg6 : memref<128xf32, #tpu.memory_space<hbm>>) target(%dma_start3A_871 : memref<128xf32, #tpu.memory_space<vmem>>) target_semaphore(%run_scoped3A : memref<!tpu.dma_semaphore, #tpu.memory_space<semaphore_mem>>)
        %dma_wait3A = arith.constant 0 : i32
        %dma_wait3A_872 = tpu.memref_slice %arg20[%dma_wait3A] : memref<5120xf32, #tpu.memory_space<vmem>> -> memref<128xf32, #tpu.memory_space<vmem>>
        %dma_wait3A_873 = arith.constant 0 : i32
        %dma_wait3A_874 = tpu.memref_slice %arg20[%dma_wait3A_873] : memref<5120xf32, #tpu.memory_space<vmem>> -> memref<128xf32, #tpu.memory_space<vmem>>
        tpu.wait_dma2 semaphore(%run_scoped3A : memref<!tpu.dma_semaphore, #tpu.memory_space<semaphore_mem>>) src(%arg6 : memref<128xf32, #tpu.memory_space<hbm>>) dst(%dma_wait3A_874 : memref<128xf32, #tpu.memory_space<vmem>>)
        tpu.yield
      }) : () -> ()
      %add3A_183 = arith.constant 0 : i32
      %add3A_184 = vector.broadcast %add3A_183 : i32 to vector<16xi32>
      %add3A_185 = arith.addi %iota3A, %add3A_184 : vector<16xi32>
      %shift_right_arithmetic3A_186 = arith.constant 2 : i32
      %shift_right_arithmetic3A_187 = vector.broadcast %shift_right_arithmetic3A_186 : i32 to vector<16xi32>
      %shift_right_arithmetic3A_188 = arith.shrsi %add3A_185, %shift_right_arithmetic3A_187 : vector<16xi32>
      %shift_right_arithmetic3A_189 = arith.constant 1 : i32
      %shift_right_arithmetic3A_190 = vector.broadcast %shift_right_arithmetic3A_189 : i32 to vector<16xi32>
      %shift_right_arithmetic3A_191 = arith.shrsi %add3A_185, %shift_right_arithmetic3A_190 : vector<16xi32>
      %jit3A_192 = arith.constant 2 : i32
      %eq3A_193 = arith.constant 0 : i32
      %eq3A_194 = arith.cmpi eq, %jit3A_192, %eq3A_193 : i32
      %jit3A_195 = arith.constant 1 : i32
      %select_n3A_196 = arith.select %eq3A_194, %jit3A_195, %jit3A_192 : i32
      %rem3A = vector.broadcast %select_n3A_196 : i32 to vector<16xi32>
      %rem3A_197 = arith.remsi %shift_right_arithmetic3A_191, %rem3A : vector<16xi32>
      %ne3A = arith.constant 0 : i32
      %ne3A_198 = vector.broadcast %ne3A : i32 to vector<16xi32>
      %ne3A_199 = arith.cmpi ne, %rem3A_197, %ne3A_198 : vector<16xi32>
      %lt3A_200 = arith.constant 0 : i32
      %lt3A_201 = vector.broadcast %lt3A_200 : i32 to vector<16xi32>
      %lt3A_202 = arith.cmpi slt, %rem3A_197, %lt3A_201 : vector<16xi32>
      %lt3A_203 = arith.constant 0 : i32
      %lt3A_204 = arith.cmpi slt, %select_n3A_196, %lt3A_203 : i32
      %ne3A_205 = vector.broadcast %lt3A_204 : i1 to vector<16xi1>
      %ne3A_206 = vector.broadcast %ne3A_205 : vector<16xi1> to vector<16xi1>
      %ne3A_207 = arith.xori %lt3A_202, %ne3A_206 : vector<16xi1>
      %and3A = arith.andi %ne3A_207, %ne3A_199 : vector<16xi1>
      %add3A_208 = vector.broadcast %select_n3A_196 : i32 to vector<16xi32>
      %add3A_209 = arith.addi %rem3A_197, %add3A_208 : vector<16xi32>
      %select_n3A_210 = arith.select %and3A, %add3A_209, %rem3A_197 : vector<16xi1>, vector<16xi32>
      %mul3A_211 = arith.constant 2 : i32
      %mul3A_212 = vector.broadcast %mul3A_211 : i32 to vector<16xi32>
      %mul3A_213 = arith.muli %select_n3A_210, %mul3A_212 : vector<16xi32>
      %and3A_214 = arith.constant 1 : i32
      %and3A_215 = vector.broadcast %and3A_214 : i32 to vector<16xi32>
      %and3A_216 = arith.andi %add3A_185, %and3A_215 : vector<16xi32>
      %add3A_217 = arith.addi %mul3A_213, %and3A_216 : vector<16xi32>
      %add3A_218 = arith.constant 0 : i32
      %add3A_219 = vector.broadcast %add3A_218 : i32 to vector<16xi32>
      %add3A_220 = arith.addi %add3A_217, %add3A_219 : vector<16xi32>
      %get3A_221 = arith.constant 0 : index
      %get3A_222 = tpu.vector_load %arg20[%get3A_221] {strides = array<i32>} : memref<5120xf32, #tpu.memory_space<vmem>>, vector<16xf32>,
      tpu.vector_store_idx %arg18[%shift_right_arithmetic3A_188, %add3A_220], %get3A_222 : memref<5120x8xf32, #tpu.memory_space<vmem>>[vector<16xi32>, vector<16xi32>], vector<16xf32>,
      %add3A_223 = arith.constant 16 : i32
      %add3A_224 = vector.broadcast %add3A_223 : i32 to vector<16xi32>
      %add3A_225 = arith.addi %iota3A, %add3A_224 : vector<16xi32>
      %shift_right_arithmetic3A_226 = arith.constant 2 : i32
      %shift_right_arithmetic3A_227 = vector.broadcast %shift_right_arithmetic3A_226 : i32 to vector<16xi32>
      %shift_right_arithmetic3A_228 = arith.shrsi %add3A_225, %shift_right_arithmetic3A_227 : vector<16xi32>
      %shift_right_arithmetic3A_229 = arith.constant 1 : i32
      %shift_right_arithmetic3A_230 = vector.broadcast %shift_right_arithmetic3A_229 : i32 to vector<16xi32>
      %shift_right_arithmetic3A_231 = arith.shrsi %add3A_225, %shift_right_arithmetic3A_230 : vector<16xi32>
      %jit3A_232 = arith.constant 2 : i32
      %eq3A_233 = arith.constant 0 : i32
      %eq3A_234 = arith.cmpi eq, %jit3A_232, %eq3A_233 : i32
      %jit3A_235 = arith.constant 1 : i32
      %select_n3A_236 = arith.select %eq3A_234, %jit3A_235, %jit3A_232 : i32
      %rem3A_237 = vector.broadcast %select_n3A_236 : i32 to vector<16xi32>
      %rem3A_238 = arith.remsi %shift_right_arithmetic3A_231, %rem3A_237 : vector<16xi32>
      %ne3A_239 = arith.constant 0 : i32
      %ne3A_240 = vector.broadcast %ne3A_239 : i32 to vector<16xi32>
      %ne3A_241 = arith.cmpi ne, %rem3A_238, %ne3A_240 : vector<16xi32>
      %lt3A_242 = arith.constant 0 : i32
      %lt3A_243 = vector.broadcast %lt3A_242 : i32 to vector<16xi32>
      %lt3A_244 = arith.cmpi slt, %rem3A_238, %lt3A_243 : vector<16xi32>
      %lt3A_245 = arith.constant 0 : i32
      %lt3A_246 = arith.cmpi slt, %select_n3A_236, %lt3A_245 : i32
      %ne3A_247 = vector.broadcast %lt3A_246 : i1 to vector<16xi1>
      %ne3A_248 = vector.broadcast %ne3A_247 : vector<16xi1> to vector<16xi1>
      %ne3A_249 = arith.xori %lt3A_244, %ne3A_248 : vector<16xi1>
      %and3A_250 = arith.andi %ne3A_249, %ne3A_241 : vector<16xi1>
      %add3A_251 = vector.broadcast %select_n3A_236 : i32 to vector<16xi32>
      %add3A_252 = arith.addi %rem3A_238, %add3A_251 : vector<16xi32>
      %select_n3A_253 = arith.select %and3A_250, %add3A_252, %rem3A_238 : vector<16xi1>, vector<16xi32>
      %mul3A_254 = arith.constant 2 : i32
      %mul3A_255 = vector.broadcast %mul3A_254 : i32 to vector<16xi32>
      %mul3A_256 = arith.muli %select_n3A_253, %mul3A_255 : vector<16xi32>
      %and3A_257 = arith.constant 1 : i32
      %and3A_258 = vector.broadcast %and3A_257 : i32 to vector<16xi32>
      %and3A_259 = arith.andi %add3A_225, %and3A_258 : vector<16xi32>
      %add3A_260 = arith.addi %mul3A_256, %and3A_259 : vector<16xi32>
      %add3A_261 = arith.constant 0 : i32
      %add3A_262 = vector.broadcast %add3A_261 : i32 to vector<16xi32>
      %add3A_263 = arith.addi %add3A_260, %add3A_262 : vector<16xi32>
      %get3A_264 = arith.constant 16 : index
      %get3A_265 = tpu.vector_load %arg20[%get3A_264] {strides = array<i32>} : memref<5120xf32, #tpu.memory_space<vmem>>, vector<16xf32>,
      tpu.vector_store_idx %arg18[%shift_right_arithmetic3A_228, %add3A_263], %get3A_265 : memref<5120x8xf32, #tpu.memory_space<vmem>>[vector<16xi32>, vector<16xi32>], vector<16xf32>,
      %add3A_266 = arith.constant 32 : i32
      %add3A_267 = vector.broadcast %add3A_266 : i32 to vector<16xi32>
      %add3A_268 = arith.addi %iota3A, %add3A_267 : vector<16xi32>
      %shift_right_arithmetic3A_269 = arith.constant 2 : i32
      %shift_right_arithmetic3A_270 = vector.broadcast %shift_right_arithmetic3A_269 : i32 to vector<16xi32>
      %shift_right_arithmetic3A_271 = arith.shrsi %add3A_268, %shift_right_arithmetic3A_270 : vector<16xi32>
      %shift_right_arithmetic3A_272 = arith.constant 1 : i32
      %shift_right_arithmetic3A_273 = vector.broadcast %shift_right_arithmetic3A_272 : i32 to vector<16xi32>
      %shift_right_arithmetic3A_274 = arith.shrsi %add3A_268, %shift_right_arithmetic3A_273 : vector<16xi32>
      %jit3A_275 = arith.constant 2 : i32
      %eq3A_276 = arith.constant 0 : i32
      %eq3A_277 = arith.cmpi eq, %jit3A_275, %eq3A_276 : i32
      %jit3A_278 = arith.constant 1 : i32
      %select_n3A_279 = arith.select %eq3A_277, %jit3A_278, %jit3A_275 : i32
      %rem3A_280 = vector.broadcast %select_n3A_279 : i32 to vector<16xi32>
      %rem3A_281 = arith.remsi %shift_right_arithmetic3A_274, %rem3A_280 : vector<16xi32>
      %ne3A_282 = arith.constant 0 : i32
      %ne3A_283 = vector.broadcast %ne3A_282 : i32 to vector<16xi32>
      %ne3A_284 = arith.cmpi ne, %rem3A_281, %ne3A_283 : vector<16xi32>
      %lt3A_285 = arith.constant 0 : i32
      %lt3A_286 = vector.broadcast %lt3A_285 : i32 to vector<16xi32>
      %lt3A_287 = arith.cmpi slt, %rem3A_281, %lt3A_286 : vector<16xi32>
      %lt3A_288 = arith.constant 0 : i32
      %lt3A_289 = arith.cmpi slt, %select_n3A_279, %lt3A_288 : i32
      %ne3A_290 = vector.broadcast %lt3A_289 : i1 to vector<16xi1>
      %ne3A_291 = vector.broadcast %ne3A_290 : vector<16xi1> to vector<16xi1>
      %ne3A_292 = arith.xori %lt3A_287, %ne3A_291 : vector<16xi1>
      %and3A_293 = arith.andi %ne3A_292, %ne3A_284 : vector<16xi1>
      %add3A_294 = vector.broadcast %select_n3A_279 : i32 to vector<16xi32>
      %add3A_295 = arith.addi %rem3A_281, %add3A_294 : vector<16xi32>
      %select_n3A_296 = arith.select %and3A_293, %add3A_295, %rem3A_281 : vector<16xi1>, vector<16xi32>
      %mul3A_297 = arith.constant 2 : i32
      %mul3A_298 = vector.broadcast %mul3A_297 : i32 to vector<16xi32>
      %mul3A_299 = arith.muli %select_n3A_296, %mul3A_298 : vector<16xi32>
      %and3A_300 = arith.constant 1 : i32
      %and3A_301 = vector.broadcast %and3A_300 : i32 to vector<16xi32>
      %and3A_302 = arith.andi %add3A_268, %and3A_301 : vector<16xi32>
      %add3A_303 = arith.addi %mul3A_299, %and3A_302 : vector<16xi32>
      %add3A_304 = arith.constant 0 : i32
      %add3A_305 = vector.broadcast %add3A_304 : i32 to vector<16xi32>
      %add3A_306 = arith.addi %add3A_303, %add3A_305 : vector<16xi32>
      %get3A_307 = arith.constant 32 : index
      %get3A_308 = tpu.vector_load %arg20[%get3A_307] {strides = array<i32>} : memref<5120xf32, #tpu.memory_space<vmem>>, vector<16xf32>,
      tpu.vector_store_idx %arg18[%shift_right_arithmetic3A_271, %add3A_306], %get3A_308 : memref<5120x8xf32, #tpu.memory_space<vmem>>[vector<16xi32>, vector<16xi32>], vector<16xf32>,
      %add3A_309 = arith.constant 48 : i32
      %add3A_310 = vector.broadcast %add3A_309 : i32 to vector<16xi32>
      %add3A_311 = arith.addi %iota3A, %add3A_310 : vector<16xi32>
      %shift_right_arithmetic3A_312 = arith.constant 2 : i32
      %shift_right_arithmetic3A_313 = vector.broadcast %shift_right_arithmetic3A_312 : i32 to vector<16xi32>
      %shift_right_arithmetic3A_314 = arith.shrsi %add3A_311, %shift_right_arithmetic3A_313 : vector<16xi32>
      %shift_right_arithmetic3A_315 = arith.constant 1 : i32
      %shift_right_arithmetic3A_316 = vector.broadcast %shift_right_arithmetic3A_315 : i32 to vector<16xi32>
      %shift_right_arithmetic3A_317 = arith.shrsi %add3A_311, %shift_right_arithmetic3A_316 : vector<16xi32>
      %jit3A_318 = arith.constant 2 : i32
      %eq3A_319 = arith.constant 0 : i32
      %eq3A_320 = arith.cmpi eq, %jit3A_318, %eq3A_319 : i32
      %jit3A_321 = arith.constant 1 : i32
      %select_n3A_322 = arith.select %eq3A_320, %jit3A_321, %jit3A_318 : i32
      %rem3A_323 = vector.broadcast %select_n3A_322 : i32 to vector<16xi32>
      %rem3A_324 = arith.remsi %shift_right_arithmetic3A_317, %rem3A_323 : vector<16xi32>
      %ne3A_325 = arith.constant 0 : i32
      %ne3A_326 = vector.broadcast %ne3A_325 : i32 to vector<16xi32>
      %ne3A_327 = arith.cmpi ne, %rem3A_324, %ne3A_326 : vector<16xi32>
      %lt3A_328 = arith.constant 0 : i32
      %lt3A_329 = vector.broadcast %lt3A_328 : i32 to vector<16xi32>
      %lt3A_330 = arith.cmpi slt, %rem3A_324, %lt3A_329 : vector<16xi32>
      %lt3A_331 = arith.constant 0 : i32
      %lt3A_332 = arith.cmpi slt, %select_n3A_322, %lt3A_331 : i32
      %ne3A_333 = vector.broadcast %lt3A_332 : i1 to vector<16xi1>
      %ne3A_334 = vector.broadcast %ne3A_333 : vector<16xi1> to vector<16xi1>
      %ne3A_335 = arith.xori %lt3A_330, %ne3A_334 : vector<16xi1>
      %and3A_336 = arith.andi %ne3A_335, %ne3A_327 : vector<16xi1>
      %add3A_337 = vector.broadcast %select_n3A_322 : i32 to vector<16xi32>
      %add3A_338 = arith.addi %rem3A_324, %add3A_337 : vector<16xi32>
      %select_n3A_339 = arith.select %and3A_336, %add3A_338, %rem3A_324 : vector<16xi1>, vector<16xi32>
      %mul3A_340 = arith.constant 2 : i32
      %mul3A_341 = vector.broadcast %mul3A_340 : i32 to vector<16xi32>
      %mul3A_342 = arith.muli %select_n3A_339, %mul3A_341 : vector<16xi32>
      %and3A_343 = arith.constant 1 : i32
      %and3A_344 = vector.broadcast %and3A_343 : i32 to vector<16xi32>
      %and3A_345 = arith.andi %add3A_311, %and3A_344 : vector<16xi32>
      %add3A_346 = arith.addi %mul3A_342, %and3A_345 : vector<16xi32>
      %add3A_347 = arith.constant 0 : i32
      %add3A_348 = vector.broadcast %add3A_347 : i32 to vector<16xi32>
      %add3A_349 = arith.addi %add3A_346, %add3A_348 : vector<16xi32>
      %get3A_350 = arith.constant 48 : index
      %get3A_351 = tpu.vector_load %arg20[%get3A_350] {strides = array<i32>} : memref<5120xf32, #tpu.memory_space<vmem>>, vector<16xf32>,
      tpu.vector_store_idx %arg18[%shift_right_arithmetic3A_314, %add3A_349], %get3A_351 : memref<5120x8xf32, #tpu.memory_space<vmem>>[vector<16xi32>, vector<16xi32>], vector<16xf32>,
      %add3A_352 = arith.constant 64 : i32
      %add3A_353 = vector.broadcast %add3A_352 : i32 to vector<16xi32>
      %add3A_354 = arith.addi %iota3A, %add3A_353 : vector<16xi32>
      %shift_right_arithmetic3A_355 = arith.constant 2 : i32
      %shift_right_arithmetic3A_356 = vector.broadcast %shift_right_arithmetic3A_355 : i32 to vector<16xi32>
      %shift_right_arithmetic3A_357 = arith.shrsi %add3A_354, %shift_right_arithmetic3A_356 : vector<16xi32>
      %shift_right_arithmetic3A_358 = arith.constant 1 : i32
      %shift_right_arithmetic3A_359 = vector.broadcast %shift_right_arithmetic3A_358 : i32 to vector<16xi32>
      %shift_right_arithmetic3A_360 = arith.shrsi %add3A_354, %shift_right_arithmetic3A_359 : vector<16xi32>
      %jit3A_361 = arith.constant 2 : i32
      %eq3A_362 = arith.constant 0 : i32
      %eq3A_363 = arith.cmpi eq, %jit3A_361, %eq3A_362 : i32
      %jit3A_364 = arith.constant 1 : i32
      %select_n3A_365 = arith.select %eq3A_363, %jit3A_364, %jit3A_361 : i32
      %rem3A_366 = vector.broadcast %select_n3A_365 : i32 to vector<16xi32>
      %rem3A_367 = arith.remsi %shift_right_arithmetic3A_360, %rem3A_366 : vector<16xi32>
      %ne3A_368 = arith.constant 0 : i32
      %ne3A_369 = vector.broadcast %ne3A_368 : i32 to vector<16xi32>
      %ne3A_370 = arith.cmpi ne, %rem3A_367, %ne3A_369 : vector<16xi32>
      %lt3A_371 = arith.constant 0 : i32
      %lt3A_372 = vector.broadcast %lt3A_371 : i32 to vector<16xi32>
      %lt3A_373 = arith.cmpi slt, %rem3A_367, %lt3A_372 : vector<16xi32>
      %lt3A_374 = arith.constant 0 : i32
      %lt3A_375 = arith.cmpi slt, %select_n3A_365, %lt3A_374 : i32
      %ne3A_376 = vector.broadcast %lt3A_375 : i1 to vector<16xi1>
      %ne3A_377 = vector.broadcast %ne3A_376 : vector<16xi1> to vector<16xi1>
      %ne3A_378 = arith.xori %lt3A_373, %ne3A_377 : vector<16xi1>
      %and3A_379 = arith.andi %ne3A_378, %ne3A_370 : vector<16xi1>
      %add3A_380 = vector.broadcast %select_n3A_365 : i32 to vector<16xi32>
      %add3A_381 = arith.addi %rem3A_367, %add3A_380 : vector<16xi32>
      %select_n3A_382 = arith.select %and3A_379, %add3A_381, %rem3A_367 : vector<16xi1>, vector<16xi32>
      %mul3A_383 = arith.constant 2 : i32
      %mul3A_384 = vector.broadcast %mul3A_383 : i32 to vector<16xi32>
      %mul3A_385 = arith.muli %select_n3A_382, %mul3A_384 : vector<16xi32>
      %and3A_386 = arith.constant 1 : i32
      %and3A_387 = vector.broadcast %and3A_386 : i32 to vector<16xi32>
      %and3A_388 = arith.andi %add3A_354, %and3A_387 : vector<16xi32>
      %add3A_389 = arith.addi %mul3A_385, %and3A_388 : vector<16xi32>
      %add3A_390 = arith.constant 0 : i32
      %add3A_391 = vector.broadcast %add3A_390 : i32 to vector<16xi32>
      %add3A_392 = arith.addi %add3A_389, %add3A_391 : vector<16xi32>
      %get3A_393 = arith.constant 64 : index
      %get3A_394 = tpu.vector_load %arg20[%get3A_393] {strides = array<i32>} : memref<5120xf32, #tpu.memory_space<vmem>>, vector<16xf32>,
      tpu.vector_store_idx %arg18[%shift_right_arithmetic3A_357, %add3A_392], %get3A_394 : memref<5120x8xf32, #tpu.memory_space<vmem>>[vector<16xi32>, vector<16xi32>], vector<16xf32>,
      %add3A_395 = arith.constant 80 : i32
      %add3A_396 = vector.broadcast %add3A_395 : i32 to vector<16xi32>
      %add3A_397 = arith.addi %iota3A, %add3A_396 : vector<16xi32>
      %shift_right_arithmetic3A_398 = arith.constant 2 : i32
      %shift_right_arithmetic3A_399 = vector.broadcast %shift_right_arithmetic3A_398 : i32 to vector<16xi32>
      %shift_right_arithmetic3A_400 = arith.shrsi %add3A_397, %shift_right_arithmetic3A_399 : vector<16xi32>
      %shift_right_arithmetic3A_401 = arith.constant 1 : i32
      %shift_right_arithmetic3A_402 = vector.broadcast %shift_right_arithmetic3A_401 : i32 to vector<16xi32>
      %shift_right_arithmetic3A_403 = arith.shrsi %add3A_397, %shift_right_arithmetic3A_402 : vector<16xi32>
      %jit3A_404 = arith.constant 2 : i32
      %eq3A_405 = arith.constant 0 : i32
      %eq3A_406 = arith.cmpi eq, %jit3A_404, %eq3A_405 : i32
      %jit3A_407 = arith.constant 1 : i32
      %select_n3A_408 = arith.select %eq3A_406, %jit3A_407, %jit3A_404 : i32
      %rem3A_409 = vector.broadcast %select_n3A_408 : i32 to vector<16xi32>
      %rem3A_410 = arith.remsi %shift_right_arithmetic3A_403, %rem3A_409 : vector<16xi32>
      %ne3A_411 = arith.constant 0 : i32
      %ne3A_412 = vector.broadcast %ne3A_411 : i32 to vector<16xi32>
      %ne3A_413 = arith.cmpi ne, %rem3A_410, %ne3A_412 : vector<16xi32>
      %lt3A_414 = arith.constant 0 : i32
      %lt3A_415 = vector.broadcast %lt3A_414 : i32 to vector<16xi32>
      %lt3A_416 = arith.cmpi slt, %rem3A_410, %lt3A_415 : vector<16xi32>
      %lt3A_417 = arith.constant 0 : i32
      %lt3A_418 = arith.cmpi slt, %select_n3A_408, %lt3A_417 : i32
      %ne3A_419 = vector.broadcast %lt3A_418 : i1 to vector<16xi1>
      %ne3A_420 = vector.broadcast %ne3A_419 : vector<16xi1> to vector<16xi1>
      %ne3A_421 = arith.xori %lt3A_416, %ne3A_420 : vector<16xi1>
      %and3A_422 = arith.andi %ne3A_421, %ne3A_413 : vector<16xi1>
      %add3A_423 = vector.broadcast %select_n3A_408 : i32 to vector<16xi32>
      %add3A_424 = arith.addi %rem3A_410, %add3A_423 : vector<16xi32>
      %select_n3A_425 = arith.select %and3A_422, %add3A_424, %rem3A_410 : vector<16xi1>, vector<16xi32>
      %mul3A_426 = arith.constant 2 : i32
      %mul3A_427 = vector.broadcast %mul3A_426 : i32 to vector<16xi32>
      %mul3A_428 = arith.muli %select_n3A_425, %mul3A_427 : vector<16xi32>
      %and3A_429 = arith.constant 1 : i32
      %and3A_430 = vector.broadcast %and3A_429 : i32 to vector<16xi32>
      %and3A_431 = arith.andi %add3A_397, %and3A_430 : vector<16xi32>
      %add3A_432 = arith.addi %mul3A_428, %and3A_431 : vector<16xi32>
      %add3A_433 = arith.constant 0 : i32
      %add3A_434 = vector.broadcast %add3A_433 : i32 to vector<16xi32>
      %add3A_435 = arith.addi %add3A_432, %add3A_434 : vector<16xi32>
      %get3A_436 = arith.constant 80 : index
      %get3A_437 = tpu.vector_load %arg20[%get3A_436] {strides = array<i32>} : memref<5120xf32, #tpu.memory_space<vmem>>, vector<16xf32>,
      tpu.vector_store_idx %arg18[%shift_right_arithmetic3A_400, %add3A_435], %get3A_437 : memref<5120x8xf32, #tpu.memory_space<vmem>>[vector<16xi32>, vector<16xi32>], vector<16xf32>,
      %add3A_438 = arith.constant 96 : i32
      %add3A_439 = vector.broadcast %add3A_438 : i32 to vector<16xi32>
      %add3A_440 = arith.addi %iota3A, %add3A_439 : vector<16xi32>
      %shift_right_arithmetic3A_441 = arith.constant 2 : i32
      %shift_right_arithmetic3A_442 = vector.broadcast %shift_right_arithmetic3A_441 : i32 to vector<16xi32>
      %shift_right_arithmetic3A_443 = arith.shrsi %add3A_440, %shift_right_arithmetic3A_442 : vector<16xi32>
      %shift_right_arithmetic3A_444 = arith.constant 1 : i32
      %shift_right_arithmetic3A_445 = vector.broadcast %shift_right_arithmetic3A_444 : i32 to vector<16xi32>
      %shift_right_arithmetic3A_446 = arith.shrsi %add3A_440, %shift_right_arithmetic3A_445 : vector<16xi32>
      %jit3A_447 = arith.constant 2 : i32
      %eq3A_448 = arith.constant 0 : i32
      %eq3A_449 = arith.cmpi eq, %jit3A_447, %eq3A_448 : i32
      %jit3A_450 = arith.constant 1 : i32
      %select_n3A_451 = arith.select %eq3A_449, %jit3A_450, %jit3A_447 : i32
      %rem3A_452 = vector.broadcast %select_n3A_451 : i32 to vector<16xi32>
      %rem3A_453 = arith.remsi %shift_right_arithmetic3A_446, %rem3A_452 : vector<16xi32>
      %ne3A_454 = arith.constant 0 : i32
      %ne3A_455 = vector.broadcast %ne3A_454 : i32 to vector<16xi32>
      %ne3A_456 = arith.cmpi ne, %rem3A_453, %ne3A_455 : vector<16xi32>
      %lt3A_457 = arith.constant 0 : i32
      %lt3A_458 = vector.broadcast %lt3A_457 : i32 to vector<16xi32>
      %lt3A_459 = arith.cmpi slt, %rem3A_453, %lt3A_458 : vector<16xi32>
      %lt3A_460 = arith.constant 0 : i32
      %lt3A_461 = arith.cmpi slt, %select_n3A_451, %lt3A_460 : i32
      %ne3A_462 = vector.broadcast %lt3A_461 : i1 to vector<16xi1>
      %ne3A_463 = vector.broadcast %ne3A_462 : vector<16xi1> to vector<16xi1>
      %ne3A_464 = arith.xori %lt3A_459, %ne3A_463 : vector<16xi1>
      %and3A_465 = arith.andi %ne3A_464, %ne3A_456 : vector<16xi1>
      %add3A_466 = vector.broadcast %select_n3A_451 : i32 to vector<16xi32>
      %add3A_467 = arith.addi %rem3A_453, %add3A_466 : vector<16xi32>
      %select_n3A_468 = arith.select %and3A_465, %add3A_467, %rem3A_453 : vector<16xi1>, vector<16xi32>
      %mul3A_469 = arith.constant 2 : i32
      %mul3A_470 = vector.broadcast %mul3A_469 : i32 to vector<16xi32>
      %mul3A_471 = arith.muli %select_n3A_468, %mul3A_470 : vector<16xi32>
      %and3A_472 = arith.constant 1 : i32
      %and3A_473 = vector.broadcast %and3A_472 : i32 to vector<16xi32>
      %and3A_474 = arith.andi %add3A_440, %and3A_473 : vector<16xi32>
      %add3A_475 = arith.addi %mul3A_471, %and3A_474 : vector<16xi32>
      %add3A_476 = arith.constant 0 : i32
      %add3A_477 = vector.broadcast %add3A_476 : i32 to vector<16xi32>
      %add3A_478 = arith.addi %add3A_475, %add3A_477 : vector<16xi32>
      %get3A_479 = arith.constant 96 : index
      %get3A_480 = tpu.vector_load %arg20[%get3A_479] {strides = array<i32>} : memref<5120xf32, #tpu.memory_space<vmem>>, vector<16xf32>,
      tpu.vector_store_idx %arg18[%shift_right_arithmetic3A_443, %add3A_478], %get3A_480 : memref<5120x8xf32, #tpu.memory_space<vmem>>[vector<16xi32>, vector<16xi32>], vector<16xf32>,
      %add3A_481 = arith.constant 112 : i32
      %add3A_482 = vector.broadcast %add3A_481 : i32 to vector<16xi32>
      %add3A_483 = arith.addi %iota3A, %add3A_482 : vector<16xi32>
      %shift_right_arithmetic3A_484 = arith.constant 2 : i32
      %shift_right_arithmetic3A_485 = vector.broadcast %shift_right_arithmetic3A_484 : i32 to vector<16xi32>
      %shift_right_arithmetic3A_486 = arith.shrsi %add3A_483, %shift_right_arithmetic3A_485 : vector<16xi32>
      %shift_right_arithmetic3A_487 = arith.constant 1 : i32
      %shift_right_arithmetic3A_488 = vector.broadcast %shift_right_arithmetic3A_487 : i32 to vector<16xi32>
      %shift_right_arithmetic3A_489 = arith.shrsi %add3A_483, %shift_right_arithmetic3A_488 : vector<16xi32>
      %jit3A_490 = arith.constant 2 : i32
      %eq3A_491 = arith.constant 0 : i32
      %eq3A_492 = arith.cmpi eq, %jit3A_490, %eq3A_491 : i32
      %jit3A_493 = arith.constant 1 : i32
      %select_n3A_494 = arith.select %eq3A_492, %jit3A_493, %jit3A_490 : i32
      %rem3A_495 = vector.broadcast %select_n3A_494 : i32 to vector<16xi32>
      %rem3A_496 = arith.remsi %shift_right_arithmetic3A_489, %rem3A_495 : vector<16xi32>
      %ne3A_497 = arith.constant 0 : i32
      %ne3A_498 = vector.broadcast %ne3A_497 : i32 to vector<16xi32>
      %ne3A_499 = arith.cmpi ne, %rem3A_496, %ne3A_498 : vector<16xi32>
      %lt3A_500 = arith.constant 0 : i32
      %lt3A_501 = vector.broadcast %lt3A_500 : i32 to vector<16xi32>
      %lt3A_502 = arith.cmpi slt, %rem3A_496, %lt3A_501 : vector<16xi32>
      %lt3A_503 = arith.constant 0 : i32
      %lt3A_504 = arith.cmpi slt, %select_n3A_494, %lt3A_503 : i32
      %ne3A_505 = vector.broadcast %lt3A_504 : i1 to vector<16xi1>
      %ne3A_506 = vector.broadcast %ne3A_505 : vector<16xi1> to vector<16xi1>
      %ne3A_507 = arith.xori %lt3A_502, %ne3A_506 : vector<16xi1>
      %and3A_508 = arith.andi %ne3A_507, %ne3A_499 : vector<16xi1>
      %add3A_509 = vector.broadcast %select_n3A_494 : i32 to vector<16xi32>
      %add3A_510 = arith.addi %rem3A_496, %add3A_509 : vector<16xi32>
      %select_n3A_511 = arith.select %and3A_508, %add3A_510, %rem3A_496 : vector<16xi1>, vector<16xi32>
      %mul3A_512 = arith.constant 2 : i32
      %mul3A_513 = vector.broadcast %mul3A_512 : i32 to vector<16xi32>
      %mul3A_514 = arith.muli %select_n3A_511, %mul3A_513 : vector<16xi32>
      %and3A_515 = arith.constant 1 : i32
      %and3A_516 = vector.broadcast %and3A_515 : i32 to vector<16xi32>
      %and3A_517 = arith.andi %add3A_483, %and3A_516 : vector<16xi32>
      %add3A_518 = arith.addi %mul3A_514, %and3A_517 : vector<16xi32>
      %add3A_519 = arith.constant 0 : i32
      %add3A_520 = vector.broadcast %add3A_519 : i32 to vector<16xi32>
      %add3A_521 = arith.addi %add3A_518, %add3A_520 : vector<16xi32>
      %get3A_522 = arith.constant 112 : index
      %get3A_523 = tpu.vector_load %arg20[%get3A_522] {strides = array<i32>} : memref<5120xf32, #tpu.memory_space<vmem>>, vector<16xf32>,
      tpu.vector_store_idx %arg18[%shift_right_arithmetic3A_486, %add3A_521], %get3A_523 : memref<5120x8xf32, #tpu.memory_space<vmem>>[vector<16xi32>, vector<16xi32>], vector<16xf32>,
      "tpu.region"() ({
        %run_scoped3A = tpu.sem_alloc : memref<!tpu.dma_semaphore, #tpu.memory_space<semaphore_mem>>
        %dma_start3A_868 = arith.constant 0 : i32
        %dma_start3A_869 = tpu.memref_slice %arg20[%dma_start3A_868] : memref<5120xf32, #tpu.memory_space<vmem>> -> memref<128xf32, #tpu.memory_space<vmem>>
        %dma_start3A_870 = arith.constant 0 : i32
        %dma_start3A_871 = tpu.memref_slice %arg20[%dma_start3A_870] : memref<5120xf32, #tpu.memory_space<vmem>> -> memref<128xf32, #tpu.memory_space<vmem>>
        tpu.enqueue_dma source(%arg8 : memref<128xf32, #tpu.memory_space<hbm>>) target(%dma_start3A_871 : memref<128xf32, #tpu.memory_space<vmem>>) target_semaphore(%run_scoped3A : memref<!tpu.dma_semaphore, #tpu.memory_space<semaphore_mem>>)
        %dma_wait3A = arith.constant 0 : i32
        %dma_wait3A_872 = tpu.memref_slice %arg20[%dma_wait3A] : memref<5120xf32, #tpu.memory_space<vmem>> -> memref<128xf32, #tpu.memory_space<vmem>>
        %dma_wait3A_873 = arith.constant 0 : i32
        %dma_wait3A_874 = tpu.memref_slice %arg20[%dma_wait3A_873] : memref<5120xf32, #tpu.memory_space<vmem>> -> memref<128xf32, #tpu.memory_space<vmem>>
        tpu.wait_dma2 semaphore(%run_scoped3A : memref<!tpu.dma_semaphore, #tpu.memory_space<semaphore_mem>>) src(%arg8 : memref<128xf32, #tpu.memory_space<hbm>>) dst(%dma_wait3A_874 : memref<128xf32, #tpu.memory_space<vmem>>)
        tpu.yield
      }) : () -> ()
      %add3A_524 = arith.constant 0 : i32
      %add3A_525 = vector.broadcast %add3A_524 : i32 to vector<16xi32>
      %add3A_526 = arith.addi %iota3A, %add3A_525 : vector<16xi32>
      %shift_right_arithmetic3A_527 = arith.constant 2 : i32
      %shift_right_arithmetic3A_528 = vector.broadcast %shift_right_arithmetic3A_527 : i32 to vector<16xi32>
      %shift_right_arithmetic3A_529 = arith.shrsi %add3A_526, %shift_right_arithmetic3A_528 : vector<16xi32>
      %shift_right_arithmetic3A_530 = arith.constant 1 : i32
      %shift_right_arithmetic3A_531 = vector.broadcast %shift_right_arithmetic3A_530 : i32 to vector<16xi32>
      %shift_right_arithmetic3A_532 = arith.shrsi %add3A_526, %shift_right_arithmetic3A_531 : vector<16xi32>
      %jit3A_533 = arith.constant 2 : i32
      %eq3A_534 = arith.constant 0 : i32
      %eq3A_535 = arith.cmpi eq, %jit3A_533, %eq3A_534 : i32
      %jit3A_536 = arith.constant 1 : i32
      %select_n3A_537 = arith.select %eq3A_535, %jit3A_536, %jit3A_533 : i32
      %rem3A_538 = vector.broadcast %select_n3A_537 : i32 to vector<16xi32>
      %rem3A_539 = arith.remsi %shift_right_arithmetic3A_532, %rem3A_538 : vector<16xi32>
      %ne3A_540 = arith.constant 0 : i32
      %ne3A_541 = vector.broadcast %ne3A_540 : i32 to vector<16xi32>
      %ne3A_542 = arith.cmpi ne, %rem3A_539, %ne3A_541 : vector<16xi32>
      %lt3A_543 = arith.constant 0 : i32
      %lt3A_544 = vector.broadcast %lt3A_543 : i32 to vector<16xi32>
      %lt3A_545 = arith.cmpi slt, %rem3A_539, %lt3A_544 : vector<16xi32>
      %lt3A_546 = arith.constant 0 : i32
      %lt3A_547 = arith.cmpi slt, %select_n3A_537, %lt3A_546 : i32
      %ne3A_548 = vector.broadcast %lt3A_547 : i1 to vector<16xi1>
      %ne3A_549 = vector.broadcast %ne3A_548 : vector<16xi1> to vector<16xi1>
      %ne3A_550 = arith.xori %lt3A_545, %ne3A_549 : vector<16xi1>
      %and3A_551 = arith.andi %ne3A_550, %ne3A_542 : vector<16xi1>
      %add3A_552 = vector.broadcast %select_n3A_537 : i32 to vector<16xi32>
      %add3A_553 = arith.addi %rem3A_539, %add3A_552 : vector<16xi32>
      %select_n3A_554 = arith.select %and3A_551, %add3A_553, %rem3A_539 : vector<16xi1>, vector<16xi32>
      %mul3A_555 = arith.constant 2 : i32
      %mul3A_556 = vector.broadcast %mul3A_555 : i32 to vector<16xi32>
      %mul3A_557 = arith.muli %select_n3A_554, %mul3A_556 : vector<16xi32>
      %and3A_558 = arith.constant 1 : i32
      %and3A_559 = vector.broadcast %and3A_558 : i32 to vector<16xi32>
      %and3A_560 = arith.andi %add3A_526, %and3A_559 : vector<16xi32>
      %add3A_561 = arith.addi %mul3A_557, %and3A_560 : vector<16xi32>
      %add3A_562 = arith.constant 4 : i32
      %add3A_563 = vector.broadcast %add3A_562 : i32 to vector<16xi32>
      %add3A_564 = arith.addi %add3A_561, %add3A_563 : vector<16xi32>
      %get3A_565 = arith.constant 0 : index
      %get3A_566 = tpu.vector_load %arg20[%get3A_565] {strides = array<i32>} : memref<5120xf32, #tpu.memory_space<vmem>>, vector<16xf32>,
      tpu.vector_store_idx %arg18[%shift_right_arithmetic3A_529, %add3A_564], %get3A_566 : memref<5120x8xf32, #tpu.memory_space<vmem>>[vector<16xi32>, vector<16xi32>], vector<16xf32>,
      %add3A_567 = arith.constant 16 : i32
      %add3A_568 = vector.broadcast %add3A_567 : i32 to vector<16xi32>
      %add3A_569 = arith.addi %iota3A, %add3A_568 : vector<16xi32>
      %shift_right_arithmetic3A_570 = arith.constant 2 : i32
      %shift_right_arithmetic3A_571 = vector.broadcast %shift_right_arithmetic3A_570 : i32 to vector<16xi32>
      %shift_right_arithmetic3A_572 = arith.shrsi %add3A_569, %shift_right_arithmetic3A_571 : vector<16xi32>
      %shift_right_arithmetic3A_573 = arith.constant 1 : i32
      %shift_right_arithmetic3A_574 = vector.broadcast %shift_right_arithmetic3A_573 : i32 to vector<16xi32>
      %shift_right_arithmetic3A_575 = arith.shrsi %add3A_569, %shift_right_arithmetic3A_574 : vector<16xi32>
      %jit3A_576 = arith.constant 2 : i32
      %eq3A_577 = arith.constant 0 : i32
      %eq3A_578 = arith.cmpi eq, %jit3A_576, %eq3A_577 : i32
      %jit3A_579 = arith.constant 1 : i32
      %select_n3A_580 = arith.select %eq3A_578, %jit3A_579, %jit3A_576 : i32
      %rem3A_581 = vector.broadcast %select_n3A_580 : i32 to vector<16xi32>
      %rem3A_582 = arith.remsi %shift_right_arithmetic3A_575, %rem3A_581 : vector<16xi32>
      %ne3A_583 = arith.constant 0 : i32
      %ne3A_584 = vector.broadcast %ne3A_583 : i32 to vector<16xi32>
      %ne3A_585 = arith.cmpi ne, %rem3A_582, %ne3A_584 : vector<16xi32>
      %lt3A_586 = arith.constant 0 : i32
      %lt3A_587 = vector.broadcast %lt3A_586 : i32 to vector<16xi32>
      %lt3A_588 = arith.cmpi slt, %rem3A_582, %lt3A_587 : vector<16xi32>
      %lt3A_589 = arith.constant 0 : i32
      %lt3A_590 = arith.cmpi slt, %select_n3A_580, %lt3A_589 : i32
      %ne3A_591 = vector.broadcast %lt3A_590 : i1 to vector<16xi1>
      %ne3A_592 = vector.broadcast %ne3A_591 : vector<16xi1> to vector<16xi1>
      %ne3A_593 = arith.xori %lt3A_588, %ne3A_592 : vector<16xi1>
      %and3A_594 = arith.andi %ne3A_593, %ne3A_585 : vector<16xi1>
      %add3A_595 = vector.broadcast %select_n3A_580 : i32 to vector<16xi32>
      %add3A_596 = arith.addi %rem3A_582, %add3A_595 : vector<16xi32>
      %select_n3A_597 = arith.select %and3A_594, %add3A_596, %rem3A_582 : vector<16xi1>, vector<16xi32>
      %mul3A_598 = arith.constant 2 : i32
      %mul3A_599 = vector.broadcast %mul3A_598 : i32 to vector<16xi32>
      %mul3A_600 = arith.muli %select_n3A_597, %mul3A_599 : vector<16xi32>
      %and3A_601 = arith.constant 1 : i32
      %and3A_602 = vector.broadcast %and3A_601 : i32 to vector<16xi32>
      %and3A_603 = arith.andi %add3A_569, %and3A_602 : vector<16xi32>
      %add3A_604 = arith.addi %mul3A_600, %and3A_603 : vector<16xi32>
      %add3A_605 = arith.constant 4 : i32
      %add3A_606 = vector.broadcast %add3A_605 : i32 to vector<16xi32>
      %add3A_607 = arith.addi %add3A_604, %add3A_606 : vector<16xi32>
      %get3A_608 = arith.constant 16 : index
      %get3A_609 = tpu.vector_load %arg20[%get3A_608] {strides = array<i32>} : memref<5120xf32, #tpu.memory_space<vmem>>, vector<16xf32>,
      tpu.vector_store_idx %arg18[%shift_right_arithmetic3A_572, %add3A_607], %get3A_609 : memref<5120x8xf32, #tpu.memory_space<vmem>>[vector<16xi32>, vector<16xi32>], vector<16xf32>,
      %add3A_610 = arith.constant 32 : i32
      %add3A_611 = vector.broadcast %add3A_610 : i32 to vector<16xi32>
      %add3A_612 = arith.addi %iota3A, %add3A_611 : vector<16xi32>
      %shift_right_arithmetic3A_613 = arith.constant 2 : i32
      %shift_right_arithmetic3A_614 = vector.broadcast %shift_right_arithmetic3A_613 : i32 to vector<16xi32>
      %shift_right_arithmetic3A_615 = arith.shrsi %add3A_612, %shift_right_arithmetic3A_614 : vector<16xi32>
      %shift_right_arithmetic3A_616 = arith.constant 1 : i32
      %shift_right_arithmetic3A_617 = vector.broadcast %shift_right_arithmetic3A_616 : i32 to vector<16xi32>
      %shift_right_arithmetic3A_618 = arith.shrsi %add3A_612, %shift_right_arithmetic3A_617 : vector<16xi32>
      %jit3A_619 = arith.constant 2 : i32
      %eq3A_620 = arith.constant 0 : i32
      %eq3A_621 = arith.cmpi eq, %jit3A_619, %eq3A_620 : i32
      %jit3A_622 = arith.constant 1 : i32
      %select_n3A_623 = arith.select %eq3A_621, %jit3A_622, %jit3A_619 : i32
      %rem3A_624 = vector.broadcast %select_n3A_623 : i32 to vector<16xi32>
      %rem3A_625 = arith.remsi %shift_right_arithmetic3A_618, %rem3A_624 : vector<16xi32>
      %ne3A_626 = arith.constant 0 : i32
      %ne3A_627 = vector.broadcast %ne3A_626 : i32 to vector<16xi32>
      %ne3A_628 = arith.cmpi ne, %rem3A_625, %ne3A_627 : vector<16xi32>
      %lt3A_629 = arith.constant 0 : i32
      %lt3A_630 = vector.broadcast %lt3A_629 : i32 to vector<16xi32>
      %lt3A_631 = arith.cmpi slt, %rem3A_625, %lt3A_630 : vector<16xi32>
      %lt3A_632 = arith.constant 0 : i32
      %lt3A_633 = arith.cmpi slt, %select_n3A_623, %lt3A_632 : i32
      %ne3A_634 = vector.broadcast %lt3A_633 : i1 to vector<16xi1>
      %ne3A_635 = vector.broadcast %ne3A_634 : vector<16xi1> to vector<16xi1>
      %ne3A_636 = arith.xori %lt3A_631, %ne3A_635 : vector<16xi1>
      %and3A_637 = arith.andi %ne3A_636, %ne3A_628 : vector<16xi1>
      %add3A_638 = vector.broadcast %select_n3A_623 : i32 to vector<16xi32>
      %add3A_639 = arith.addi %rem3A_625, %add3A_638 : vector<16xi32>
      %select_n3A_640 = arith.select %and3A_637, %add3A_639, %rem3A_625 : vector<16xi1>, vector<16xi32>
      %mul3A_641 = arith.constant 2 : i32
      %mul3A_642 = vector.broadcast %mul3A_641 : i32 to vector<16xi32>
      %mul3A_643 = arith.muli %select_n3A_640, %mul3A_642 : vector<16xi32>
      %and3A_644 = arith.constant 1 : i32
      %and3A_645 = vector.broadcast %and3A_644 : i32 to vector<16xi32>
      %and3A_646 = arith.andi %add3A_612, %and3A_645 : vector<16xi32>
      %add3A_647 = arith.addi %mul3A_643, %and3A_646 : vector<16xi32>
      %add3A_648 = arith.constant 4 : i32
      %add3A_649 = vector.broadcast %add3A_648 : i32 to vector<16xi32>
      %add3A_650 = arith.addi %add3A_647, %add3A_649 : vector<16xi32>
      %get3A_651 = arith.constant 32 : index
      %get3A_652 = tpu.vector_load %arg20[%get3A_651] {strides = array<i32>} : memref<5120xf32, #tpu.memory_space<vmem>>, vector<16xf32>,
      tpu.vector_store_idx %arg18[%shift_right_arithmetic3A_615, %add3A_650], %get3A_652 : memref<5120x8xf32, #tpu.memory_space<vmem>>[vector<16xi32>, vector<16xi32>], vector<16xf32>,
      %add3A_653 = arith.constant 48 : i32
      %add3A_654 = vector.broadcast %add3A_653 : i32 to vector<16xi32>
      %add3A_655 = arith.addi %iota3A, %add3A_654 : vector<16xi32>
      %shift_right_arithmetic3A_656 = arith.constant 2 : i32
      %shift_right_arithmetic3A_657 = vector.broadcast %shift_right_arithmetic3A_656 : i32 to vector<16xi32>
      %shift_right_arithmetic3A_658 = arith.shrsi %add3A_655, %shift_right_arithmetic3A_657 : vector<16xi32>
      %shift_right_arithmetic3A_659 = arith.constant 1 : i32
      %shift_right_arithmetic3A_660 = vector.broadcast %shift_right_arithmetic3A_659 : i32 to vector<16xi32>
      %shift_right_arithmetic3A_661 = arith.shrsi %add3A_655, %shift_right_arithmetic3A_660 : vector<16xi32>
      %jit3A_662 = arith.constant 2 : i32
      %eq3A_663 = arith.constant 0 : i32
      %eq3A_664 = arith.cmpi eq, %jit3A_662, %eq3A_663 : i32
      %jit3A_665 = arith.constant 1 : i32
      %select_n3A_666 = arith.select %eq3A_664, %jit3A_665, %jit3A_662 : i32
      %rem3A_667 = vector.broadcast %select_n3A_666 : i32 to vector<16xi32>
      %rem3A_668 = arith.remsi %shift_right_arithmetic3A_661, %rem3A_667 : vector<16xi32>
      %ne3A_669 = arith.constant 0 : i32
      %ne3A_670 = vector.broadcast %ne3A_669 : i32 to vector<16xi32>
      %ne3A_671 = arith.cmpi ne, %rem3A_668, %ne3A_670 : vector<16xi32>
      %lt3A_672 = arith.constant 0 : i32
      %lt3A_673 = vector.broadcast %lt3A_672 : i32 to vector<16xi32>
      %lt3A_674 = arith.cmpi slt, %rem3A_668, %lt3A_673 : vector<16xi32>
      %lt3A_675 = arith.constant 0 : i32
      %lt3A_676 = arith.cmpi slt, %select_n3A_666, %lt3A_675 : i32
      %ne3A_677 = vector.broadcast %lt3A_676 : i1 to vector<16xi1>
      %ne3A_678 = vector.broadcast %ne3A_677 : vector<16xi1> to vector<16xi1>
      %ne3A_679 = arith.xori %lt3A_674, %ne3A_678 : vector<16xi1>
      %and3A_680 = arith.andi %ne3A_679, %ne3A_671 : vector<16xi1>
      %add3A_681 = vector.broadcast %select_n3A_666 : i32 to vector<16xi32>
      %add3A_682 = arith.addi %rem3A_668, %add3A_681 : vector<16xi32>
      %select_n3A_683 = arith.select %and3A_680, %add3A_682, %rem3A_668 : vector<16xi1>, vector<16xi32>
      %mul3A_684 = arith.constant 2 : i32
      %mul3A_685 = vector.broadcast %mul3A_684 : i32 to vector<16xi32>
      %mul3A_686 = arith.muli %select_n3A_683, %mul3A_685 : vector<16xi32>
      %and3A_687 = arith.constant 1 : i32
      %and3A_688 = vector.broadcast %and3A_687 : i32 to vector<16xi32>
      %and3A_689 = arith.andi %add3A_655, %and3A_688 : vector<16xi32>
      %add3A_690 = arith.addi %mul3A_686, %and3A_689 : vector<16xi32>
      %add3A_691 = arith.constant 4 : i32
      %add3A_692 = vector.broadcast %add3A_691 : i32 to vector<16xi32>
      %add3A_693 = arith.addi %add3A_690, %add3A_692 : vector<16xi32>
      %get3A_694 = arith.constant 48 : index
      %get3A_695 = tpu.vector_load %arg20[%get3A_694] {strides = array<i32>} : memref<5120xf32, #tpu.memory_space<vmem>>, vector<16xf32>,
      tpu.vector_store_idx %arg18[%shift_right_arithmetic3A_658, %add3A_693], %get3A_695 : memref<5120x8xf32, #tpu.memory_space<vmem>>[vector<16xi32>, vector<16xi32>], vector<16xf32>,
      %add3A_696 = arith.constant 64 : i32
      %add3A_697 = vector.broadcast %add3A_696 : i32 to vector<16xi32>
      %add3A_698 = arith.addi %iota3A, %add3A_697 : vector<16xi32>
      %shift_right_arithmetic3A_699 = arith.constant 2 : i32
      %shift_right_arithmetic3A_700 = vector.broadcast %shift_right_arithmetic3A_699 : i32 to vector<16xi32>
      %shift_right_arithmetic3A_701 = arith.shrsi %add3A_698, %shift_right_arithmetic3A_700 : vector<16xi32>
      %shift_right_arithmetic3A_702 = arith.constant 1 : i32
      %shift_right_arithmetic3A_703 = vector.broadcast %shift_right_arithmetic3A_702 : i32 to vector<16xi32>
      %shift_right_arithmetic3A_704 = arith.shrsi %add3A_698, %shift_right_arithmetic3A_703 : vector<16xi32>
      %jit3A_705 = arith.constant 2 : i32
      %eq3A_706 = arith.constant 0 : i32
      %eq3A_707 = arith.cmpi eq, %jit3A_705, %eq3A_706 : i32
      %jit3A_708 = arith.constant 1 : i32
      %select_n3A_709 = arith.select %eq3A_707, %jit3A_708, %jit3A_705 : i32
      %rem3A_710 = vector.broadcast %select_n3A_709 : i32 to vector<16xi32>
      %rem3A_711 = arith.remsi %shift_right_arithmetic3A_704, %rem3A_710 : vector<16xi32>
      %ne3A_712 = arith.constant 0 : i32
      %ne3A_713 = vector.broadcast %ne3A_712 : i32 to vector<16xi32>
      %ne3A_714 = arith.cmpi ne, %rem3A_711, %ne3A_713 : vector<16xi32>
      %lt3A_715 = arith.constant 0 : i32
      %lt3A_716 = vector.broadcast %lt3A_715 : i32 to vector<16xi32>
      %lt3A_717 = arith.cmpi slt, %rem3A_711, %lt3A_716 : vector<16xi32>
      %lt3A_718 = arith.constant 0 : i32
      %lt3A_719 = arith.cmpi slt, %select_n3A_709, %lt3A_718 : i32
      %ne3A_720 = vector.broadcast %lt3A_719 : i1 to vector<16xi1>
      %ne3A_721 = vector.broadcast %ne3A_720 : vector<16xi1> to vector<16xi1>
      %ne3A_722 = arith.xori %lt3A_717, %ne3A_721 : vector<16xi1>
      %and3A_723 = arith.andi %ne3A_722, %ne3A_714 : vector<16xi1>
      %add3A_724 = vector.broadcast %select_n3A_709 : i32 to vector<16xi32>
      %add3A_725 = arith.addi %rem3A_711, %add3A_724 : vector<16xi32>
      %select_n3A_726 = arith.select %and3A_723, %add3A_725, %rem3A_711 : vector<16xi1>, vector<16xi32>
      %mul3A_727 = arith.constant 2 : i32
      %mul3A_728 = vector.broadcast %mul3A_727 : i32 to vector<16xi32>
      %mul3A_729 = arith.muli %select_n3A_726, %mul3A_728 : vector<16xi32>
      %and3A_730 = arith.constant 1 : i32
      %and3A_731 = vector.broadcast %and3A_730 : i32 to vector<16xi32>
      %and3A_732 = arith.andi %add3A_698, %and3A_731 : vector<16xi32>
      %add3A_733 = arith.addi %mul3A_729, %and3A_732 : vector<16xi32>
      %add3A_734 = arith.constant 4 : i32
      %add3A_735 = vector.broadcast %add3A_734 : i32 to vector<16xi32>
      %add3A_736 = arith.addi %add3A_733, %add3A_735 : vector<16xi32>
      %get3A_737 = arith.constant 64 : index
      %get3A_738 = tpu.vector_load %arg20[%get3A_737] {strides = array<i32>} : memref<5120xf32, #tpu.memory_space<vmem>>, vector<16xf32>,
      tpu.vector_store_idx %arg18[%shift_right_arithmetic3A_701, %add3A_736], %get3A_738 : memref<5120x8xf32, #tpu.memory_space<vmem>>[vector<16xi32>, vector<16xi32>], vector<16xf32>,
      %add3A_739 = arith.constant 80 : i32
      %add3A_740 = vector.broadcast %add3A_739 : i32 to vector<16xi32>
      %add3A_741 = arith.addi %iota3A, %add3A_740 : vector<16xi32>
      %shift_right_arithmetic3A_742 = arith.constant 2 : i32
      %shift_right_arithmetic3A_743 = vector.broadcast %shift_right_arithmetic3A_742 : i32 to vector<16xi32>
      %shift_right_arithmetic3A_744 = arith.shrsi %add3A_741, %shift_right_arithmetic3A_743 : vector<16xi32>
      %shift_right_arithmetic3A_745 = arith.constant 1 : i32
      %shift_right_arithmetic3A_746 = vector.broadcast %shift_right_arithmetic3A_745 : i32 to vector<16xi32>
      %shift_right_arithmetic3A_747 = arith.shrsi %add3A_741, %shift_right_arithmetic3A_746 : vector<16xi32>
      %jit3A_748 = arith.constant 2 : i32
      %eq3A_749 = arith.constant 0 : i32
      %eq3A_750 = arith.cmpi eq, %jit3A_748, %eq3A_749 : i32
      %jit3A_751 = arith.constant 1 : i32
      %select_n3A_752 = arith.select %eq3A_750, %jit3A_751, %jit3A_748 : i32
      %rem3A_753 = vector.broadcast %select_n3A_752 : i32 to vector<16xi32>
      %rem3A_754 = arith.remsi %shift_right_arithmetic3A_747, %rem3A_753 : vector<16xi32>
      %ne3A_755 = arith.constant 0 : i32
      %ne3A_756 = vector.broadcast %ne3A_755 : i32 to vector<16xi32>
      %ne3A_757 = arith.cmpi ne, %rem3A_754, %ne3A_756 : vector<16xi32>
      %lt3A_758 = arith.constant 0 : i32
      %lt3A_759 = vector.broadcast %lt3A_758 : i32 to vector<16xi32>
      %lt3A_760 = arith.cmpi slt, %rem3A_754, %lt3A_759 : vector<16xi32>
      %lt3A_761 = arith.constant 0 : i32
      %lt3A_762 = arith.cmpi slt, %select_n3A_752, %lt3A_761 : i32
      %ne3A_763 = vector.broadcast %lt3A_762 : i1 to vector<16xi1>
      %ne3A_764 = vector.broadcast %ne3A_763 : vector<16xi1> to vector<16xi1>
      %ne3A_765 = arith.xori %lt3A_760, %ne3A_764 : vector<16xi1>
      %and3A_766 = arith.andi %ne3A_765, %ne3A_757 : vector<16xi1>
      %add3A_767 = vector.broadcast %select_n3A_752 : i32 to vector<16xi32>
      %add3A_768 = arith.addi %rem3A_754, %add3A_767 : vector<16xi32>
      %select_n3A_769 = arith.select %and3A_766, %add3A_768, %rem3A_754 : vector<16xi1>, vector<16xi32>
      %mul3A_770 = arith.constant 2 : i32
      %mul3A_771 = vector.broadcast %mul3A_770 : i32 to vector<16xi32>
      %mul3A_772 = arith.muli %select_n3A_769, %mul3A_771 : vector<16xi32>
      %and3A_773 = arith.constant 1 : i32
      %and3A_774 = vector.broadcast %and3A_773 : i32 to vector<16xi32>
      %and3A_775 = arith.andi %add3A_741, %and3A_774 : vector<16xi32>
      %add3A_776 = arith.addi %mul3A_772, %and3A_775 : vector<16xi32>
      %add3A_777 = arith.constant 4 : i32
      %add3A_778 = vector.broadcast %add3A_777 : i32 to vector<16xi32>
      %add3A_779 = arith.addi %add3A_776, %add3A_778 : vector<16xi32>
      %get3A_780 = arith.constant 80 : index
      %get3A_781 = tpu.vector_load %arg20[%get3A_780] {strides = array<i32>} : memref<5120xf32, #tpu.memory_space<vmem>>, vector<16xf32>,
      tpu.vector_store_idx %arg18[%shift_right_arithmetic3A_744, %add3A_779], %get3A_781 : memref<5120x8xf32, #tpu.memory_space<vmem>>[vector<16xi32>, vector<16xi32>], vector<16xf32>,
      %add3A_782 = arith.constant 96 : i32
      %add3A_783 = vector.broadcast %add3A_782 : i32 to vector<16xi32>
      %add3A_784 = arith.addi %iota3A, %add3A_783 : vector<16xi32>
      %shift_right_arithmetic3A_785 = arith.constant 2 : i32
      %shift_right_arithmetic3A_786 = vector.broadcast %shift_right_arithmetic3A_785 : i32 to vector<16xi32>
      %shift_right_arithmetic3A_787 = arith.shrsi %add3A_784, %shift_right_arithmetic3A_786 : vector<16xi32>
      %shift_right_arithmetic3A_788 = arith.constant 1 : i32
      %shift_right_arithmetic3A_789 = vector.broadcast %shift_right_arithmetic3A_788 : i32 to vector<16xi32>
      %shift_right_arithmetic3A_790 = arith.shrsi %add3A_784, %shift_right_arithmetic3A_789 : vector<16xi32>
      %jit3A_791 = arith.constant 2 : i32
      %eq3A_792 = arith.constant 0 : i32
      %eq3A_793 = arith.cmpi eq, %jit3A_791, %eq3A_792 : i32
      %jit3A_794 = arith.constant 1 : i32
      %select_n3A_795 = arith.select %eq3A_793, %jit3A_794, %jit3A_791 : i32
      %rem3A_796 = vector.broadcast %select_n3A_795 : i32 to vector<16xi32>
      %rem3A_797 = arith.remsi %shift_right_arithmetic3A_790, %rem3A_796 : vector<16xi32>
      %ne3A_798 = arith.constant 0 : i32
      %ne3A_799 = vector.broadcast %ne3A_798 : i32 to vector<16xi32>
      %ne3A_800 = arith.cmpi ne, %rem3A_797, %ne3A_799 : vector<16xi32>
      %lt3A_801 = arith.constant 0 : i32
      %lt3A_802 = vector.broadcast %lt3A_801 : i32 to vector<16xi32>
      %lt3A_803 = arith.cmpi slt, %rem3A_797, %lt3A_802 : vector<16xi32>
      %lt3A_804 = arith.constant 0 : i32
      %lt3A_805 = arith.cmpi slt, %select_n3A_795, %lt3A_804 : i32
      %ne3A_806 = vector.broadcast %lt3A_805 : i1 to vector<16xi1>
      %ne3A_807 = vector.broadcast %ne3A_806 : vector<16xi1> to vector<16xi1>
      %ne3A_808 = arith.xori %lt3A_803, %ne3A_807 : vector<16xi1>
      %and3A_809 = arith.andi %ne3A_808, %ne3A_800 : vector<16xi1>
      %add3A_810 = vector.broadcast %select_n3A_795 : i32 to vector<16xi32>
      %add3A_811 = arith.addi %rem3A_797, %add3A_810 : vector<16xi32>
      %select_n3A_812 = arith.select %and3A_809, %add3A_811, %rem3A_797 : vector<16xi1>, vector<16xi32>
      %mul3A_813 = arith.constant 2 : i32
      %mul3A_814 = vector.broadcast %mul3A_813 : i32 to vector<16xi32>
      %mul3A_815 = arith.muli %select_n3A_812, %mul3A_814 : vector<16xi32>
      %and3A_816 = arith.constant 1 : i32
      %and3A_817 = vector.broadcast %and3A_816 : i32 to vector<16xi32>
      %and3A_818 = arith.andi %add3A_784, %and3A_817 : vector<16xi32>
      %add3A_819 = arith.addi %mul3A_815, %and3A_818 : vector<16xi32>
      %add3A_820 = arith.constant 4 : i32
      %add3A_821 = vector.broadcast %add3A_820 : i32 to vector<16xi32>
      %add3A_822 = arith.addi %add3A_819, %add3A_821 : vector<16xi32>
      %get3A_823 = arith.constant 96 : index
      %get3A_824 = tpu.vector_load %arg20[%get3A_823] {strides = array<i32>} : memref<5120xf32, #tpu.memory_space<vmem>>, vector<16xf32>,
      tpu.vector_store_idx %arg18[%shift_right_arithmetic3A_787, %add3A_822], %get3A_824 : memref<5120x8xf32, #tpu.memory_space<vmem>>[vector<16xi32>, vector<16xi32>], vector<16xf32>,
      %add3A_825 = arith.constant 112 : i32
      %add3A_826 = vector.broadcast %add3A_825 : i32 to vector<16xi32>
      %add3A_827 = arith.addi %iota3A, %add3A_826 : vector<16xi32>
      %shift_right_arithmetic3A_828 = arith.constant 2 : i32
      %shift_right_arithmetic3A_829 = vector.broadcast %shift_right_arithmetic3A_828 : i32 to vector<16xi32>
      %shift_right_arithmetic3A_830 = arith.shrsi %add3A_827, %shift_right_arithmetic3A_829 : vector<16xi32>
      %shift_right_arithmetic3A_831 = arith.constant 1 : i32
      %shift_right_arithmetic3A_832 = vector.broadcast %shift_right_arithmetic3A_831 : i32 to vector<16xi32>
      %shift_right_arithmetic3A_833 = arith.shrsi %add3A_827, %shift_right_arithmetic3A_832 : vector<16xi32>
      %jit3A_834 = arith.constant 2 : i32
      %eq3A_835 = arith.constant 0 : i32
      %eq3A_836 = arith.cmpi eq, %jit3A_834, %eq3A_835 : i32
      %jit3A_837 = arith.constant 1 : i32
      %select_n3A_838 = arith.select %eq3A_836, %jit3A_837, %jit3A_834 : i32
      %rem3A_839 = vector.broadcast %select_n3A_838 : i32 to vector<16xi32>
      %rem3A_840 = arith.remsi %shift_right_arithmetic3A_833, %rem3A_839 : vector<16xi32>
      %ne3A_841 = arith.constant 0 : i32
      %ne3A_842 = vector.broadcast %ne3A_841 : i32 to vector<16xi32>
      %ne3A_843 = arith.cmpi ne, %rem3A_840, %ne3A_842 : vector<16xi32>
      %lt3A_844 = arith.constant 0 : i32
      %lt3A_845 = vector.broadcast %lt3A_844 : i32 to vector<16xi32>
      %lt3A_846 = arith.cmpi slt, %rem3A_840, %lt3A_845 : vector<16xi32>
      %lt3A_847 = arith.constant 0 : i32
      %lt3A_848 = arith.cmpi slt, %select_n3A_838, %lt3A_847 : i32
      %ne3A_849 = vector.broadcast %lt3A_848 : i1 to vector<16xi1>
      %ne3A_850 = vector.broadcast %ne3A_849 : vector<16xi1> to vector<16xi1>
      %ne3A_851 = arith.xori %lt3A_846, %ne3A_850 : vector<16xi1>
      %and3A_852 = arith.andi %ne3A_851, %ne3A_843 : vector<16xi1>
      %add3A_853 = vector.broadcast %select_n3A_838 : i32 to vector<16xi32>
      %add3A_854 = arith.addi %rem3A_840, %add3A_853 : vector<16xi32>
      %select_n3A_855 = arith.select %and3A_852, %add3A_854, %rem3A_840 : vector<16xi1>, vector<16xi32>
      %mul3A_856 = arith.constant 2 : i32
      %mul3A_857 = vector.broadcast %mul3A_856 : i32 to vector<16xi32>
      %mul3A_858 = arith.muli %select_n3A_855, %mul3A_857 : vector<16xi32>
      %and3A_859 = arith.constant 1 : i32
      %and3A_860 = vector.broadcast %and3A_859 : i32 to vector<16xi32>
      %and3A_861 = arith.andi %add3A_827, %and3A_860 : vector<16xi32>
      %add3A_862 = arith.addi %mul3A_858, %and3A_861 : vector<16xi32>
      %add3A_863 = arith.constant 4 : i32
      %add3A_864 = vector.broadcast %add3A_863 : i32 to vector<16xi32>
      %add3A_865 = arith.addi %add3A_862, %add3A_864 : vector<16xi32>
      %get3A_866 = arith.constant 112 : index
      %get3A_867 = tpu.vector_load %arg20[%get3A_866] {strides = array<i32>} : memref<5120xf32, #tpu.memory_space<vmem>>, vector<16xf32>,
      tpu.vector_store_idx %arg18[%shift_right_arithmetic3A_830, %add3A_865], %get3A_867 : memref<5120x8xf32, #tpu.memory_space<vmem>>[vector<16xi32>, vector<16xi32>], vector<16xf32>,
      "tpu.region"() ({
        %run_scoped3A = tpu.sem_alloc : memref<!tpu.dma_semaphore, #tpu.memory_space<semaphore_mem>>
        %dma_start3A_868 = arith.constant 0 : i32
        %dma_start3A_869 = arith.constant 0 : i32
        %dma_start3A_870 = tpu.memref_slice %arg18[%dma_start3A_868, %dma_start3A_869] : memref<5120x8xf32, #tpu.memory_space<vmem>> -> memref<32x8xf32, #tpu.memory_space<vmem>>
        %dma_start3A_871 = arith.constant 499968 : i32
        %dma_start3A_872 = arith.constant 0 : i32
        %dma_start3A_873 = tpu.memref_slice %arg11[%arg0, %dma_start3A_871, %dma_start3A_872] : memref<2x500000x8xf32, #tpu.memory_space<hbm>> -> memref<1x32x8xf32, #tpu.memory_space<hbm>>
        %dma_start3A_874 = tpu.memref_squeeze %dma_start3A_873 : memref<1x32x8xf32, #tpu.memory_space<hbm>> -> memref<32x8xf32, #tpu.memory_space<hbm>>
        %dma_start3A_875 = arith.constant 499968 : i32
        %dma_start3A_876 = arith.constant 0 : i32
        %dma_start3A_877 = tpu.memref_slice %arg11[%arg0, %dma_start3A_875, %dma_start3A_876] : memref<2x500000x8xf32, #tpu.memory_space<hbm>> -> memref<1x32x8xf32, #tpu.memory_space<hbm>>
        %dma_start3A_878 = tpu.memref_squeeze %dma_start3A_877 : memref<1x32x8xf32, #tpu.memory_space<hbm>> -> memref<32x8xf32, #tpu.memory_space<hbm>>
        %dma_start3A_879 = arith.constant 0 : i32
        %dma_start3A_880 = arith.constant 0 : i32
        %dma_start3A_881 = tpu.memref_slice %arg18[%dma_start3A_879, %dma_start3A_880] : memref<5120x8xf32, #tpu.memory_space<vmem>> -> memref<32x8xf32, #tpu.memory_space<vmem>>
        tpu.enqueue_dma source(%dma_start3A_881 : memref<32x8xf32, #tpu.memory_space<vmem>>) target(%dma_start3A_878 : memref<32x8xf32, #tpu.memory_space<hbm>>) target_semaphore(%run_scoped3A : memref<!tpu.dma_semaphore, #tpu.memory_space<semaphore_mem>>)
        %dma_wait3A = arith.constant 0 : i32
        %dma_wait3A_882 = arith.constant 0 : i32
        %dma_wait3A_883 = tpu.memref_slice %arg18[%dma_wait3A, %dma_wait3A_882] : memref<5120x8xf32, #tpu.memory_space<vmem>> -> memref<32x8xf32, #tpu.memory_space<vmem>>
        %dma_wait3A_884 = arith.constant 499968 : i32
        %dma_wait3A_885 = arith.constant 0 : i32
        %dma_wait3A_886 = tpu.memref_slice %arg11[%arg0, %dma_wait3A_884, %dma_wait3A_885] : memref<2x500000x8xf32, #tpu.memory_space<hbm>> -> memref<1x32x8xf32, #tpu.memory_space<hbm>>
        %dma_wait3A_887 = tpu.memref_squeeze %dma_wait3A_886 : memref<1x32x8xf32, #tpu.memory_space<hbm>> -> memref<32x8xf32, #tpu.memory_space<hbm>>
        %dma_wait3A_888 = arith.constant 499968 : i32
        %dma_wait3A_889 = arith.constant 0 : i32
        %dma_wait3A_890 = tpu.memref_slice %arg11[%arg0, %dma_wait3A_888, %dma_wait3A_889] : memref<2x500000x8xf32, #tpu.memory_space<hbm>> -> memref<1x32x8xf32, #tpu.memory_space<hbm>>
        %dma_wait3A_891 = tpu.memref_squeeze %dma_wait3A_890 : memref<1x32x8xf32, #tpu.memory_space<hbm>> -> memref<32x8xf32, #tpu.memory_space<hbm>>
        %dma_wait3A_892 = arith.constant 0 : i32
        %dma_wait3A_893 = arith.constant 0 : i32
        %dma_wait3A_894 = tpu.memref_slice %arg18[%dma_wait3A_892, %dma_wait3A_893] : memref<5120x8xf32, #tpu.memory_space<vmem>> -> memref<32x8xf32, #tpu.memory_space<vmem>>
        tpu.wait_dma2 semaphore(%run_scoped3A : memref<!tpu.dma_semaphore, #tpu.memory_space<semaphore_mem>>) src(%dma_wait3A_894 : memref<32x8xf32, #tpu.memory_space<vmem>>) dst(%dma_wait3A_891 : memref<32x8xf32, #tpu.memory_space<hbm>>)
        tpu.yield
      }) : () -> ()
    } else {
    }
    %barrier3A = arith.constant 0 : index
    tpu.barrier barrier_id(%barrier3A)
    "tpu.region"() ({
      %run_scoped3A = tpu.sem_alloc : memref<!tpu.dma_semaphore, #tpu.memory_space<semaphore_mem>>
      tpu.enqueue_dma source(%arg9 : memref<16xf32, #tpu.memory_space<hbm>>) target(%arg23 : memref<16xf32, #tpu.memory_space<vmem>>) target_semaphore(%run_scoped3A : memref<!tpu.dma_semaphore, #tpu.memory_space<semaphore_mem>>)
      tpu.wait_dma2 semaphore(%run_scoped3A : memref<!tpu.dma_semaphore, #tpu.memory_space<semaphore_mem>>) src(%arg9 : memref<16xf32, #tpu.memory_space<hbm>>) dst(%arg23 : memref<16xf32, #tpu.memory_space<vmem>>)
      tpu.yield
    }) : () -> ()
    "tpu.region"() ({
      %run_scoped3A = tpu.sem_alloc : memref<!tpu.dma_semaphore, #tpu.memory_space<semaphore_mem>>
      tpu.enqueue_dma source(%arg4 : memref<64xf32, #tpu.memory_space<hbm>>) target(%arg22 : memref<64xf32, #tpu.memory_space<vmem>>) target_semaphore(%run_scoped3A : memref<!tpu.dma_semaphore, #tpu.memory_space<semaphore_mem>>)
      tpu.wait_dma2 semaphore(%run_scoped3A : memref<!tpu.dma_semaphore, #tpu.memory_space<semaphore_mem>>) src(%arg4 : memref<64xf32, #tpu.memory_space<hbm>>) dst(%arg22 : memref<64xf32, #tpu.memory_space<vmem>>)
      tpu.yield
    }) : () -> ()
    %get3A = arith.constant 0 : index
    %get3A_18 = tpu.vector_load %arg23[%get3A] {strides = array<i32>} : memref<16xf32, #tpu.memory_space<vmem>>, vector<16xf32>,
    %lt3A_19 = arith.constant 0 : i32
    %lt3A_20 = vector.broadcast %lt3A_19 : i32 to vector<16xi32>
    %lt3A_21 = arith.cmpi slt, %broadcast_in_dim3A_1, %lt3A_20 : vector<16xi32>
    %add3A_22 = arith.constant 16 : i32
    %add3A_23 = vector.broadcast %add3A_22 : i32 to vector<16xi32>
    %add3A_24 = arith.addi %broadcast_in_dim3A_1, %add3A_23 : vector<16xi32>
    %select_n3A = arith.select %lt3A_21, %add3A_24, %broadcast_in_dim3A_1 : vector<16xi1>, vector<16xi32>
    %broadcast_in_dim3A_25 = vector.shape_cast %select_n3A : vector<16xi32> to vector<16x1xi32>
    %gather3A = vector.shape_cast %broadcast_in_dim3A_25 : vector<16x1xi32> to vector<16xi32>
    %gather3A_26 = tpu.dynamic_gather %get3A_18[%gather3A] in [0] : vector<16xf32>, vector<16xi32> -> vector<16xf32>
    %add3A_27 = arith.constant 1 : i32
    %add3A_28 = vector.broadcast %add3A_27 : i32 to vector<16xi32>
    %add3A_29 = arith.addi %broadcast_in_dim3A_1, %add3A_28 : vector<16xi32>
    %lt3A_30 = arith.constant 0 : i32
    %lt3A_31 = vector.broadcast %lt3A_30 : i32 to vector<16xi32>
    %lt3A_32 = arith.cmpi slt, %add3A_29, %lt3A_31 : vector<16xi32>
    %add3A_33 = arith.constant 16 : i32
    %add3A_34 = vector.broadcast %add3A_33 : i32 to vector<16xi32>
    %add3A_35 = arith.addi %add3A_29, %add3A_34 : vector<16xi32>
    %select_n3A_36 = arith.select %lt3A_32, %add3A_35, %add3A_29 : vector<16xi1>, vector<16xi32>
    %broadcast_in_dim3A_37 = vector.shape_cast %select_n3A_36 : vector<16xi32> to vector<16x1xi32>
    %gather3A_38 = vector.shape_cast %broadcast_in_dim3A_37 : vector<16x1xi32> to vector<16xi32>
    %gather3A_39 = tpu.dynamic_gather %get3A_18[%gather3A_38] in [0] : vector<16xf32>, vector<16xi32> -> vector<16xf32>
    %mul3A_40 = arith.mulf %gather3A_26, %gather3A_26 : vector<16xf32>
    %mul3A_41 = arith.mulf %gather3A_39, %gather3A_39 : vector<16xf32>
    %add3A_42 = arith.constant 0 : i32
    %add3A_43 = vector.broadcast %add3A_42 : i32 to vector<16xi32>
    %add3A_44 = arith.addi %iota3A, %add3A_43 : vector<16xi32>
    %mul3A_45 = arith.constant 2 : i32
    %mul3A_46 = vector.broadcast %mul3A_45 : i32 to vector<16xi32>
    %mul3A_47 = arith.muli %add3A_44, %mul3A_46 : vector<16xi32>
    %add3A_48 = arith.constant 1 : i32
    %add3A_49 = vector.broadcast %add3A_48 : i32 to vector<16xi32>
    %add3A_50 = arith.addi %mul3A_47, %add3A_49 : vector<16xi32>
    %gather3A_51 = tpu.vector_load_idx %arg22[%mul3A_47] : memref<64xf32, #tpu.memory_space<vmem>>[vector<16xi32>], vector<16xf32>,
    %gather3A_52 = tpu.vector_load_idx %arg22[%add3A_50] : memref<64xf32, #tpu.memory_space<vmem>>[vector<16xi32>], vector<16xf32>,
    %mul3A_53 = arith.mulf %gather3A_51, %gather3A_51 : vector<16xf32>
    %mul3A_54 = arith.mulf %gather3A_52, %gather3A_52 : vector<16xf32>
    %add3A_55 = arith.addf %mul3A_53, %mul3A_54 : vector<16xf32>
    %bitcast_convert_type3A = tpu.bitcast %add3A_55 : vector<16xf32> -> vector<16xi32>
    %shift_right_arithmetic3A = arith.constant 1 : i32
    %shift_right_arithmetic3A_56 = vector.broadcast %shift_right_arithmetic3A : i32 to vector<16xi32>
    %shift_right_arithmetic3A_57 = arith.shrsi %bitcast_convert_type3A, %shift_right_arithmetic3A_56 : vector<16xi32>
    %sub3A = arith.constant 1597463007 : i32
    %sub3A_58 = vector.broadcast %sub3A : i32 to vector<16xi32>
    %sub3A_59 = arith.subi %sub3A_58, %shift_right_arithmetic3A_57 : vector<16xi32>
    %bitcast_convert_type3A_60 = tpu.bitcast %sub3A_59 : vector<16xi32> -> vector<16xf32>
    %mul3A_61 = arith.constant 5.000000e-01 : f32
    %mul3A_62 = vector.broadcast %mul3A_61 : f32 to vector<16xf32>
    %mul3A_63 = arith.mulf %mul3A_62, %add3A_55 : vector<16xf32>
    %mul3A_64 = arith.mulf %mul3A_63, %bitcast_convert_type3A_60 : vector<16xf32>
    %mul3A_65 = arith.mulf %mul3A_64, %bitcast_convert_type3A_60 : vector<16xf32>
    %sub3A_66 = arith.constant 1.500000e+00 : f32
    %sub3A_67 = vector.broadcast %sub3A_66 : f32 to vector<16xf32>
    %sub3A_68 = arith.subf %sub3A_67, %mul3A_65 : vector<16xf32>
    %mul3A_69 = arith.mulf %bitcast_convert_type3A_60, %sub3A_68 : vector<16xf32>
    %mul3A_70 = arith.constant 5.000000e-01 : f32
    %mul3A_71 = vector.broadcast %mul3A_70 : f32 to vector<16xf32>
    %mul3A_72 = arith.mulf %mul3A_71, %add3A_55 : vector<16xf32>
    %mul3A_73 = arith.mulf %mul3A_72, %mul3A_69 : vector<16xf32>
    %mul3A_74 = arith.mulf %mul3A_73, %mul3A_69 : vector<16xf32>
    %sub3A_75 = arith.constant 1.500000e+00 : f32
    %sub3A_76 = vector.broadcast %sub3A_75 : f32 to vector<16xf32>
    %sub3A_77 = arith.subf %sub3A_76, %mul3A_74 : vector<16xf32>
    %mul3A_78 = arith.mulf %mul3A_69, %sub3A_77 : vector<16xf32>
    %mul3A_79 = arith.constant 5.000000e-01 : f32
    %mul3A_80 = vector.broadcast %mul3A_79 : f32 to vector<16xf32>
    %mul3A_81 = arith.mulf %mul3A_80, %add3A_55 : vector<16xf32>
    %mul3A_82 = arith.mulf %mul3A_81, %mul3A_78 : vector<16xf32>
    %mul3A_83 = arith.mulf %mul3A_82, %mul3A_78 : vector<16xf32>
    %sub3A_84 = arith.constant 1.500000e+00 : f32
    %sub3A_85 = vector.broadcast %sub3A_84 : f32 to vector<16xf32>
    %sub3A_86 = arith.subf %sub3A_85, %mul3A_83 : vector<16xf32>
    %mul3A_87 = arith.mulf %mul3A_78, %sub3A_86 : vector<16xf32>
    %mul3A_88 = arith.mulf %add3A_55, %mul3A_87 : vector<16xf32>
    %gt3A = arith.constant 1.000000e+00 : f32
    %gt3A_89 = vector.broadcast %gt3A : f32 to vector<16xf32>
    %gt3A_90 = arith.cmpf ogt, %add3A_55, %gt3A_89 : vector<16xf32>
    %add3A_91 = arith.constant 1.000000e-07 : f32
    %add3A_92 = vector.broadcast %add3A_91 : f32 to vector<16xf32>
    %add3A_93 = arith.addf %mul3A_88, %add3A_92 : vector<16xf32>
    %div3A = arith.constant 1.000000e+00 : f32
    %div3A_94 = vector.broadcast %div3A : f32 to vector<16xf32>
    %div3A_95 = arith.divf %div3A_94, %add3A_93 : vector<16xf32>
    %jit3A = arith.constant 1.000000e+00 : f32
    %broadcast_in_dim3A_96 = vector.broadcast %jit3A : f32 to vector<16xf32>
    %select_n3A_97 = arith.select %gt3A_90, %div3A_95, %broadcast_in_dim3A_96 : vector<16xi1>, vector<16xf32>
    %mul3A_98 = arith.mulf %gather3A_51, %select_n3A_97 : vector<16xf32>
    tpu.vector_store_idx %arg22[%mul3A_47], %mul3A_98 : memref<64xf32, #tpu.memory_space<vmem>>[vector<16xi32>], vector<16xf32>,
    %mul3A_99 = arith.mulf %gather3A_52, %select_n3A_97 : vector<16xf32>
    tpu.vector_store_idx %arg22[%add3A_50], %mul3A_99 : memref<64xf32, #tpu.memory_space<vmem>>[vector<16xi32>], vector<16xf32>,
    %add3A_100 = arith.constant 16 : i32
    %add3A_101 = vector.broadcast %add3A_100 : i32 to vector<16xi32>
    %add3A_102 = arith.addi %iota3A, %add3A_101 : vector<16xi32>
    %mul3A_103 = arith.constant 2 : i32
    %mul3A_104 = vector.broadcast %mul3A_103 : i32 to vector<16xi32>
    %mul3A_105 = arith.muli %add3A_102, %mul3A_104 : vector<16xi32>
    %add3A_106 = arith.constant 1 : i32
    %add3A_107 = vector.broadcast %add3A_106 : i32 to vector<16xi32>
    %add3A_108 = arith.addi %mul3A_105, %add3A_107 : vector<16xi32>
    %gather3A_109 = tpu.vector_load_idx %arg22[%mul3A_105] : memref<64xf32, #tpu.memory_space<vmem>>[vector<16xi32>], vector<16xf32>,
    %gather3A_110 = tpu.vector_load_idx %arg22[%add3A_108] : memref<64xf32, #tpu.memory_space<vmem>>[vector<16xi32>], vector<16xf32>,
    %mul3A_111 = arith.mulf %gather3A_109, %gather3A_109 : vector<16xf32>
    %mul3A_112 = arith.mulf %gather3A_110, %gather3A_110 : vector<16xf32>
    %add3A_113 = arith.addf %mul3A_111, %mul3A_112 : vector<16xf32>
    %bitcast_convert_type3A_114 = tpu.bitcast %add3A_113 : vector<16xf32> -> vector<16xi32>
    %shift_right_arithmetic3A_115 = arith.constant 1 : i32
    %shift_right_arithmetic3A_116 = vector.broadcast %shift_right_arithmetic3A_115 : i32 to vector<16xi32>
    %shift_right_arithmetic3A_117 = arith.shrsi %bitcast_convert_type3A_114, %shift_right_arithmetic3A_116 : vector<16xi32>
    %sub3A_118 = arith.constant 1597463007 : i32
    %sub3A_119 = vector.broadcast %sub3A_118 : i32 to vector<16xi32>
    %sub3A_120 = arith.subi %sub3A_119, %shift_right_arithmetic3A_117 : vector<16xi32>
    %bitcast_convert_type3A_121 = tpu.bitcast %sub3A_120 : vector<16xi32> -> vector<16xf32>
    %mul3A_122 = arith.constant 5.000000e-01 : f32
    %mul3A_123 = vector.broadcast %mul3A_122 : f32 to vector<16xf32>
    %mul3A_124 = arith.mulf %mul3A_123, %add3A_113 : vector<16xf32>
    %mul3A_125 = arith.mulf %mul3A_124, %bitcast_convert_type3A_121 : vector<16xf32>
    %mul3A_126 = arith.mulf %mul3A_125, %bitcast_convert_type3A_121 : vector<16xf32>
    %sub3A_127 = arith.constant 1.500000e+00 : f32
    %sub3A_128 = vector.broadcast %sub3A_127 : f32 to vector<16xf32>
    %sub3A_129 = arith.subf %sub3A_128, %mul3A_126 : vector<16xf32>
    %mul3A_130 = arith.mulf %bitcast_convert_type3A_121, %sub3A_129 : vector<16xf32>
    %mul3A_131 = arith.constant 5.000000e-01 : f32
    %mul3A_132 = vector.broadcast %mul3A_131 : f32 to vector<16xf32>
    %mul3A_133 = arith.mulf %mul3A_132, %add3A_113 : vector<16xf32>
    %mul3A_134 = arith.mulf %mul3A_133, %mul3A_130 : vector<16xf32>
    %mul3A_135 = arith.mulf %mul3A_134, %mul3A_130 : vector<16xf32>
    %sub3A_136 = arith.constant 1.500000e+00 : f32
    %sub3A_137 = vector.broadcast %sub3A_136 : f32 to vector<16xf32>
    %sub3A_138 = arith.subf %sub3A_137, %mul3A_135 : vector<16xf32>
    %mul3A_139 = arith.mulf %mul3A_130, %sub3A_138 : vector<16xf32>
    %mul3A_140 = arith.constant 5.000000e-01 : f32
    %mul3A_141 = vector.broadcast %mul3A_140 : f32 to vector<16xf32>
    %mul3A_142 = arith.mulf %mul3A_141, %add3A_113 : vector<16xf32>
    %mul3A_143 = arith.mulf %mul3A_142, %mul3A_139 : vector<16xf32>
    %mul3A_144 = arith.mulf %mul3A_143, %mul3A_139 : vector<16xf32>
    %sub3A_145 = arith.constant 1.500000e+00 : f32
    %sub3A_146 = vector.broadcast %sub3A_145 : f32 to vector<16xf32>
    %sub3A_147 = arith.subf %sub3A_146, %mul3A_144 : vector<16xf32>
    %mul3A_148 = arith.mulf %mul3A_139, %sub3A_147 : vector<16xf32>
    %mul3A_149 = arith.mulf %add3A_113, %mul3A_148 : vector<16xf32>
    %gt3A_150 = arith.constant 1.000000e+00 : f32
    %gt3A_151 = vector.broadcast %gt3A_150 : f32 to vector<16xf32>
    %gt3A_152 = arith.cmpf ogt, %add3A_113, %gt3A_151 : vector<16xf32>
    %add3A_153 = arith.constant 1.000000e-07 : f32
    %add3A_154 = vector.broadcast %add3A_153 : f32 to vector<16xf32>
    %add3A_155 = arith.addf %mul3A_149, %add3A_154 : vector<16xf32>
    %div3A_156 = arith.constant 1.000000e+00 : f32
    %div3A_157 = vector.broadcast %div3A_156 : f32 to vector<16xf32>
    %div3A_158 = arith.divf %div3A_157, %add3A_155 : vector<16xf32>
    %jit3A_159 = arith.constant 1.000000e+00 : f32
    %broadcast_in_dim3A_160 = vector.broadcast %jit3A_159 : f32 to vector<16xf32>
    %select_n3A_161 = arith.select %gt3A_152, %div3A_158, %broadcast_in_dim3A_160 : vector<16xi1>, vector<16xf32>
    %mul3A_162 = arith.mulf %gather3A_109, %select_n3A_161 : vector<16xf32>
    tpu.vector_store_idx %arg22[%mul3A_105], %mul3A_162 : memref<64xf32, #tpu.memory_space<vmem>>[vector<16xi32>], vector<16xf32>,
    %mul3A_163 = arith.mulf %gather3A_110, %select_n3A_161 : vector<16xf32>
    tpu.vector_store_idx %arg22[%add3A_108], %mul3A_163 : memref<64xf32, #tpu.memory_space<vmem>>[vector<16xi32>], vector<16xf32>,
    %mul3A_164 = arith.constant 102400 : i32
    %mul3A_165 = arith.muli %add3A, %mul3A_164 : i32
    %add3A_166 = arith.constant 0 : i32
    %add3A_167 = arith.addi %mul3A_165, %add3A_166 : i32
    "tpu.region"() ({
      %run_scoped3A = tpu.sem_alloc : memref<!tpu.dma_semaphore, #tpu.memory_space<semaphore_mem>>
      %dma_start3A_183 = tpu.memref_slice %arg3[%add3A_167] : memref<3276800xi32, #tpu.memory_space<hbm>> -> memref<5120xi32, #tpu.memory_space<hbm>>
      %dma_start3A_184 = tpu.memref_slice %arg3[%add3A_167] : memref<3276800xi32, #tpu.memory_space<hbm>> -> memref<5120xi32, #tpu.memory_space<hbm>>
      tpu.enqueue_dma source(%dma_start3A_184 : memref<5120xi32, #tpu.memory_space<hbm>>) target(%arg12 : memref<5120xi32, #tpu.memory_space<vmem>>) target_semaphore(%run_scoped3A : memref<!tpu.dma_semaphore, #tpu.memory_space<semaphore_mem>>)
      %dma_wait3A = tpu.memref_slice %arg3[%add3A_167] : memref<3276800xi32, #tpu.memory_space<hbm>> -> memref<5120xi32, #tpu.memory_space<hbm>>
      %dma_wait3A_185 = tpu.memref_slice %arg3[%add3A_167] : memref<3276800xi32, #tpu.memory_space<hbm>> -> memref<5120xi32, #tpu.memory_space<hbm>>
      tpu.wait_dma2 semaphore(%run_scoped3A : memref<!tpu.dma_semaphore, #tpu.memory_space<semaphore_mem>>) src(%dma_wait3A_185 : memref<5120xi32, #tpu.memory_space<hbm>>) dst(%arg12 : memref<5120xi32, #tpu.memory_space<vmem>>)
      tpu.yield
    }) : () -> ()
    %parallel_loop3A = arith.constant 0 : i32
    %parallel_loop3A_168 = arith.constant 320 : i32
    %parallel_loop3A_169 = arith.constant 1 : i32
    scf.for %parallel_loop3A_183 = %parallel_loop3A to %parallel_loop3A_168 step %parallel_loop3A_169  : i32 {
      %parallel_loop3A_184 = arith.constant 16 : i32
      %parallel_loop3A_185 = arith.muli %parallel_loop3A_183, %parallel_loop3A_184 : i32
      %parallel_loop3A_186 = arith.index_cast %parallel_loop3A_185 : i32 to index
      %parallel_loop3A_187 = tpu.vector_load %arg12[%parallel_loop3A_186] {strides = array<i32>} : memref<5120xi32, #tpu.memory_space<vmem>>, vector<16xi32>,
      %parallel_loop3A_188 = arith.constant 1 : i32
      %parallel_loop3A_189 = vector.broadcast %parallel_loop3A_188 : i32 to vector<16xi32>
      %parallel_loop3A_190 = arith.shrsi %parallel_loop3A_187, %parallel_loop3A_189 : vector<16xi32>
      %parallel_loop3A_191 = arith.index_cast %parallel_loop3A_185 : i32 to index
      %parallel_loop3A_192 = tpu.vector_load %arg14[%parallel_loop3A_191] {strides = array<i32>} : memref<5120xi32, #tpu.memory_space<vmem>>, vector<16xi32>,
      tpu.vector_store %arg14[%parallel_loop3A_191], %parallel_loop3A_190 {strides = array<i32>} : memref<5120xi32, #tpu.memory_space<vmem>>, vector<16xi32>,
    } {sc.loop_unroll_factor = 8 : i64, sc.parallel_access}
    %dma_start3A = arith.constant 0 : i32
    %dma_start3A_170 = arith.constant 0 : i32
    %dma_start3A_171 = tpu.memref_slice %arg11[%arg0, %dma_start3A, %dma_start3A_170] : memref<2x500000x8xf32, #tpu.memory_space<hbm>> -> memref<1x500000x8xf32, #tpu.memory_space<hbm>>
    %dma_start3A_172 = tpu.memref_squeeze %dma_start3A_171 : memref<1x500000x8xf32, #tpu.memory_space<hbm>> -> memref<500000x8xf32, #tpu.memory_space<hbm>>
    %dma_start3A_173 = arith.constant 0 : i32
    %dma_start3A_174 = arith.constant 0 : i32
    %dma_start3A_175 = tpu.memref_slice %dma_start3A_172[%dma_start3A_173, %dma_start3A_174] : memref<500000x8xf32, #tpu.memory_space<hbm>> -> memref<500000x8xf32, #tpu.memory_space<hbm>>
    tpu.enqueue_indirect_dma source(%dma_start3A_175 : memref<500000x8xf32, #tpu.memory_space<hbm>>) target(%arg18 : memref<5120x8xf32, #tpu.memory_space<vmem>>) offsets(%arg14 : memref<5120xi32, #tpu.memory_space<vmem>>) semaphore(%arg24 : memref<!tpu.dma_semaphore, #tpu.memory_space<semaphore_mem>>)
    "tpu.region"() ({
      %run_scoped3A = tpu.sem_alloc : memref<!tpu.dma_semaphore, #tpu.memory_space<semaphore_mem>>
      %dma_start3A_183 = tpu.memref_slice %arg2[%add3A_167] : memref<3276800xi32, #tpu.memory_space<hbm>> -> memref<5120xi32, #tpu.memory_space<hbm>>
      %dma_start3A_184 = tpu.memref_slice %arg2[%add3A_167] : memref<3276800xi32, #tpu.memory_space<hbm>> -> memref<5120xi32, #tpu.memory_space<hbm>>
      tpu.enqueue_dma source(%dma_start3A_184 : memref<5120xi32, #tpu.memory_space<hbm>>) target(%arg16 : memref<5120xi32, #tpu.memory_space<vmem>>) target_semaphore(%run_scoped3A : memref<!tpu.dma_semaphore, #tpu.memory_space<semaphore_mem>>)
      %dma_wait3A = tpu.memref_slice %arg2[%add3A_167] : memref<3276800xi32, #tpu.memory_space<hbm>> -> memref<5120xi32, #tpu.memory_space<hbm>>
      %dma_wait3A_185 = tpu.memref_slice %arg2[%add3A_167] : memref<3276800xi32, #tpu.memory_space<hbm>> -> memref<5120xi32, #tpu.memory_space<hbm>>
      tpu.wait_dma2 semaphore(%run_scoped3A : memref<!tpu.dma_semaphore, #tpu.memory_space<semaphore_mem>>) src(%dma_wait3A_185 : memref<5120xi32, #tpu.memory_space<hbm>>) dst(%arg16 : memref<5120xi32, #tpu.memory_space<vmem>>)
      tpu.yield
    }) : () -> ()
    %scan3A_176 = arith.constant 0 : i32
    %scan3A_177 = arith.constant 0 : i32
    %scan3A_178 = arith.constant 10 : i32
    %scan3A_179 = arith.addi %scan3A_177, %scan3A_178 : i32
    %scan3A_180 = arith.constant 1 : i32
    %scan3A_181 = scf.for %scan3A_183 = %scan3A_177 to %scan3A_179 step %scan3A_180 iter_args(%scan3A_184 = %scan3A_176) -> (i32)  : i32 {
      %mul3A_185 = arith.constant 2 : i32
      %mul3A_186 = arith.muli %scan3A_183, %mul3A_185 : i32
      %add3A_187 = arith.constant 0 : i32
      %add3A_188 = arith.addi %mul3A_186, %add3A_187 : i32
      %add3A_189 = arith.constant 1 : i32
      %add3A_190 = arith.addi %add3A_188, %add3A_189 : i32
      %lt3A_191 = arith.constant 20 : i32
      %lt3A_192 = arith.cmpi slt, %add3A_190, %lt3A_191 : i32
      %convert_element_type3A_193 = arith.extui %lt3A_192 : i1 to i32
      %cond3A_194 = arith.constant 0 : i32
      %cond3A_195 = arith.cmpi ne, %convert_element_type3A_193, %cond3A_194 : i32
      scf.if %cond3A_195 {
        %add3A_233 = arith.constant 1 : i32
        %add3A_234 = arith.addi %add3A_188, %add3A_233 : i32
        %mul3A_235 = arith.constant 5120 : i32
        %mul3A_236 = arith.muli %add3A_234, %mul3A_235 : i32
        %add3A_237 = arith.addi %mul3A_165, %mul3A_236 : i32
        "tpu.region"() ({
          %run_scoped3A = tpu.sem_alloc : memref<!tpu.dma_semaphore, #tpu.memory_space<semaphore_mem>>
          %dma_start3A_248 = tpu.memref_slice %arg3[%add3A_237] : memref<3276800xi32, #tpu.memory_space<hbm>> -> memref<5120xi32, #tpu.memory_space<hbm>>
          %dma_start3A_249 = tpu.memref_slice %arg3[%add3A_237] : memref<3276800xi32, #tpu.memory_space<hbm>> -> memref<5120xi32, #tpu.memory_space<hbm>>
          tpu.enqueue_dma source(%dma_start3A_249 : memref<5120xi32, #tpu.memory_space<hbm>>) target(%arg13 : memref<5120xi32, #tpu.memory_space<vmem>>) target_semaphore(%run_scoped3A : memref<!tpu.dma_semaphore, #tpu.memory_space<semaphore_mem>>)
          %dma_wait3A_250 = tpu.memref_slice %arg3[%add3A_237] : memref<3276800xi32, #tpu.memory_space<hbm>> -> memref<5120xi32, #tpu.memory_space<hbm>>
          %dma_wait3A_251 = tpu.memref_slice %arg3[%add3A_237] : memref<3276800xi32, #tpu.memory_space<hbm>> -> memref<5120xi32, #tpu.memory_space<hbm>>
          tpu.wait_dma2 semaphore(%run_scoped3A : memref<!tpu.dma_semaphore, #tpu.memory_space<semaphore_mem>>) src(%dma_wait3A_251 : memref<5120xi32, #tpu.memory_space<hbm>>) dst(%arg13 : memref<5120xi32, #tpu.memory_space<vmem>>)
          tpu.yield
        }) : () -> ()
        %parallel_loop3A_238 = arith.constant 0 : i32
        %parallel_loop3A_239 = arith.constant 320 : i32
        %parallel_loop3A_240 = arith.constant 1 : i32
        scf.for %parallel_loop3A_248 = %parallel_loop3A_238 to %parallel_loop3A_239 step %parallel_loop3A_240  : i32 {
          %parallel_loop3A_249 = arith.constant 16 : i32
          %parallel_loop3A_250 = arith.muli %parallel_loop3A_248, %parallel_loop3A_249 : i32
          %parallel_loop3A_251 = arith.index_cast %parallel_loop3A_250 : i32 to index
          %parallel_loop3A_252 = tpu.vector_load %arg13[%parallel_loop3A_251] {strides = array<i32>} : memref<5120xi32, #tpu.memory_space<vmem>>, vector<16xi32>,
          %parallel_loop3A_253 = arith.constant 1 : i32
          %parallel_loop3A_254 = vector.broadcast %parallel_loop3A_253 : i32 to vector<16xi32>
          %parallel_loop3A_255 = arith.shrsi %parallel_loop3A_252, %parallel_loop3A_254 : vector<16xi32>
          %parallel_loop3A_256 = arith.index_cast %parallel_loop3A_250 : i32 to index
          %parallel_loop3A_257 = tpu.vector_load %arg15[%parallel_loop3A_256] {strides = array<i32>} : memref<5120xi32, #tpu.memory_space<vmem>>, vector<16xi32>,
          tpu.vector_store %arg15[%parallel_loop3A_256], %parallel_loop3A_255 {strides = array<i32>} : memref<5120xi32, #tpu.memory_space<vmem>>, vector<16xi32>,
        } {sc.loop_unroll_factor = 8 : i64, sc.parallel_access}
        %dma_start3A_241 = arith.constant 0 : i32
        %dma_start3A_242 = arith.constant 0 : i32
        %dma_start3A_243 = tpu.memref_slice %arg11[%arg0, %dma_start3A_241, %dma_start3A_242] : memref<2x500000x8xf32, #tpu.memory_space<hbm>> -> memref<1x500000x8xf32, #tpu.memory_space<hbm>>
        %dma_start3A_244 = tpu.memref_squeeze %dma_start3A_243 : memref<1x500000x8xf32, #tpu.memory_space<hbm>> -> memref<500000x8xf32, #tpu.memory_space<hbm>>
        %dma_start3A_245 = arith.constant 0 : i32
        %dma_start3A_246 = arith.constant 0 : i32
        %dma_start3A_247 = tpu.memref_slice %dma_start3A_244[%dma_start3A_245, %dma_start3A_246] : memref<500000x8xf32, #tpu.memory_space<hbm>> -> memref<500000x8xf32, #tpu.memory_space<hbm>>
        tpu.enqueue_indirect_dma source(%dma_start3A_247 : memref<500000x8xf32, #tpu.memory_space<hbm>>) target(%arg19 : memref<5120x8xf32, #tpu.memory_space<vmem>>) offsets(%arg15 : memref<5120xi32, #tpu.memory_space<vmem>>) semaphore(%arg25 : memref<!tpu.dma_semaphore, #tpu.memory_space<semaphore_mem>>)
        "tpu.region"() ({
          %run_scoped3A = tpu.sem_alloc : memref<!tpu.dma_semaphore, #tpu.memory_space<semaphore_mem>>
          %dma_start3A_248 = tpu.memref_slice %arg2[%add3A_237] : memref<3276800xi32, #tpu.memory_space<hbm>> -> memref<5120xi32, #tpu.memory_space<hbm>>
          %dma_start3A_249 = tpu.memref_slice %arg2[%add3A_237] : memref<3276800xi32, #tpu.memory_space<hbm>> -> memref<5120xi32, #tpu.memory_space<hbm>>
          tpu.enqueue_dma source(%dma_start3A_249 : memref<5120xi32, #tpu.memory_space<hbm>>) target(%arg17 : memref<5120xi32, #tpu.memory_space<vmem>>) target_semaphore(%run_scoped3A : memref<!tpu.dma_semaphore, #tpu.memory_space<semaphore_mem>>)
          %dma_wait3A_250 = tpu.memref_slice %arg2[%add3A_237] : memref<3276800xi32, #tpu.memory_space<hbm>> -> memref<5120xi32, #tpu.memory_space<hbm>>
          %dma_wait3A_251 = tpu.memref_slice %arg2[%add3A_237] : memref<3276800xi32, #tpu.memory_space<hbm>> -> memref<5120xi32, #tpu.memory_space<hbm>>
          tpu.wait_dma2 semaphore(%run_scoped3A : memref<!tpu.dma_semaphore, #tpu.memory_space<semaphore_mem>>) src(%dma_wait3A_251 : memref<5120xi32, #tpu.memory_space<hbm>>) dst(%arg17 : memref<5120xi32, #tpu.memory_space<vmem>>)
          tpu.yield
        }) : () -> ()
      } else {
      }
      %dma_wait3A = arith.constant 0 : i32
      %dma_wait3A_196 = arith.constant 0 : i32
      %dma_wait3A_197 = tpu.memref_slice %arg11[%arg0, %dma_wait3A, %dma_wait3A_196] : memref<2x500000x8xf32, #tpu.memory_space<hbm>> -> memref<1x500000x8xf32, #tpu.memory_space<hbm>>
      %dma_wait3A_198 = tpu.memref_squeeze %dma_wait3A_197 : memref<1x500000x8xf32, #tpu.memory_space<hbm>> -> memref<500000x8xf32, #tpu.memory_space<hbm>>
      %dma_wait3A_199 = arith.constant 0 : i32
      %dma_wait3A_200 = arith.constant 0 : i32
      %dma_wait3A_201 = tpu.memref_slice %dma_wait3A_198[%dma_wait3A_199, %dma_wait3A_200] : memref<500000x8xf32, #tpu.memory_space<hbm>> -> memref<500000x8xf32, #tpu.memory_space<hbm>>
      tpu.wait_indirect_dma semaphore(%arg24 : memref<!tpu.dma_semaphore, #tpu.memory_space<semaphore_mem>>) src(%dma_wait3A_201 : memref<500000x8xf32, #tpu.memory_space<hbm>>) dst(%arg18 : memref<5120x8xf32, #tpu.memory_space<vmem>>)
      %parallel_loop3A_202 = arith.constant 0 : i32
      %parallel_loop3A_203 = arith.constant 320 : i32
      %parallel_loop3A_204 = arith.constant 1 : i32
      scf.for %parallel_loop3A_233 = %parallel_loop3A_202 to %parallel_loop3A_203 step %parallel_loop3A_204  : i32 {
        %parallel_loop3A_234 = arith.constant 16 : i32
        %parallel_loop3A_235 = arith.muli %parallel_loop3A_233, %parallel_loop3A_234 : i32
        %parallel_loop3A_236 = arith.index_cast %parallel_loop3A_235 : i32 to index
        %parallel_loop3A_237 = tpu.vector_load %arg12[%parallel_loop3A_236] {strides = array<i32>} : memref<5120xi32, #tpu.memory_space<vmem>>, vector<16xi32>,
        %parallel_loop3A_238 = arith.constant 1 : i32
        %parallel_loop3A_239 = vector.broadcast %parallel_loop3A_238 : i32 to vector<16xi32>
        %parallel_loop3A_240 = arith.andi %parallel_loop3A_237, %parallel_loop3A_239 : vector<16xi32>
        %parallel_loop3A_241 = arith.constant 2 : i32
        %parallel_loop3A_242 = vector.broadcast %parallel_loop3A_241 : i32 to vector<16xi32>
        %parallel_loop3A_243 = arith.muli %parallel_loop3A_240, %parallel_loop3A_242 : vector<16xi32>
        %parallel_loop3A_244 = arith.index_cast %parallel_loop3A_235 : i32 to index
        %parallel_loop3A_245 = tpu.vector_load %arg16[%parallel_loop3A_244] {strides = array<i32>} : memref<5120xi32, #tpu.memory_space<vmem>>, vector<16xi32>,
        %parallel_loop3A_246 = arith.constant 2 : i32
        %parallel_loop3A_247 = vector.broadcast %parallel_loop3A_246 : i32 to vector<16xi32>
        %parallel_loop3A_248 = arith.muli %parallel_loop3A_245, %parallel_loop3A_247 : vector<16xi32>
        %parallel_loop3A_249 = tpu.vector_load_idx %arg22[%parallel_loop3A_248] : memref<64xf32, #tpu.memory_space<vmem>>[vector<16xi32>], vector<16xf32>,
        %parallel_loop3A_250 = arith.constant 2 : i32
        %parallel_loop3A_251 = vector.broadcast %parallel_loop3A_250 : i32 to vector<16xi32>
        %parallel_loop3A_252 = arith.muli %parallel_loop3A_245, %parallel_loop3A_251 : vector<16xi32>
        %parallel_loop3A_253 = arith.constant 1 : i32
        %parallel_loop3A_254 = vector.broadcast %parallel_loop3A_253 : i32 to vector<16xi32>
        %parallel_loop3A_255 = arith.addi %parallel_loop3A_252, %parallel_loop3A_254 : vector<16xi32>
        %parallel_loop3A_256 = tpu.vector_load_idx %arg22[%parallel_loop3A_255] : memref<64xf32, #tpu.memory_space<vmem>>[vector<16xi32>], vector<16xf32>,
        %parallel_loop3A_257 = vector.broadcast %parallel_loop3A_235 : i32 to vector<16xi32>
        %parallel_loop3A_258 = arith.addi %iota3A, %parallel_loop3A_257 : vector<16xi32>
        %parallel_loop3A_259 = tpu.vector_load_idx %arg18[%parallel_loop3A_258, %parallel_loop3A_243] : memref<5120x8xf32, #tpu.memory_space<vmem>>[vector<16xi32>, vector<16xi32>], vector<16xf32>,
        %parallel_loop3A_260 = arith.constant 1 : i32
        %parallel_loop3A_261 = vector.broadcast %parallel_loop3A_260 : i32 to vector<16xi32>
        %parallel_loop3A_262 = arith.addi %parallel_loop3A_243, %parallel_loop3A_261 : vector<16xi32>
        %parallel_loop3A_263 = tpu.vector_load_idx %arg18[%parallel_loop3A_258, %parallel_loop3A_262] : memref<5120x8xf32, #tpu.memory_space<vmem>>[vector<16xi32>, vector<16xi32>], vector<16xf32>,
        %parallel_loop3A_264 = arith.constant 4 : i32
        %parallel_loop3A_265 = vector.broadcast %parallel_loop3A_264 : i32 to vector<16xi32>
        %parallel_loop3A_266 = arith.addi %parallel_loop3A_243, %parallel_loop3A_265 : vector<16xi32>
        %parallel_loop3A_267 = tpu.vector_load_idx %arg18[%parallel_loop3A_258, %parallel_loop3A_266] : memref<5120x8xf32, #tpu.memory_space<vmem>>[vector<16xi32>, vector<16xi32>], vector<16xf32>,
        %parallel_loop3A_268 = arith.constant 5 : i32
        %parallel_loop3A_269 = vector.broadcast %parallel_loop3A_268 : i32 to vector<16xi32>
        %parallel_loop3A_270 = arith.addi %parallel_loop3A_243, %parallel_loop3A_269 : vector<16xi32>
        %parallel_loop3A_271 = tpu.vector_load_idx %arg18[%parallel_loop3A_258, %parallel_loop3A_270] : memref<5120x8xf32, #tpu.memory_space<vmem>>[vector<16xi32>, vector<16xi32>], vector<16xf32>,
        %parallel_loop3A_272 = arith.subf %parallel_loop3A_249, %parallel_loop3A_259 : vector<16xf32>
        %parallel_loop3A_273 = arith.subf %parallel_loop3A_256, %parallel_loop3A_263 : vector<16xf32>
        %parallel_loop3A_274 = arith.subf %parallel_loop3A_249, %parallel_loop3A_267 : vector<16xf32>
        %parallel_loop3A_275 = arith.subf %parallel_loop3A_256, %parallel_loop3A_271 : vector<16xf32>
        %parallel_loop3A_276 = arith.mulf %parallel_loop3A_272, %parallel_loop3A_272 : vector<16xf32>
        %parallel_loop3A_277 = arith.mulf %mul3A_40, %parallel_loop3A_276 : vector<16xf32>
        %parallel_loop3A_278 = arith.mulf %parallel_loop3A_273, %parallel_loop3A_273 : vector<16xf32>
        %parallel_loop3A_279 = arith.mulf %mul3A_41, %parallel_loop3A_278 : vector<16xf32>
        %parallel_loop3A_280 = arith.addf %parallel_loop3A_277, %parallel_loop3A_279 : vector<16xf32>
        %parallel_loop3A_281 = arith.mulf %parallel_loop3A_274, %parallel_loop3A_274 : vector<16xf32>
        %parallel_loop3A_282 = arith.mulf %mul3A_40, %parallel_loop3A_281 : vector<16xf32>
        %parallel_loop3A_283 = arith.mulf %parallel_loop3A_275, %parallel_loop3A_275 : vector<16xf32>
        %parallel_loop3A_284 = arith.mulf %mul3A_41, %parallel_loop3A_283 : vector<16xf32>
        %parallel_loop3A_285 = arith.addf %parallel_loop3A_282, %parallel_loop3A_284 : vector<16xf32>
        %parallel_loop3A_286 = arith.constant -5.000000e-01 : f32
        %parallel_loop3A_287 = vector.broadcast %parallel_loop3A_286 : f32 to vector<16xf32>
        %parallel_loop3A_288 = arith.mulf %parallel_loop3A_287, %parallel_loop3A_280 : vector<16xf32>
        %parallel_loop3A_289 = math.exp %parallel_loop3A_288 : vector<16xf32>
        %parallel_loop3A_290 = arith.constant -5.000000e-01 : f32
        %parallel_loop3A_291 = vector.broadcast %parallel_loop3A_290 : f32 to vector<16xf32>
        %parallel_loop3A_292 = arith.mulf %parallel_loop3A_291, %parallel_loop3A_285 : vector<16xf32>
        %parallel_loop3A_293 = math.exp %parallel_loop3A_292 : vector<16xf32>
        %parallel_loop3A_294 = arith.subf %parallel_loop3A_289, %parallel_loop3A_293 : vector<16xf32>
        %parallel_loop3A_295 = arith.index_cast %parallel_loop3A_235 : i32 to index
        %parallel_loop3A_296 = tpu.vector_load %arg20[%parallel_loop3A_295] {strides = array<i32>} : memref<5120xf32, #tpu.memory_space<vmem>>, vector<16xf32>,
        tpu.vector_store %arg20[%parallel_loop3A_295], %parallel_loop3A_294 {strides = array<i32>} : memref<5120xf32, #tpu.memory_space<vmem>>, vector<16xf32>,
      } {sc.loop_unroll_factor = 8 : i64, sc.parallel_access}
      %mul3A_205 = arith.constant 5120 : i32
      %mul3A_206 = arith.muli %add3A_188, %mul3A_205 : i32
      %add3A_207 = arith.addi %mul3A_165, %mul3A_206 : i32
      "tpu.region"() ({
        %run_scoped3A = tpu.sem_alloc : memref<!tpu.dma_semaphore, #tpu.memory_space<semaphore_mem>>
        %dma_start3A_233 = tpu.memref_slice %arg10[%add3A_207] : memref<3276800xf32, #tpu.memory_space<hbm>> -> memref<5120xf32, #tpu.memory_space<hbm>>
        %dma_start3A_234 = tpu.memref_slice %arg10[%add3A_207] : memref<3276800xf32, #tpu.memory_space<hbm>> -> memref<5120xf32, #tpu.memory_space<hbm>>
        tpu.enqueue_dma source(%arg20 : memref<5120xf32, #tpu.memory_space<vmem>>) target(%dma_start3A_234 : memref<5120xf32, #tpu.memory_space<hbm>>) target_semaphore(%run_scoped3A : memref<!tpu.dma_semaphore, #tpu.memory_space<semaphore_mem>>)
        %dma_wait3A_235 = tpu.memref_slice %arg10[%add3A_207] : memref<3276800xf32, #tpu.memory_space<hbm>> -> memref<5120xf32, #tpu.memory_space<hbm>>
        %dma_wait3A_236 = tpu.memref_slice %arg10[%add3A_207] : memref<3276800xf32, #tpu.memory_space<hbm>> -> memref<5120xf32, #tpu.memory_space<hbm>>
        tpu.wait_dma2 semaphore(%run_scoped3A : memref<!tpu.dma_semaphore, #tpu.memory_space<semaphore_mem>>) src(%arg20 : memref<5120xf32, #tpu.memory_space<vmem>>) dst(%dma_wait3A_236 : memref<5120xf32, #tpu.memory_space<hbm>>)
        tpu.yield
      }) : () -> ()
      %mul3A_208 = arith.constant 2 : i32
      %mul3A_209 = arith.muli %scan3A_183, %mul3A_208 : i32
      %add3A_210 = arith.constant 1 : i32
      %add3A_211 = arith.addi %mul3A_209, %add3A_210 : i32
      %add3A_212 = arith.constant 1 : i32
      %add3A_213 = arith.addi %add3A_211, %add3A_212 : i32
      %lt3A_214 = arith.constant 20 : i32
      %lt3A_215 = arith.cmpi slt, %add3A_213, %lt3A_214 : i32
      %convert_element_type3A_216 = arith.extui %lt3A_215 : i1 to i32
      %cond3A_217 = arith.constant 0 : i32
      %cond3A_218 = arith.cmpi ne, %convert_element_type3A_216, %cond3A_217 : i32
      scf.if %cond3A_218 {
        %add3A_233 = arith.constant 1 : i32
        %add3A_234 = arith.addi %add3A_211, %add3A_233 : i32
        %mul3A_235 = arith.constant 5120 : i32
        %mul3A_236 = arith.muli %add3A_234, %mul3A_235 : i32
        %add3A_237 = arith.addi %mul3A_165, %mul3A_236 : i32
        "tpu.region"() ({
          %run_scoped3A = tpu.sem_alloc : memref<!tpu.dma_semaphore, #tpu.memory_space<semaphore_mem>>
          %dma_start3A_248 = tpu.memref_slice %arg3[%add3A_237] : memref<3276800xi32, #tpu.memory_space<hbm>> -> memref<5120xi32, #tpu.memory_space<hbm>>
          %dma_start3A_249 = tpu.memref_slice %arg3[%add3A_237] : memref<3276800xi32, #tpu.memory_space<hbm>> -> memref<5120xi32, #tpu.memory_space<hbm>>
          tpu.enqueue_dma source(%dma_start3A_249 : memref<5120xi32, #tpu.memory_space<hbm>>) target(%arg12 : memref<5120xi32, #tpu.memory_space<vmem>>) target_semaphore(%run_scoped3A : memref<!tpu.dma_semaphore, #tpu.memory_space<semaphore_mem>>)
          %dma_wait3A_250 = tpu.memref_slice %arg3[%add3A_237] : memref<3276800xi32, #tpu.memory_space<hbm>> -> memref<5120xi32, #tpu.memory_space<hbm>>
          %dma_wait3A_251 = tpu.memref_slice %arg3[%add3A_237] : memref<3276800xi32, #tpu.memory_space<hbm>> -> memref<5120xi32, #tpu.memory_space<hbm>>
          tpu.wait_dma2 semaphore(%run_scoped3A : memref<!tpu.dma_semaphore, #tpu.memory_space<semaphore_mem>>) src(%dma_wait3A_251 : memref<5120xi32, #tpu.memory_space<hbm>>) dst(%arg12 : memref<5120xi32, #tpu.memory_space<vmem>>)
          tpu.yield
        }) : () -> ()
        %parallel_loop3A_238 = arith.constant 0 : i32
        %parallel_loop3A_239 = arith.constant 320 : i32
        %parallel_loop3A_240 = arith.constant 1 : i32
        scf.for %parallel_loop3A_248 = %parallel_loop3A_238 to %parallel_loop3A_239 step %parallel_loop3A_240  : i32 {
          %parallel_loop3A_249 = arith.constant 16 : i32
          %parallel_loop3A_250 = arith.muli %parallel_loop3A_248, %parallel_loop3A_249 : i32
          %parallel_loop3A_251 = arith.index_cast %parallel_loop3A_250 : i32 to index
          %parallel_loop3A_252 = tpu.vector_load %arg12[%parallel_loop3A_251] {strides = array<i32>} : memref<5120xi32, #tpu.memory_space<vmem>>, vector<16xi32>,
          %parallel_loop3A_253 = arith.constant 1 : i32
          %parallel_loop3A_254 = vector.broadcast %parallel_loop3A_253 : i32 to vector<16xi32>
          %parallel_loop3A_255 = arith.shrsi %parallel_loop3A_252, %parallel_loop3A_254 : vector<16xi32>
          %parallel_loop3A_256 = arith.index_cast %parallel_loop3A_250 : i32 to index
          %parallel_loop3A_257 = tpu.vector_load %arg14[%parallel_loop3A_256] {strides = array<i32>} : memref<5120xi32, #tpu.memory_space<vmem>>, vector<16xi32>,
          tpu.vector_store %arg14[%parallel_loop3A_256], %parallel_loop3A_255 {strides = array<i32>} : memref<5120xi32, #tpu.memory_space<vmem>>, vector<16xi32>,
        } {sc.loop_unroll_factor = 8 : i64, sc.parallel_access}
        %dma_start3A_241 = arith.constant 0 : i32
        %dma_start3A_242 = arith.constant 0 : i32
        %dma_start3A_243 = tpu.memref_slice %arg11[%arg0, %dma_start3A_241, %dma_start3A_242] : memref<2x500000x8xf32, #tpu.memory_space<hbm>> -> memref<1x500000x8xf32, #tpu.memory_space<hbm>>
        %dma_start3A_244 = tpu.memref_squeeze %dma_start3A_243 : memref<1x500000x8xf32, #tpu.memory_space<hbm>> -> memref<500000x8xf32, #tpu.memory_space<hbm>>
        %dma_start3A_245 = arith.constant 0 : i32
        %dma_start3A_246 = arith.constant 0 : i32
        %dma_start3A_247 = tpu.memref_slice %dma_start3A_244[%dma_start3A_245, %dma_start3A_246] : memref<500000x8xf32, #tpu.memory_space<hbm>> -> memref<500000x8xf32, #tpu.memory_space<hbm>>
        tpu.enqueue_indirect_dma source(%dma_start3A_247 : memref<500000x8xf32, #tpu.memory_space<hbm>>) target(%arg18 : memref<5120x8xf32, #tpu.memory_space<vmem>>) offsets(%arg14 : memref<5120xi32, #tpu.memory_space<vmem>>) semaphore(%arg24 : memref<!tpu.dma_semaphore, #tpu.memory_space<semaphore_mem>>)
        "tpu.region"() ({
          %run_scoped3A = tpu.sem_alloc : memref<!tpu.dma_semaphore, #tpu.memory_space<semaphore_mem>>
          %dma_start3A_248 = tpu.memref_slice %arg2[%add3A_237] : memref<3276800xi32, #tpu.memory_space<hbm>> -> memref<5120xi32, #tpu.memory_space<hbm>>
          %dma_start3A_249 = tpu.memref_slice %arg2[%add3A_237] : memref<3276800xi32, #tpu.memory_space<hbm>> -> memref<5120xi32, #tpu.memory_space<hbm>>
          tpu.enqueue_dma source(%dma_start3A_249 : memref<5120xi32, #tpu.memory_space<hbm>>) target(%arg16 : memref<5120xi32, #tpu.memory_space<vmem>>) target_semaphore(%run_scoped3A : memref<!tpu.dma_semaphore, #tpu.memory_space<semaphore_mem>>)
          %dma_wait3A_250 = tpu.memref_slice %arg2[%add3A_237] : memref<3276800xi32, #tpu.memory_space<hbm>> -> memref<5120xi32, #tpu.memory_space<hbm>>
          %dma_wait3A_251 = tpu.memref_slice %arg2[%add3A_237] : memref<3276800xi32, #tpu.memory_space<hbm>> -> memref<5120xi32, #tpu.memory_space<hbm>>
          tpu.wait_dma2 semaphore(%run_scoped3A : memref<!tpu.dma_semaphore, #tpu.memory_space<semaphore_mem>>) src(%dma_wait3A_251 : memref<5120xi32, #tpu.memory_space<hbm>>) dst(%arg16 : memref<5120xi32, #tpu.memory_space<vmem>>)
          tpu.yield
        }) : () -> ()
      } else {
      }
      %dma_wait3A_219 = arith.constant 0 : i32
      %dma_wait3A_220 = arith.constant 0 : i32
      %dma_wait3A_221 = tpu.memref_slice %arg11[%arg0, %dma_wait3A_219, %dma_wait3A_220] : memref<2x500000x8xf32, #tpu.memory_space<hbm>> -> memref<1x500000x8xf32, #tpu.memory_space<hbm>>
      %dma_wait3A_222 = tpu.memref_squeeze %dma_wait3A_221 : memref<1x500000x8xf32, #tpu.memory_space<hbm>> -> memref<500000x8xf32, #tpu.memory_space<hbm>>
      %dma_wait3A_223 = arith.constant 0 : i32
      %dma_wait3A_224 = arith.constant 0 : i32
      %dma_wait3A_225 = tpu.memref_slice %dma_wait3A_222[%dma_wait3A_223, %dma_wait3A_224] : memref<500000x8xf32, #tpu.memory_space<hbm>> -> memref<500000x8xf32, #tpu.memory_space<hbm>>
      tpu.wait_indirect_dma semaphore(%arg25 : memref<!tpu.dma_semaphore, #tpu.memory_space<semaphore_mem>>) src(%dma_wait3A_225 : memref<500000x8xf32, #tpu.memory_space<hbm>>) dst(%arg19 : memref<5120x8xf32, #tpu.memory_space<vmem>>)
      %parallel_loop3A_226 = arith.constant 0 : i32
      %parallel_loop3A_227 = arith.constant 320 : i32
      %parallel_loop3A_228 = arith.constant 1 : i32
      scf.for %parallel_loop3A_233 = %parallel_loop3A_226 to %parallel_loop3A_227 step %parallel_loop3A_228  : i32 {
        %parallel_loop3A_234 = arith.constant 16 : i32
        %parallel_loop3A_235 = arith.muli %parallel_loop3A_233, %parallel_loop3A_234 : i32
        %parallel_loop3A_236 = arith.index_cast %parallel_loop3A_235 : i32 to index
        %parallel_loop3A_237 = tpu.vector_load %arg13[%parallel_loop3A_236] {strides = array<i32>} : memref<5120xi32, #tpu.memory_space<vmem>>, vector<16xi32>,
        %parallel_loop3A_238 = arith.constant 1 : i32
        %parallel_loop3A_239 = vector.broadcast %parallel_loop3A_238 : i32 to vector<16xi32>
        %parallel_loop3A_240 = arith.andi %parallel_loop3A_237, %parallel_loop3A_239 : vector<16xi32>
        %parallel_loop3A_241 = arith.constant 2 : i32
        %parallel_loop3A_242 = vector.broadcast %parallel_loop3A_241 : i32 to vector<16xi32>
        %parallel_loop3A_243 = arith.muli %parallel_loop3A_240, %parallel_loop3A_242 : vector<16xi32>
        %parallel_loop3A_244 = arith.index_cast %parallel_loop3A_235 : i32 to index
        %parallel_loop3A_245 = tpu.vector_load %arg17[%parallel_loop3A_244] {strides = array<i32>} : memref<5120xi32, #tpu.memory_space<vmem>>, vector<16xi32>,
        %parallel_loop3A_246 = arith.constant 2 : i32
        %parallel_loop3A_247 = vector.broadcast %parallel_loop3A_246 : i32 to vector<16xi32>
        %parallel_loop3A_248 = arith.muli %parallel_loop3A_245, %parallel_loop3A_247 : vector<16xi32>
        %parallel_loop3A_249 = tpu.vector_load_idx %arg22[%parallel_loop3A_248] : memref<64xf32, #tpu.memory_space<vmem>>[vector<16xi32>], vector<16xf32>,
        %parallel_loop3A_250 = arith.constant 2 : i32
        %parallel_loop3A_251 = vector.broadcast %parallel_loop3A_250 : i32 to vector<16xi32>
        %parallel_loop3A_252 = arith.muli %parallel_loop3A_245, %parallel_loop3A_251 : vector<16xi32>
        %parallel_loop3A_253 = arith.constant 1 : i32
        %parallel_loop3A_254 = vector.broadcast %parallel_loop3A_253 : i32 to vector<16xi32>
        %parallel_loop3A_255 = arith.addi %parallel_loop3A_252, %parallel_loop3A_254 : vector<16xi32>
        %parallel_loop3A_256 = tpu.vector_load_idx %arg22[%parallel_loop3A_255] : memref<64xf32, #tpu.memory_space<vmem>>[vector<16xi32>], vector<16xf32>,
        %parallel_loop3A_257 = vector.broadcast %parallel_loop3A_235 : i32 to vector<16xi32>
        %parallel_loop3A_258 = arith.addi %iota3A, %parallel_loop3A_257 : vector<16xi32>
        %parallel_loop3A_259 = tpu.vector_load_idx %arg19[%parallel_loop3A_258, %parallel_loop3A_243] : memref<5120x8xf32, #tpu.memory_space<vmem>>[vector<16xi32>, vector<16xi32>], vector<16xf32>,
        %parallel_loop3A_260 = arith.constant 1 : i32
        %parallel_loop3A_261 = vector.broadcast %parallel_loop3A_260 : i32 to vector<16xi32>
        %parallel_loop3A_262 = arith.addi %parallel_loop3A_243, %parallel_loop3A_261 : vector<16xi32>
        %parallel_loop3A_263 = tpu.vector_load_idx %arg19[%parallel_loop3A_258, %parallel_loop3A_262] : memref<5120x8xf32, #tpu.memory_space<vmem>>[vector<16xi32>, vector<16xi32>], vector<16xf32>,
        %parallel_loop3A_264 = arith.constant 4 : i32
        %parallel_loop3A_265 = vector.broadcast %parallel_loop3A_264 : i32 to vector<16xi32>
        %parallel_loop3A_266 = arith.addi %parallel_loop3A_243, %parallel_loop3A_265 : vector<16xi32>
        %parallel_loop3A_267 = tpu.vector_load_idx %arg19[%parallel_loop3A_258, %parallel_loop3A_266] : memref<5120x8xf32, #tpu.memory_space<vmem>>[vector<16xi32>, vector<16xi32>], vector<16xf32>,
        %parallel_loop3A_268 = arith.constant 5 : i32
        %parallel_loop3A_269 = vector.broadcast %parallel_loop3A_268 : i32 to vector<16xi32>
        %parallel_loop3A_270 = arith.addi %parallel_loop3A_243, %parallel_loop3A_269 : vector<16xi32>
        %parallel_loop3A_271 = tpu.vector_load_idx %arg19[%parallel_loop3A_258, %parallel_loop3A_270] : memref<5120x8xf32, #tpu.memory_space<vmem>>[vector<16xi32>, vector<16xi32>], vector<16xf32>,
        %parallel_loop3A_272 = arith.subf %parallel_loop3A_249, %parallel_loop3A_259 : vector<16xf32>
        %parallel_loop3A_273 = arith.subf %parallel_loop3A_256, %parallel_loop3A_263 : vector<16xf32>
        %parallel_loop3A_274 = arith.subf %parallel_loop3A_249, %parallel_loop3A_267 : vector<16xf32>
        %parallel_loop3A_275 = arith.subf %parallel_loop3A_256, %parallel_loop3A_271 : vector<16xf32>
        %parallel_loop3A_276 = arith.mulf %parallel_loop3A_272, %parallel_loop3A_272 : vector<16xf32>
        %parallel_loop3A_277 = arith.mulf %mul3A_40, %parallel_loop3A_276 : vector<16xf32>
        %parallel_loop3A_278 = arith.mulf %parallel_loop3A_273, %parallel_loop3A_273 : vector<16xf32>
        %parallel_loop3A_279 = arith.mulf %mul3A_41, %parallel_loop3A_278 : vector<16xf32>
        %parallel_loop3A_280 = arith.addf %parallel_loop3A_277, %parallel_loop3A_279 : vector<16xf32>
        %parallel_loop3A_281 = arith.mulf %parallel_loop3A_274, %parallel_loop3A_274 : vector<16xf32>
        %parallel_loop3A_282 = arith.mulf %mul3A_40, %parallel_loop3A_281 : vector<16xf32>
        %parallel_loop3A_283 = arith.mulf %parallel_loop3A_275, %parallel_loop3A_275 : vector<16xf32>
        %parallel_loop3A_284 = arith.mulf %mul3A_41, %parallel_loop3A_283 : vector<16xf32>
        %parallel_loop3A_285 = arith.addf %parallel_loop3A_282, %parallel_loop3A_284 : vector<16xf32>
        %parallel_loop3A_286 = arith.constant -5.000000e-01 : f32
        %parallel_loop3A_287 = vector.broadcast %parallel_loop3A_286 : f32 to vector<16xf32>
        %parallel_loop3A_288 = arith.mulf %parallel_loop3A_287, %parallel_loop3A_280 : vector<16xf32>
        %parallel_loop3A_289 = math.exp %parallel_loop3A_288 : vector<16xf32>
        %parallel_loop3A_290 = arith.constant -5.000000e-01 : f32
        %parallel_loop3A_291 = vector.broadcast %parallel_loop3A_290 : f32 to vector<16xf32>
        %parallel_loop3A_292 = arith.mulf %parallel_loop3A_291, %parallel_loop3A_285 : vector<16xf32>
        %parallel_loop3A_293 = math.exp %parallel_loop3A_292 : vector<16xf32>
        %parallel_loop3A_294 = arith.subf %parallel_loop3A_289, %parallel_loop3A_293 : vector<16xf32>
        %parallel_loop3A_295 = arith.index_cast %parallel_loop3A_235 : i32 to index
        %parallel_loop3A_296 = tpu.vector_load %arg21[%parallel_loop3A_295] {strides = array<i32>} : memref<5120xf32, #tpu.memory_space<vmem>>, vector<16xf32>,
        tpu.vector_store %arg21[%parallel_loop3A_295], %parallel_loop3A_294 {strides = array<i32>} : memref<5120xf32, #tpu.memory_space<vmem>>, vector<16xf32>,
      } {sc.loop_unroll_factor = 8 : i64, sc.parallel_access}
      %mul3A_229 = arith.constant 5120 : i32
      %mul3A_230 = arith.muli %add3A_211, %mul3A_229 : i32
      %add3A_231 = arith.addi %mul3A_165, %mul3A_230 : i32
      "tpu.region"() ({
        %run_scoped3A = tpu.sem_alloc : memref<!tpu.dma_semaphore, #tpu.memory_space<semaphore_mem>>
        %dma_start3A_233 = tpu.memref_slice %arg10[%add3A_231] : memref<3276800xf32, #tpu.memory_space<hbm>> -> memref<5120xf32, #tpu.memory_space<hbm>>
        %dma_start3A_234 = tpu.memref_slice %arg10[%add3A_231] : memref<3276800xf32, #tpu.memory_space<hbm>> -> memref<5120xf32, #tpu.memory_space<hbm>>
        tpu.enqueue_dma source(%arg21 : memref<5120xf32, #tpu.memory_space<vmem>>) target(%dma_start3A_234 : memref<5120xf32, #tpu.memory_space<hbm>>) target_semaphore(%run_scoped3A : memref<!tpu.dma_semaphore, #tpu.memory_space<semaphore_mem>>)
        %dma_wait3A_235 = tpu.memref_slice %arg10[%add3A_231] : memref<3276800xf32, #tpu.memory_space<hbm>> -> memref<5120xf32, #tpu.memory_space<hbm>>
        %dma_wait3A_236 = tpu.memref_slice %arg10[%add3A_231] : memref<3276800xf32, #tpu.memory_space<hbm>> -> memref<5120xf32, #tpu.memory_space<hbm>>
        tpu.wait_dma2 semaphore(%run_scoped3A : memref<!tpu.dma_semaphore, #tpu.memory_space<semaphore_mem>>) src(%arg21 : memref<5120xf32, #tpu.memory_space<vmem>>) dst(%dma_wait3A_236 : memref<5120xf32, #tpu.memory_space<hbm>>)
        tpu.yield
      }) : () -> ()
      %scan3A_232 = arith.constant 0 : i32
      scf.yield %scan3A_232 : i32
    }
    %scan3A_182 = arith.constant 10 : i32
    return
  }
}

</mosaic_0001>

<sc_bundles>
// kernel: kernel.3.cloned.1.call-start
scs
__scs_entry_jumppad:
0x0: {  	(pc) =	sbr.rel $0x88, $3  }
0x1: {  	(tag) =	ssettag $0x0;
	lr =	simm.s32 $0x1  }
0x2: {  	[smem:$0x3F9B] =	sst lr;
	_ =	strace $0xD0000000  }
0x3: {  	_ = 	snop  }
0x4: {  	_ = 	snop  }
0x5: {  	_ = 	snop  }
0x6: {  	_ = 	snop  }
0x7: {  	_ = 	snop  }
__scs_overlays_trampoline_lowered:
0x8: {  	[smem:$0x3FAA] =	sst s0  }
0x9: {  	[smem:$0x3FAB] =	sst s1  }
0xa: {  	[smem:$0x3FAC] =	sst s2  }
0xb: {  	[smem:$0x3FAD] =	sst s3  }
0xc: {  	[smem:$0x3FAE] =	sst s4  }
0xd: {  	[smem:$0x3FAF] =	sst s5  }
0xe: {  	[smem:$0x3FB0] =	sst s6  }
0xf: {  	[smem:$0x3FB1] =	sst s7  }
0x10: {  	[smem:$0x3FB2] =	sst s8  }
0x11: {  	[smem:$0x3FB3] =	sst s9;
	s0 =	simm.s32 @!p0 $0x0  }
0x12: {  	s1 =	sld [smem:$0x3F99];
	s0 =	simm.s32 @p0 $0x1  }
0x13: {  	[smem:$0x3FB4] =	sst s0;
	s0 =	simm.s32 @!p1 $0x0  }
0x14: {  	s2 =	sld [smem:$0x3F98];
	s0 =	simm.s32 @p1 $0x1  }
0x15: {  	[smem:$0x3FB5] =	sst s0;
	s0 =	simm.s32 @!p2 $0x0  }
0x16: {  	s3 =	sld [smem:$0x3FDB];
	s0 =	simm.s32 @p2 $0x1  }
0x17: {  	s4 =	simm.s32 $0x1BF5;
	[smem:$0x3FB7] =	sst s0  }
0x18: {  	s0 =	sld [smem:$0x3F9A];
	_ =	swait.ge [sflag:s4], $0x0  }
0x19: {  	s7 =	sld [smem:$0x3F9B]  }
0x1a: {  	s8 =	sadd.s32 $0xFFFFE003, lr  }
0x1b: {  	s9 =	sadd.s32 $0xFFFFFEF7, lr;
	s5 =	simm.s32 $0xFFFFFFFF;
	p2 =	slt.u32 s8, $0xFFFFF086  }
0x1c: {  	p1 =	slt.u32 s9, $0xF7A;
	s5 =	simm.s32 @!p2 $0x0  }
0x1d: {  	s5 =	simm.s32 @p1 $0x1;
	p0 =	seq.s32 s7, s2  }
0x1e: {  	s7 =	smul.u32 @!p0 $0xF7A, s2;
	p2 =	seq.s32 @!p0 s5, $0x0  }
0x1f: {  	s9 =	smul.u32 $0xF7A, s1;
	s8 =	simm.s32 @!p0 $0x1BF5;
	p2 =	por !p2, p0  }
0x20: {  	[sflag:s8] =	ssyncset.s32 @!p0 $0xFFFFF086;
	s6 =	sadd.s32 @!p0 s3, s7;
	s7 =	simm.s32 @!p0 $0x108  }
0x21: {  	s3 =	sadd.s32 s3, s9;
	s6 =	sadd.s32 @!p0 $0x88, s6;
	s7 =	simm.s32 @p2 $0x1082  }
0x22: {  	[simem:s7], [sflag:s8] =	dma.local @!p0 [hbm:s6], $0xF7A  }
0x23: {  	s9 =	sor.u32 $0xD0000000, s2;
	s6 =	simm.s32 $0x108;
	_ =	swait.ge @!p0 [sflag:s8], $0x0  }
0x24: {  	s3 =	sadd.s32 $0x88, s3;
	s6 =	simm.s32 @!p1 $0x1082;
	[sflag:s4] =	ssyncset.s32 $0xFFFFF086  }
0x25: {  	[simem:s6], [sflag:s4] =	dma.local [hbm:s3], $0xF7A  }
0x26: {  	[smem:$0x3F9B] =	sst s1;
	(tag) =	ssettag s2;
	_ =	strace s9  }
0x27: {  	s1 =	sld [smem:$0x3FAB]  }
0x28: {  	s2 =	sld [smem:$0x3FAC]  }
0x29: {  	s4 =	sld [smem:$0x3FAE]  }
0x2a: {  	p0 =	seq.s32 s5, $0x0;
	s5 =	sld [smem:$0x3FAF]  }
0x2b: {  	s6 =	sld [smem:$0x3FB0]  }
0x2c: {  	s7 =	sld [smem:$0x3FB1]  }
0x2d: {  	s3 =	simm.s32 $0x108;
	s8 =	sld [smem:$0x3FB2]  }
0x2e: {  	s3 =	simm.s32 @!p0 $0x1082;
	s9 =	sld [smem:$0x3FB3]  }
0x2f: {  	lr =	sadd.s32 s0, s3;
	s0 =	sld [smem:$0x3FAA]  }
0x30: {  	s3 =	sld [smem:$0x3FAD]  }
0x31: {  	[smem:$0x3FB6] =	sst s10  }
0x32: {  	s10 =	sld [smem:$0x3FB4];
	_ =	sdelay $0x3  }
0x33: {  	p0 =	seq.s32 s10, $0x1;
	s10 =	sld [smem:$0x3FB6];
	_ =	sdelay $0x3  }
0x34: {  	[smem:$0x3FB6] =	sst s10  }
0x35: {  	s10 =	sld [smem:$0x3FB5];
	_ =	sdelay $0x3  }
0x36: {  	p1 =	seq.s32 s10, $0x1;
	s10 =	sld [smem:$0x3FB6];
	_ =	sdelay $0x3  }
0x37: {  	[smem:$0x3FB6] =	sst s10  }
0x38: {  	s10 =	sld [smem:$0x3FB7]  }
0x39: {  	_ = 	snop;
	(pc) =	sbr.ind lr, $3  }
0x3a: {  	_ = 	snop  }
0x3b: {  	_ = 	snop  }
0x3c: {  	p2 =	seq.s32 s10, $0x1;
	s10 =	sld [smem:$0x3FB6]  }
0x3d: {  	_ =	shalt  }
0x3e: {  	_ =	shalt  }
0x3f: {  	_ =	shalt  }
0x40: {  	_ =	shalt  }
0x41: {  	_ =	shalt  }
0x42: {  	_ =	shalt  }
0x43: {  	_ =	shalt  }
0x44: {  	_ =	shalt  }
0x45: {  	_ =	shalt  }
0x46: {  	_ =	shalt  }
0x47: {  	_ =	shalt  }
0x48: {  	_ =	shalt  }
0x49: {  	_ =	shalt  }
0x4a: {  	_ =	shalt  }
0x4b: {  	_ =	shalt  }
0x4c: {  	_ =	shalt  }
0x4d: {  	_ =	shalt  }
0x4e: {  	_ =	shalt  }
0x4f: {  	_ =	shalt  }
0x50: {  	_ =	shalt  }
0x51: {  	_ =	shalt  }
0x52: {  	_ =	shalt  }
0x53: {  	_ =	shalt  }
0x54: {  	_ =	shalt  }
0x55: {  	_ =	shalt  }
0x56: {  	_ =	shalt  }
0x57: {  	_ =	shalt  }
0x58: {  	_ =	shalt  }
0x59: {  	_ =	shalt  }
0x5a: {  	_ =	shalt  }
0x5b: {  	_ =	shalt  }
0x5c: {  	_ =	shalt  }
0x5d: {  	_ =	shalt  }
0x5e: {  	_ =	shalt  }
0x5f: {  	_ =	shalt  }
0x60: {  	_ =	shalt  }
0x61: {  	_ =	shalt  }
0x62: {  	_ =	shalt  }
0x63: {  	_ =	shalt  }
0x64: {  	_ =	shalt  }
0x65: {  	_ =	shalt  }
0x66: {  	_ =	shalt  }
0x67: {  	_ =	shalt  }
0x68: {  	_ =	shalt  }
0x69: {  	_ =	shalt  }
0x6a: {  	_ =	shalt  }
0x6b: {  	_ =	shalt  }
0x6c: {  	_ =	shalt  }
0x6d: {  	_ =	shalt  }
0x6e: {  	_ =	shalt  }
0x6f: {  	_ =	shalt  }
0x70: {  	_ =	shalt  }
0x71: {  	_ =	shalt  }
0x72: {  	_ =	shalt  }
0x73: {  	_ =	shalt  }
0x74: {  	_ =	shalt  }
0x75: {  	_ =	shalt  }
0x76: {  	_ =	shalt  }
0x77: {  	_ =	shalt  }
0x78: {  	_ =	shalt  }
0x79: {  	_ =	shalt  }
0x7a: {  	_ =	shalt  }
0x7b: {  	_ =	shalt  }
0x7c: {  	_ =	shalt  }
0x7d: {  	_ =	shalt  }
0x7e: {  	_ =	shalt  }
0x7f: {  	_ =	shalt  }
0x80: {  	_ =	shalt  }
0x81: {  	_ =	shalt  }
0x82: {  	_ =	shalt  }
0x83: {  	_ =	shalt  }
0x84: {  	_ =	shalt  }
0x85: {  	_ =	shalt  }
0x86: {  	_ =	shalt  }
0x87: {  	_ =	shalt  }
.Lfunc_end0:
.L_simem_size_0:
called_computation_lowered:
.L_overlay_start_0:
0x88: {  	s2 =	sld [smem:$0x3FD9]  }
0x89: {  	s3 =	sld [smem:$0x3FFE];
	_ =	sdelay $0x1  }
0x8a: {  	s1 =	srdreg.scid  }
0x8b: {  	s0 =	sand.u32 $0x1, s1  }
0x8c: {  	s17 =	sshll.u32 s0, $0xA;
	s2 =	sadd.s32 s3, s2  }
0x8d: {  	s2 =	sadd.s32 s2, s17  }
0x8e: {  	[smem:$0x3FC2] =	sst s2  }
0x8f: {  	_ = 	snop  }
0x90: {  	s2 =	sld [smem:$0x3FC9]  }
0x91: {  	s18 =	sld [smem:$0x3FC8]  }
0x92: {  	s4 =	sld [smem:$0x3FD0];
	(tm) =	ssettm $0x1  }
0x93: {  	s5 =	sld [smem:$0x3FFB];
	_ =	sdelay $0x3  }
0x94: {  	_ =	strace s5  }
0x95: {  	s5 =	sld [smem:$0x3FFC];
	_ =	sdelay $0x3  }
0x96: {  	_ =	strace s5  }
0x97: {  	s5 =	sld [smem:$0x3FFD];
	_ =	sdelay $0x3  }
0x98: {  	_ =	strace s5  }
0x99: {  	_ =	strace $0x8FFFFFFF  }
0x9a: {  	s19 =	sld [smem:$0x3FDB];
	_ =	sdelay $0x1  }
0x9b: {  	s6 =	simm.s32 $_scs_section_size  }
0x9c: {  	s7 =	simm.s32 $_size__tile_overlayer_lowered;
	s8 =	simm.s32 $_tile_overlayer_lowered  }
0x9d: {  	s22 =	simm.s32 $0x1BFF;
	s21 =	sshll.u32 s8, $0x1;
	s5 =	sadd.s32 s6, s19  }
0x9e: {  	s9 =	simm.s32 $0x0;
	s20 =	sshll.u32 s7, $0x1;
	s7 =	sadd.s32 s21, s5  }
0x9f: {  	[timem:s9], [sflag:s22] =	dma.local [hbm:s7], s20  }
0xa0: {  	_ =	swait.ge [sflag:s22], s20  }
0xa1: {  	s6 =	ssub.s32 $0x0, s20;
	[sflag:s22] =	ssyncset.done $0x0  }
0xa2: {  	[sflag:s22] =	ssyncadd.s32 s6;
	_ =	sdelay $0x1  }
0xa3: {  	s23 =	simm.s32 $0x1B8B  }
0xa4: {  	_ =	swait.ge [sflag:s23], $0x1  }
0xa5: {  	[sflag:s23] =	ssyncset.done $0x0  }
0xa6: {  	s25 =	simm.s32 $0x1B8E;
	s24 =	sld [smem:$0x3FFE];
	[sflag:s23] =	ssyncadd.s32 $0xFFFFFFFF  }
0xa7: {  	s26 =	simm.s32 $execute0_lowered;
	[smem:$0x3FD2] =	sst s25  }
0xa8: {  	s7 =	sshll.u32 s26, $0x1;
	_ =	strace $0x80000046;
	[dreg:$0x1] =	wrdreg $0xFFFFFFFF  }
0xa9: {  	s28 =	simm.s32 $_size_execute0_lowered;
	s5 =	sadd.s32 s5, s7;
	[dreg:$0x0] =	wrdreg $0x0  }
0xaa: {  	s7 =	sshll.u32 s28, $0x1;
	[dreg:$0x2] =	wrdreg s5  }
0xab: {  	[dreg:$0x3] =	wrdreg s7  }
0xac: {  	[dreg:$0x4] =	wrdreg $0xC0  }
0xad: {  	_ =	task [dreg:s9], $0x5FFFF  }
0xae: {  	[dreg:$0x1] =	wrdreg $0xFFFFFFFF  }
0xaf: {  	[dreg:$0x0] =	wrdreg $0x60  }
0xb0: {  	[dreg:$0x2] =	wrdreg s2  }
0xb1: {  	[dreg:$0x3] =	wrdreg s18  }
0xb2: {  	[dreg:$0x4] =	wrdreg s24  }
0xb3: {  	[dreg:$0x5] =	wrdreg s4  }
0xb4: {  	[dreg:$0x6] =	wrdreg $0x9  }
0xb5: {  	_ =	task.clear_ibuf [dreg:s9], $0x7FFFF;
	_ =	strace $0x90000046  }
0xb6: {  	s29 =	simm.s32 $0x9;
	_ =	strace $0x80000048  }
0xb7: {  	_ =	swait.ge [sflag:s29], $0x1  }
0xb8: {  	[sflag:s29] =	ssyncadd.s32 $0xFFFFFFFF  }
0xb9: {  	_ =	strace $0x90000048  }
0xba: {  	_ =	sfence  }
0xbb: {  	s30 =	sld [smem:$0x0];
	_ =	sdelay $0x2  }
0xbc: {  	s31 =	sshll.u32 s1, $0xD;
	s1 =	sshrl.u32 s1, $0x2  }
0xbd: {  	s3 =	sand.u32 $0x4000, s31;
	s1 =	sadd.s32 s1, s30  }
0xbe: {  	s0 =	sor.u32 s3, s0;
	s1 =	sshll.u32 s1, $0x11  }
0xbf: {  	s0 =	sor.u32 s1, s0  }
0xc0: {  	s0 =	sadd.s32 $0x8F2B, s0  }
0xc1: {  	[sflag:s0] =	ssyncadd.remote.s32 $0x1  }
0xc2: {  	_ =	sfence.sel $0xFFFF  }
0xc3: {  	[dreg:$0x0] =	wrdreg $0xFFFFFFFF;
	(pc) =	sbr.abs _section_cstart, $3  }
0xc4: {  	[dreg:$0x1] =	wrdreg $0xFFFFFFFF  }
0xc5: {  	_ =	task.clear_ibuf [dreg:s9], $0x2FFFF;
	_ =	strace $0x9FFFFFFF  }
0xc6: {  	(tm) =	ssettm $0x7FFFFFFF  }
0xc7: {  	_ =	shalt  }
tec
execute0_lowered:
.L_overlay_start_1:
0x0: {  	(tag) =	ssettag $0x1  }
0x1: {  	v38 =	vlaneseq.u32;
	v8 =	vimm.s32 $0x2A282220;
	v9 =	vimm.s32 $0xA080200  }
0x2: {  	vm0 =	vcmask $0x1F10;
	v13 =	vimm.s32 $0x7A787270;
	v16 =	vimm.s32 $0xBAB8B2B0  }
0x3: {  	v17 =	vimm.s32 $0x8A888280;
	v18 =	vimm.s32 $0x9A989290;
	vm6 =	vcmask $0x300  }
0x4: {  	vm7 =	vcmask $0x704;
	vm8 =	vcmask $0xB08;
	vm9 =	vcmask $0xF0C  }
0x5: {  	vm10 =	vcmask $0x1310;
	vm11 =	vcmask $0x1714;
	vm12 =	vcmask $0x1B18  }
0x6: {  	vm13 =	vcmask $0x1F1C;
	vm14 =	vcmask $0x2320;
	vm15 =	vcmask $0x2724  }
0x7: {  	vm4 =	vcmask $0x2B28;
	vm5 =	vcmask $0x2F2C;
	vm3 =	vcmask $0x3330  }
0x8: {  	vm2 =	vcmask $0x3734;
	vm1 =	vcmask $0x3B38;
	v19 =	vimm.s32 $0x3E3C3634  }
0x9: {  	v20 =	vimm.s32 $0xE0C0604;
	v21 =	vimm.s32 $0x1E1C1614;
	v22 =	vimm.s32 $0x6E6C6664  }
0xa: {  	v23 =	vimm.s32 $0x7E7C7674;
	v24 =	vimm.s32 $0x8E8C8684;
	v25 =	vimm.s32 $0x9E9C9694  }
0xb: {  	v26 =	vimm.s32 $0x13E;
	v27 =	vimm.s32 $0xCECCC6C4;
	v28 =	vimm.s32 $0xDEDCD6D4  }
0xc: {  	v29 =	vimm.s32 $0x3B3A3938;
	v30 =	vimm.s32 $0x23222120;
	v31 =	vimm.s32 $0x2B2A2928  }
0xd: {  	v32 =	vimm.s32 $0x53525150;
	v33 =	vimm.s32 $0x5B5A5958;
	v62 =	vimm.s32 $0x7B7A7978  }
0xe: {  	v63 =	vimm.s32 $0x63626160;
	v34 =	vimm.s32 $0x6B6A6968;
	v37 =	vimm.s32 $0xA3A2A1A0  }
0xf: {  	v39 =	vimm.s32 $0xABAAA9A8;
	v40 =	vimm.s32 $0xC3C2C1C0;
	v41 =	vimm.s32 $0xCBCAC9C8  }
0x10: {  	v43 =	vimm.s32 $0xEBEAE9E8;
	v44 =	vimm.s32 $0x17161514;
	v35 =	vimm.s32 $0x1F1E1D1C  }
0x11: {  	v47 =	vimm.s32 $0x27262524;
	v48 =	vimm.s32 $0x57565554;
	v49 =	vimm.s32 $0x47464544  }
0x12: {  	v50 =	vimm.s32 $0x4F4E4D4C;
	v51 =	vimm.s32 $0x77767574;
	v52 =	vimm.s32 $0x7F7E7D7C  }
0x13: {  	v53 =	vimm.s32 $0x67666564;
	v54 =	vimm.s32 $0x6F6E6D6C;
	v56 =	vimm.s32 $0x87868584  }
0x14: {  	v57 =	vimm.s32 $0x8F8E8D8C;
	v58 =	vimm.s32 $0xB7B6B5B4;
	v59 =	vimm.s32 $0xBFBEBDBC  }
0x15: {  	v60 =	vimm.s32 $0xA7A6A5A4;
	v61 =	vimm.s32 $0xAFAEADAC;
	v0 =	vshrl.u32 v38, $0x1  }
0x16: {  	v10 =	vunpack.c.0.s8.s32 v8;
	v8 =	vimm.s32 $0x3A383230;
	v12 =	vunpack.c.0.s8.s32 v9  }
0x17: {  	v9 =	vimm.s32 $0x6A686260;
	v13 =	vunpack.c.0.s8.s32 v13;
	v16 =	vunpack.c.0.s8.s32 v16  }
0x18: {  	v19 =	vunpack.c.0.s8.s32 v19;
	v20 =	vunpack.c.0.s8.s32 v20;
	v21 =	vunpack.c.0.s8.s32 v21  }
0x19: {  	v22 =	vunpack.c.0.s8.s32 v22;
	v23 =	vunpack.c.0.s8.s32 v23;
	v24 =	vunpack.c.0.s8.s32 v24  }
0x1a: {  	v25 =	vunpack.c.0.s8.s32 v25;
	v27 =	vunpack.c.0.s8.s32 v27;
	v28 =	vunpack.c.0.s8.s32 v28  }
0x1b: {  	v29 =	vunpack.c.0.s8.s32 v29;
	v30 =	vunpack.c.0.s8.s32 v30;
	v31 =	vunpack.c.0.s8.s32 v31  }
0x1c: {  	v32 =	vunpack.c.0.s8.s32 v32;
	v33 =	vunpack.c.0.s8.s32 v33;
	v36 =	vunpack.c.0.s8.s32 v34  }
0x1d: {  	v35 =	vunpack.c.0.s8.s32 v35;
	v34 =	vunpack.c.0.s8.s32 v51;
	v0 =	vmul.u32 $0x8, v0  }
0x1e: {  	v11 =	vunpack.c.0.s8.s32 v8;
	v8 =	vimm.s32 $0x1A181210;
	v15 =	vunpack.c.0.s8.s32 v9  }
0x1f: {  	v14 =	vunpack.c.0.s8.s32 v8;
	v2 =	vor.u32 $0x1C0, v0;
	v3 =	vor.u32 $0x180, v0  }
0x20: {  	v4 =	vor.u32 $0x140, v0;
	v5 =	vor.u32 $0x100, v0;
	v6 =	vor.u32 $0xC0, v0  }
0x21: {  	v7 =	vor.u32 $0x80, v0;
	v10 =	vsel vm0, v11, v10;
	v11 =	vsel vm0, v14, v12  }
0x22: {  	v12 =	vsel vm0, v13, v15;
	v13 =	vimm.s32 $0x4A484240;
	v14 =	vimm.s32 $0x5A585250  }
0x23: {  	v15 =	vimm.s32 $0xAAA8A2A0;
	v13 =	vunpack.c.0.s8.s32 v13;
	v14 =	vunpack.c.0.s8.s32 v14  }
0x24: {  	v8 =	vor.u32 $0x40, v0;
	v15 =	vunpack.c.0.s8.s32 v15;
	v10 =	vcombine.low v11, v10  }
0x25: {  	v13 =	vsel vm0, v14, v13;
	v14 =	vunpack.c.0.s8.s32 v17;
	v17 =	vunpack.c.0.s8.s32 v18  }
0x26: {  	v18 =	vimm.s32 $0x2E2C2624;
	v11 =	vcombine.low v13, v12;
	v12 =	vsel vm0, v16, v15  }
0x27: {  	v15 =	vimm.s32 $0xFAF8F2F0;
	v16 =	vimm.s32 $0xCAC8C2C0;
	v18 =	vunpack.c.0.s8.s32 v18  }
0x28: {  	v13 =	vsel vm0, v17, v14;
	v14 =	vimm.s32 $0x13A;
	v15 =	vunpack.c.0.s8.s32 v15  }
0x29: {  	v16 =	vunpack.c.0.s8.s32 v16;
	v17 =	vimm.s32 $0xDAD8D2D0;
	v12 =	vcombine.low v13, v12  }
0x2a: {  	v13 =	vsel vm6, $0x100, v14;
	v14 =	vimm.s32 $0xEAE8E2E0;
	v17 =	vunpack.c.0.s8.s32 v17  }
0x2b: {  	v18 =	vsel vm0, v19, v18;
	v19 =	vsel vm0, v21, v20;
	v20 =	vimm.s32 $0xAEACA6A4  }
0x2c: {  	v21 =	vimm.s32 $0x4E4C4644;
	v13 =	vsel vm7, $0x102, v13;
	v14 =	vunpack.c.0.s8.s32 v14  }
0x2d: {  	v18 =	vcombine.low v19, v18;
	v19 =	vsel vm0, v23, v22;
	v22 =	vimm.s32 $0x5E5C5654  }
0x2e: {  	v20 =	vunpack.c.0.s8.s32 v20;
	v23 =	vimm.s32 $0xBEBCB6B4;
	v21 =	vunpack.c.0.s8.s32 v21  }
0x2f: {  	v13 =	vsel vm8, $0x108, v13;
	v12 =	vand.u32 $0xFF, v12;
	v23 =	vunpack.c.0.s8.s32 v23  }
0x30: {  	v22 =	vunpack.c.0.s8.s32 v22;
	v13 =	vsel vm9, $0x10A, v13;
	v14 =	vsel vm0, v15, v14  }
0x31: {  	v15 =	vsel vm0, v17, v16;
	v16 =	vimm.s32 $0x1BA;
	v17 =	vimm.s32 $0x1FA  }
0x32: {  	v13 =	vsel vm10, $0x110, v13;
	v14 =	vcombine.low v15, v14;
	v16 =	vsel vm6, $0x180, v16  }
0x33: {  	v17 =	vsel vm6, $0x1C0, v17;
	v20 =	vsel vm0, v23, v20;
	v23 =	vsel vm0, v25, v24  }
0x34: {  	v24 =	vsel vm6, $0x104, v26;
	v25 =	vimm.s32 $0xEEECE6E4;
	v26 =	vimm.s32 $0xFEFCF6F4  }
0x35: {  	v21 =	vsel vm0, v22, v21;
	v13 =	vsel vm11, $0x112, v13;
	v16 =	vsel vm7, $0x182, v16  }
0x36: {  	v17 =	vsel vm7, $0x1C2, v17;
	v24 =	vsel vm7, $0x106, v24;
	v25 =	vunpack.c.0.s8.s32 v25  }
0x37: {  	v26 =	vunpack.c.0.s8.s32 v26;
	v20 =	vcombine.low v23, v20;
	v19 =	vcombine.low v21, v19  }
0x38: {  	v13 =	vsel vm12, $0x118, v13;
	v16 =	vsel vm8, $0x188, v16;
	v17 =	vsel vm8, $0x1C8, v17  }
0x39: {  	v24 =	vsel vm8, $0x10C, v24;
	v13 =	vsel vm13, $0x11A, v13;
	v16 =	vsel vm9, $0x18A, v16  }
0x3a: {  	v17 =	vsel vm9, $0x1CA, v17;
	v24 =	vsel vm9, $0x10E, v24;
	v23 =	vsel vm0, v26, v25  }
0x3b: {  	v20 =	vand.u32 $0xFF, v20;
	v25 =	vimm.s32 $0x1FE;
	v26 =	vimm.s32 $0xBA983210  }
0x3c: {  	v13 =	vsel vm14, $0x120, v13;
	v16 =	vsel vm10, $0x190, v16;
	v17 =	vsel vm10, $0x1D0, v17  }
0x3d: {  	v24 =	vsel vm10, $0x114, v24;
	v25 =	vsel vm6, $0x1C4, v25;
	v26 =	vunpack.c.l.s4.s8 v26  }
0x3e: {  	v13 =	vsel vm15, $0x122, v13;
	v16 =	vsel vm11, $0x192, v16;
	v17 =	vsel vm11, $0x1D2, v17  }
0x3f: {  	v22 =	vsel vm11, $0x116, v24;
	v24 =	vsel vm0, v28, v27;
	v25 =	vsel vm7, $0x1C6, v25  }
0x40: {  	v27 =	vimm.s32 $0x13121110;
	v28 =	vimm.s32 $0x1B1A1918;
	v13 =	vsel vm4, $0x128, v13  }
0x41: {  	v16 =	vsel vm12, $0x198, v16;
	v17 =	vsel vm12, $0x1D8, v17;
	v22 =	vsel vm12, $0x11C, v22  }
0x42: {  	v21 =	vcombine.low v24, v23;
	v23 =	vimm.s32 $0x17E;
	v24 =	vimm.s32 $0x1BE  }
0x43: {  	v25 =	vsel vm8, $0x1CC, v25;
	v27 =	vunpack.c.0.s8.s32 v27;
	v28 =	vunpack.c.0.s8.s32 v28  }
0x44: {  	v26 =	vunpack.c.0.s8.s32 v26;
	v13 =	vsel vm5, $0x12A, v13;
	v16 =	vsel vm13, $0x19A, v16  }
0x45: {  	v17 =	vsel vm13, $0x1DA, v17;
	v22 =	vsel vm13, $0x11E, v22;
	v23 =	vsel vm6, $0x144, v23  }
0x46: {  	v24 =	vsel vm6, $0x184, v24;
	v25 =	vsel vm9, $0x1CE, v25;
	v15 =	vsel vm3, $0x130, v13  }
0x47: {  	v13 =	vand.u32 $0xFF, v14;
	v16 =	vsel vm14, $0x1A0, v16;
	v17 =	vsel vm14, $0x1E0, v17  }
0x48: {  	v22 =	vsel vm14, $0x124, v22;
	v21 =	vand.u32 $0xFF, v21;
	v23 =	vsel vm7, $0x146, v23  }
0x49: {  	v24 =	vsel vm7, $0x186, v24;
	v25 =	vsel vm10, $0x1D4, v25;
	v27 =	vsel vm0, v28, v27  }
0x4a: {  	v26 =	vand.u32 $0xF, v26;
	v28 =	vimm.s32 $0x33323130;
	v14 =	vsel vm2, $0x132, v15  }
0x4b: {  	v15 =	vimm.s32 $0x17A;
	v16 =	vsel vm15, $0x1A2, v16;
	v17 =	vsel vm15, $0x1E2, v17  }
0x4c: {  	v22 =	vsel vm15, $0x126, v22;
	v23 =	vsel vm8, $0x14C, v23;
	v24 =	vsel vm8, $0x18C, v24  }
0x4d: {  	v25 =	vsel vm11, $0x1D6, v25;
	v28 =	vunpack.c.0.s8.s32 v28;
	v26 =	vcombine.low v26, v27  }
0x4e: {  	v27 =	vsel vm0, v31, v30;
	v30 =	vimm.s32 $0x4B4A4948;
	v31 =	vimm.s32 $0x73727170  }
0x4f: {  	v15 =	vsel vm6, $0x140, v15;
	v14 =	vsel vm1, $0x138, v14;
	v25 =	vsel vm12, $0x1DC, v25  }
0x50: {  	v30 =	vunpack.c.0.s8.s32 v30;
	[tilespmem:$0x1FD40] =	vst v26;
	v26 =	vsel vm0, v29, v28;
	v29 =	vimm.s32 $0x43424140  }
0x51: {  	v31 =	vunpack.c.0.s8.s32 v31;
	v25 =	vsel vm13, $0x1DE, v25;
	v29 =	vunpack.c.0.s8.s32 v29  }
0x52: {  	v28 =	vsel vm0, v33, v32;
	v25 =	vsel vm14, $0x1E4, v25;
	v26 =	vcombine.low v27, v26  }
0x53: {  	v32 =	vunpack.c.0.s8.s32 v62;
	v25 =	vsel vm15, $0x1E6, v25;
	v29 =	vsel vm0, v30, v29  }
0x54: {  	v25 =	vsel vm4, $0x1EC, v25;
	v30 =	vunpack.c.0.s8.s32 v63;
	[tilespmem:$0x1FD50] =	vst v26;
	v26 =	vcombine.low v29, v28  }
0x55: {  	v33 =	vunpack.c.0.s8.s32 v39;
	v25 =	vsel vm5, $0x1EE, v25;
	v28 =	vimm.s32 $0x93929190  }
0x56: {  	v29 =	vimm.s32 $0x9B9A9998;
	v27 =	vsel vm0, v36, v30;
	[tilespmem:$0x1FD60] =	vst v26;
	v26 =	vsel vm0, v32, v31  }
0x57: {  	v25 =	vsel vm3, $0x1F4, v25;
	v30 =	vimm.s32 $0xB3B2B1B0;
	v26 =	vcombine.low v27, v26  }
0x58: {  	v36 =	vimm.s32 $0x2F2E2D2C;
	v30 =	vunpack.c.0.s8.s32 v30;
	v27 =	vunpack.c.0.s8.s32 v29  }
0x59: {  	v29 =	vimm.s32 $0x8B8A8988;
	[tilespmem:$0x1FD70] =	vst v26;
	v26 =	vunpack.c.0.s8.s32 v28;
	v28 =	vimm.s32 $0x83828180  }
0x5a: {  	v31 =	vimm.s32 $0xBBBAB9B8;
	v29 =	vunpack.c.0.s8.s32 v29;
	v28 =	vunpack.c.0.s8.s32 v28  }
0x5b: {  	v32 =	vunpack.c.0.s8.s32 v37;
	v42 =	vsel vm2, $0x1F6, v25;
	v31 =	vunpack.c.0.s8.s32 v31  }
0x5c: {  	v26 =	vsel vm0, v27, v26;
	v27 =	vsel vm0, v29, v28;
	v28 =	vimm.s32 $0xD3D2D1D0  }
0x5d: {  	v29 =	vsel vm0, v31, v30;
	v30 =	vsel vm0, v33, v32;
	v31 =	vimm.s32 $0xDBDAD9D8  }
0x5e: {  	v32 =	vunpack.c.0.s8.s32 v40;
	v33 =	vunpack.c.0.s8.s32 v41;
	v28 =	vunpack.c.0.s8.s32 v28  }
0x5f: {  	v31 =	vunpack.c.0.s8.s32 v31;
	v25 =	vcombine.low v30, v29;
	v30 =	vimm.s32 $0xE3E2E1E0  }
0x60: {  	v26 =	vcombine.low v27, v26;
	v29 =	vimm.s32 $0xF3F2F1F0;
	v30 =	vunpack.c.0.s8.s32 v30  }
0x61: {  	v27 =	vsel vm0, v31, v28;
	v28 =	vsel vm0, v33, v32;
	v31 =	vimm.s32 $0xFEDC7654  }
0x62: {  	v32 =	vunpack.c.0.s8.s32 v43;
	v33 =	vunpack.c.0.s8.s32 v44;
	v27 =	vcombine.low v28, v27  }
0x63: {  	v28 =	vunpack.c.0.s8.s32 v29;
	v29 =	vimm.s32 $0xFBFAF9F8;
	v31 =	vunpack.c.l.s4.s8 v31  }
0x64: {  	v16 =	vsel vm4, $0x1A8, v16;
	v36 =	vunpack.c.0.s8.s32 v36;
	v29 =	vunpack.c.0.s8.s32 v29  }
0x65: {  	v30 =	vsel vm0, v32, v30;
	v45 =	vsel vm0, v35, v33;
	v31 =	vunpack.c.0.s8.s32 v31  }
0x66: {  	v35 =	vunpack.c.0.s8.s32 v47;
	v28 =	vsel vm0, v29, v28;
	v29 =	vimm.s32 $0x37363534  }
0x67: {  	v31 =	vand.u32 $0xF, v31;
	v46 =	vunpack.c.0.s8.s32 v29;
	v29 =	vimm.s32 $0x3F3E3D3C  }
0x68: {  	v28 =	vcombine.low v30, v28;
	v37 =	vunpack.c.0.s8.s32 v29;
	v30 =	vcombine.low v31, v45  }
0x69: {  	v17 =	vsel vm4, $0x1E8, v17;
	v22 =	vsel vm4, $0x12C, v22;
	v31 =	vsel vm0, v36, v35  }
0x6a: {  	s0 =	rddreg [dreg:$0x0];
	v36 =	vunpack.c.0.s8.s32 v53;
	[tilespmem:$0x1FD80] =	vst v30;
	v30 =	vsel vm0, v37, v46;
	v37 =	vunpack.c.0.s8.s32 v54  }
0x6b: {  	s1 =	rddreg [dreg:$0x1];
	v23 =	vsel vm9, $0x14E, v23;
	v29 =	vsel vm1, $0x1FC, v42;
	v30 =	vcombine.low v31, v30  }
0x6c: {  	s2 =	rddreg [dreg:$0x2];
	s4 =	simm.s32 $0x0;
	v42 =	vsel vm0, v37, v36;
	v37 =	vunpack.c.0.s8.s32 v61;
	v61 =	vmul.u32 $0x2, v38  }
0x6d: {  	[smem:$0x7FF] =	sst s4;
	v24 =	vsel vm9, $0x18E, v24;
	v15 =	vsel vm7, $0x142, v15;
	v16 =	vsel vm5, $0x1AA, v16;
	[tilespmem:$0x1FD90] =	vst v30  }
0x6e: {  	s30 =	rddreg [dreg:$0x3];
	v17 =	vsel vm5, $0x1EA, v17;
	v22 =	vsel vm5, $0x12E, v22;
	v26 =	vand.u32 $0xFF, v26;
	_ =	strace $0x80000047;
	[tilespmem:$0x1FDC0] =	vst v61  }
0x6f: {  	v23 =	vsel vm10, $0x154, v23;
	v24 =	vsel vm10, $0x194, v24;
	v25 =	vand.u32 $0xFF, v25;
	[tilespmem:$0x1FDE0] =	vst v26  }
0x70: {  	v39 =	vimm.s32 $0x97969594;
	v62 =	vimm.s32 $0xD7D6D5D4;
	v15 =	vsel vm8, $0x148, v15;
	[tilespmem:$0x1FDF0] =	vst v25  }
0x71: {  	v16 =	vsel vm3, $0x1B0, v16;
	v17 =	vsel vm3, $0x1F0, v17;
	v22 =	vsel vm3, $0x134, v22;
	[tilespmem:$0x1FE80] =	vst v0  }
0x72: {  	v23 =	vsel vm11, $0x156, v23;
	v24 =	vsel vm11, $0x196, v24;
	v15 =	vsel vm9, $0x14A, v15;
	[tilespmem:$0x1FE90] =	vst v2  }
0x73: {  	v16 =	vsel vm2, $0x1B2, v16;
	v17 =	vsel vm2, $0x1F2, v17;
	v15 =	vsel vm10, $0x150, v15;
	[tilespmem:$0x1FEA0] =	vst v3  }
0x74: {  	v22 =	vsel vm2, $0x136, v22;
	v23 =	vsel vm12, $0x15C, v23;
	v15 =	vsel vm11, $0x152, v15;
	[tilespmem:$0x1FEB0] =	vst v4  }
0x75: {  	v24 =	vsel vm12, $0x19C, v24;
	v16 =	vsel vm1, $0x1B8, v16;
	v15 =	vsel vm12, $0x158, v15;
	[tilespmem:$0x1FEC0] =	vst v5  }
0x76: {  	v17 =	vsel vm1, $0x1F8, v17;
	v22 =	vsel vm1, $0x13C, v22;
	v15 =	vsel vm13, $0x15A, v15;
	[tilespmem:$0x1FED0] =	vst v6  }
0x77: {  	v23 =	vsel vm13, $0x15E, v23;
	v24 =	vsel vm13, $0x19E, v24;
	v15 =	vsel vm14, $0x160, v15;
	[tilespmem:$0x1FEE0] =	vst v7  }
0x78: {  	v63 =	vunpack.c.0.s8.s32 v62;
	v23 =	vsel vm14, $0x164, v23;
	v15 =	vsel vm15, $0x162, v15;
	[tilespmem:$0x1FEF0] =	vst v8  }
0x79: {  	v24 =	vsel vm14, $0x1A4, v24;
	v23 =	vsel vm15, $0x166, v23;
	v15 =	vsel vm4, $0x168, v15;
	[tilespmem:$0x1FF00] =	vst v10  }
0x7a: {  	v24 =	vsel vm15, $0x1A6, v24;
	v23 =	vsel vm4, $0x16C, v23;
	v15 =	vsel vm5, $0x16A, v15;
	[tilespmem:$0x1FF10] =	vst v11  }
0x7b: {  	v24 =	vsel vm4, $0x1AC, v24;
	v23 =	vsel vm5, $0x16E, v23;
	v15 =	vsel vm3, $0x170, v15;
	[tilespmem:$0x1FF20] =	vst v12  }
0x7c: {  	v24 =	vsel vm5, $0x1AE, v24;
	v23 =	vsel vm3, $0x174, v23;
	v15 =	vsel vm2, $0x172, v15;
	[tilespmem:$0x1FF30] =	vst v13  }
0x7d: {  	v24 =	vsel vm3, $0x1B4, v24;
	v23 =	vsel vm2, $0x176, v23;
	v15 =	vsel vm1, $0x178, v15;
	[tilespmem:$0x1FF40] =	vst v14  }
0x7e: {  	s15 =	srdreg.scid;
	s6 =	stileid.u32;
	v40 =	vimm.s32 $0x9F9E9D9C;
	v32 =	vunpack.c.0.s8.s32 v49;
	v33 =	vunpack.c.0.s8.s32 v50;
	[tilespmem:$0x1FF50] =	vst v15  }
0x7f: {  	s28 =	simm.s32 $0x3;
	s29 =	simm.s32 $0x7800;
	s31 =	simm.s32 $0x1E000;
	v24 =	vsel vm2, $0x1B6, v24;
	v23 =	vsel vm1, $0x17C, v23;
	v55 =	vunpack.c.0.s8.s32 v40;
	[tilespmem:$0x1FF60] =	vst v16  }
0x80: {  	s3 =	sadd.s32 $0x1C00, s2;
	s5 =	sadd.s32 $0x2000, s2;
	s7 =	smul.u32 $0x1E8, s6;
	v40 =	vsel vm0, v33, v32;
	v32 =	vunpack.c.0.s8.s32 v56;
	v33 =	vunpack.c.0.s8.s32 v57;
	[tilespmem:$0x1FF70] =	vst v17  }
0x81: {  	s9 =	sadd.s32 $0x3F400, s2;
	s8 =	sadd.s32 $0x1E00, s2;
	s10 =	smin.u32 s6, $0x4;
	v24 =	vsel vm1, $0x1BC, v24;
	v43 =	vimm.s32 $0xDFDEDDDC;
	v35 =	vunpack.c.0.s8.s32 v52;
	[tilespmem:$0x1FF80] =	vst v18  }
0x82: {  	s11 =	sadd.s32 $0x7C600, s2;
	s12 =	sor.u32 s10, s7;
	v57 =	vimm.s32 $0xFFFEFDFC;
	v32 =	vsel vm0, v33, v32;
	v52 =	vimm.s32 $0xC7C6C5C4;
	[dreg:$0x5] =	wrdreg s3;
	[tilespmem:$0x1FF90] =	vst v19  }
0x83: {  	s13 =	sadd.s32 $0x7C800, s2;
	s7 =	sadd.s32 $0x1E8, s12;
	v53 =	vunpack.c.0.s8.s32 v52;
	v41 =	vsel vm0, v35, v34;
	v34 =	vunpack.c.0.s8.s32 v58;
	[dreg:$0x7] =	wrdreg s5;
	[tilespmem:$0x1FFA0] =	vst v20  }
0x84: {  	s19 =	sshll.u32 s6, $0x1;
	s20 =	sshll.u32 s7, $0x5;
	v35 =	vunpack.c.0.s8.s32 v59;
	v54 =	vimm.s32 $0xCFCECDCC;
	v58 =	vunpack.c.0.s8.s32 v57;
	[dreg:$0x9] =	wrdreg s8;
	[tilespmem:$0x1FFB0] =	vst v21  }
0x85: {  	p0 =	sgt.u32 s6, $0x3;
	s10 =	sadd.s32 s9, s20;
	v59 =	vimm.s32 $0xE7E6E5E4;
	v31 =	vimm.s32 $0x5F5E5D5C;
	v56 =	vunpack.c.0.s8.s32 v54;
	[dreg:$0xb] =	wrdreg s11;
	[tilespmem:$0x1FFC0] =	vst v22  }
0x86: {  	p1 =	sne.s32 s6, $0xF;
	s7 =	sshll.u32 s7, $0x9;
	v31 =	vunpack.c.0.s8.s32 v31;
	v36 =	vunpack.c.0.s8.s32 v60;
	v49 =	vsel vm0, v35, v34;
	[dreg:$0xd] =	wrdreg s10;
	[tilespmem:$0x1FFD0] =	vst v23  }
0x87: {  	v60 =	vimm.s32 $0xEFEEEDEC;
	v30 =	vunpack.c.0.s8.s32 v48;
	v48 =	vunpack.c.0.s8.s32 v43;
	s3 =	sadd.s32 $0x2200, s2;
	s5 =	sand.u32 $0x1, s15;
	[tilespmem:$0x1FFE0] =	vst v24;
	[dreg:$0x8] =	wrdreg s9  }
0x88: {  	v43 =	vunpack.c.0.s8.s32 v60;
	v44 =	vsel vm0, v56, v53;
	v62 =	vor.u32 $0x1, v61;
	s2 =	simm.s32 $0x1400;
	s15 =	simm.s32 $0x1;
	[tilespmem:$0x1FFF0] =	vst v29;
	[dreg:$0xa] =	wrdreg s12  }
0x89: {  	v25 =	vand.u32 $0xFF, v27;
	v30 =	vsel vm0, v31, v30;
	v31 =	vunpack.c.0.s8.s32 v39;
	s16 =	ssub.s32 $0x2, s5;
	s14 =	smul.u32 $0x3D0900, s5;
	s8 =	sor.u32 s5, s19;
	[tilespmem:$0x1FDA0] =	vst v62  }
0x8a: {  	v50 =	vsel vm0, v37, v36;
	s21 =	sadd.s32 s3, s20;
	v51 =	vsel vm0, v48, v63;
	s5 =	smul.u32 $0x7A120, s5;
	[tilespmem:$0x1FE00] =	vst v25;
	v25 =	vand.u32 $0xFF, v28;
	[dreg:$0x6] =	wrdreg s3  }
0x8b: {  	v63 =	vor.u32 $0x20, v61;
	s19 =	simm.s32 $0x11800;
	s17 =	sshrl.u32 s16, $0x1;
	[dreg:$0xc] =	wrdreg s21;
	[tilespmem:$0x1FE10] =	vst v25;
	v25 =	vcombine.low v40, v30;
	v31 =	vsel vm0, v55, v31  }
0x8c: {  	v39 =	vunpack.c.0.s8.s32 v59;
	[tilespmem:$0x1FDB0] =	vst v63;
	s18 =	ssub.s32 s16, s17;
	s7 =	sadd.s32 s14, s7;
	s17 =	smul.u32 $0x19000, s8;
	v55 =	vimm.s32 $0xF7F6F5F4;
	v31 =	vcombine.low v32, v31  }
0x8d: {  	s22 =	sshrl.u32 s14, $0x3;
	s7 =	sshrl.u32 s7, $0x3;
	v34 =	vunpack.c.0.s8.s32 v55;
	s26 =	smax.u32 s18, $0x1;
	v32 =	vor.u32 $0x21, v61;
	[tilespmem:$0x1FE20] =	vst v25;
	v25 =	vcombine.low v42, v41  }
0x8e: {  	v46 =	vcombine.low v50, v49;
	v47 =	vcombine.low v44, v51;
	s21 =	sadd.s32 s13, s5;
	s7 =	sadd.s32 s13, s7;
	[dreg:$0x13] =	wrdreg s26;
	[tilespmem:$0x1FDD0] =	vst v32  }
0x8f: {  	v39 =	vsel vm0, v43, v39;
	s23 =	sadd.s32 s13, s22;
	s25 =	sadd.s32 $0x2800, s17;
	[dreg:$0xe] =	wrdreg s7;
	v37 =	vsel vm0, v58, v34;
	[tilespmem:$0x1FE30] =	vst v25;
	v25 =	vand.u32 $0xFF, v31  }
0x90: {  	v1 =	vand.u32 $0x1, v38;
	s24 =	sshrl.u32 s17, $0x3;
	s7 =	sadd.s32 $0x7A100, s23;
	[dreg:$0x12] =	wrdreg s25;
	v39 =	vcombine.low v39, v37;
	[tilespmem:$0x1FE40] =	vst v25;
	v25 =	vand.u32 $0xFF, v46  }
0x91: {  	v1 =	vmul.u32 $0x2, v1;
	s16 =	simm.s32 $0x2;
	s1 =	sadd.s32 s1, s24;
	[dreg:$0xf] =	wrdreg s7;
	[tilespmem:$0x1FE50] =	vst v25;
	v25 =	vand.u32 $0xFF, v47  }
0x92: {  	s26 =	simm.s32 $0x1B800;
	s0 =	sadd.s32 s0, s24;
	[dreg:$0x10] =	wrdreg s1;
	[tilespmem:$0x1FE60] =	vst v25;
	v25 =	vand.u32 $0xFF, v39  }
0x93: {  	v9 =	vor.u32 $0x4, v1;
	v38 =	vmul.u32 $0x8, v38;
	s23 =	sadd.s32 $0x1400, s17;
	[dreg:$0x11] =	wrdreg s0;
	s1 =	simm.s32 $0x0;
	[tilespmem:$0x1FE70] =	vst v25  }
.LBB2_1:
0x94: {  	s5 =	simm.s32 $0x0  }
.LBB2_2:
0x95: {  	s10 =	simm.s32 $0x0;
	s7 =	simm.s32 $0x10  }
0x96: {  	s8 =	simm.s32 $0x70;
	s6 =	simm.s32 $0x20;
	s11 =	simm.s32 $0x30;
	v25 =	vmov s10;
	v27 =	vmov s7  }
0x97: {  	s18 =	simm.s32 $0x40;
	s20 =	simm.s32 $0x50;
	s22 =	simm.s32 $0x60;
	v28 =	vmov s8;
	v30 =	vmov s6;
	v31 =	vmov s11  }
0x98: {  	v40 =	vmov s18;
	v41 =	vmov s20;
	v42 =	vmov s22  }
0x99: {  	v26 =	vshrl.u32 v25, $0x2;
	v39 =	vshrl.u32 v28, $0x2;
	v28 =	vshrl.u32 v28, $0x7  }
0x9a: {  	v49 =	vshrl.u32 v27, $0x2;
	v50 =	vshrl.u32 v30, $0x2;
	v51 =	vshrl.u32 v31, $0x2  }
0x9b: {  	v59 =	vshrl.u32 v40, $0x2;
	v52 =	vshrl.u32 v41, $0x2;
	v53 =	vshrl.u32 v42, $0x2  }
0x9c: {  	v27 =	vshrl.u32 v27, $0x7;
	v30 =	vshrl.u32 v30, $0x7;
	v31 =	vshrl.u32 v31, $0x7  }
0x9d: {  	v40 =	vshrl.u32 v40, $0x7;
	v41 =	vshrl.u32 v41, $0x7;
	v42 =	vshrl.u32 v42, $0x7  }
0x9e: {  	s24 =	sshll.u32 s5, $0x3;
	v55 =	vshrl.u32 v25, $0x7;
	v39 =	vand.u32 $0x1C0, v39;
	v28 =	vand.u32 $0x1, v28  }
0x9f: {  	s7 =	sadd.s32 s12, s24;
	v49 =	vand.u32 $0x1C0, v49;
	v50 =	vand.u32 $0x1C0, v50;
	v51 =	vand.u32 $0x1C0, v51  }
0xa0: {  	s8 =	sshll.u32 s7, $0x5;
	v52 =	vand.u32 $0x1C0, v52;
	v26 =	vand.u32 $0x1C0, v26;
	v53 =	vand.u32 $0x1C0, v53  }
0xa1: {  	s25 =	sadd.s32 s3, s8;
	v57 =	vand.u32 $0x1, v27;
	v58 =	vand.u32 $0x1, v30;
	v31 =	vand.u32 $0x1, v31  }
0xa2: {  	v40 =	vand.u32 $0x1, v40;
	v60 =	vand.u32 $0x1, v55;
	v41 =	vand.u32 $0x1, v41;
	[tilespmem:s26], [sflag:$0x3] =	stream.linear.gather [hbm4b:s25+s10], $0x800, $0x38;
	[tilespmem:$0x1E050] =	vst v63  }
0xa3: {  	v42 =	vand.u32 $0x1, v42;
	v39 =	vshll.u32 v39, $0x3;
	v49 =	vshll.u32 v49, $0x3;
	_ =	swait.ge [sflag:s28], $0x800  }
0xa4: {  	v50 =	vshll.u32 v50, $0x3;
	v51 =	vshll.u32 v51, $0x3;
	v26 =	vshll.u32 v26, $0x3;
	[sflag:s28] =	ssyncset.done $0x0  }
0xa5: {  	v52 =	vshll.u32 v52, $0x3;
	v53 =	vshll.u32 v53, $0x3;
	s10 =	simm.s32 $0x1B840;
	v39 =	vor.u32 v2, v39;
	[sflag:s28] =	ssyncadd.s32 $0xFFFFF800  }
0xa6: {  	v49 =	vor.u32 v8, v49;
	v50 =	vor.u32 v7, v50;
	v51 =	vor.u32 v6, v51;
	v54 =	vld [tilespmem:s10+$0x30]  }
0xa7: {  	v52 =	vor.u32 v4, v52;
	v56 =	vor.u32 v0, v26;
	v28 =	vor.u32 v39, v28;
	v25 =	vld [tilespmem:s10+$0xFFFFFFC0]  }
0xa8: {  	v53 =	vor.u32 v3, v53;
	v39 =	vand.u32 $0x1C0, v59;
	v28 =	vor.u32 v1, v28;
	v26 =	vld [tilespmem:s10+$0xFFFFFFD0]  }
0xa9: {  	v49 =	vor.u32 v49, v57;
	v61 =	vor.u32 v50, v58;
	v62 =	vor.u32 v51, v31;
	v27 =	vld [tilespmem:s10+$0xFFFFFFE0]  }
0xaa: {  	v63 =	vor.u32 v52, v41;
	v51 =	vor.u32 v53, v42;
	v39 =	vshll.u32 v39, $0x3;
	v30 =	vld [tilespmem:s10+$0xFFFFFFF0]  }
0xab: {  	v52 =	vor.u32 v56, v60;
	v50 =	vor.u32 v1, v49;
	v39 =	vor.u32 v5, v39;
	v31 =	vld [tilespmem:s10+$0x10]  }
0xac: {  	v49 =	vor.u32 v1, v61;
	v42 =	vor.u32 v1, v62;
	v40 =	vor.u32 v39, v40;
	v39 =	vld [tilespmem:s10+$0x20]  }
0xad: {  	s11 =	simm.s32 $0x0;
	s20 =	simm.s32 $0x80;
	v41 =	vor.u32 v1, v40;
	v40 =	vor.u32 v1, v63;
	[tilespmem:v28+s29+$0x0] =	vst.idx.msk $0xffff, v54;
	v28 =	vld [tilespmem:s10+$0x0]  }
.LBB2_3:
0xae: {  	v53 =	vmov s20;
	s22 =	sadd.s32 $0x10, s20;
	s24 =	sadd.s32 $0x70, s20;
	s11 =	sadd.s32 $0x8, s11;
	v52 =	vor.u32 v1, v52;
	v51 =	vor.u32 v1, v51  }
0xaf: {  	s25 =	sadd.s32 $0x30, s20;
	v54 =	vshrl.u32 v53, $0x2;
	v55 =	vmov s22;
	s22 =	sadd.s32 $0x20, s20;
	v56 =	vmov s24;
	p2 =	slt.u32 s11, $0x78  }
0xb0: {  	v58 =	vmov s25;
	s24 =	sadd.s32 $0x50, s20;
	s25 =	sadd.s32 $0x60, s20;
	v57 =	vmov s22;
	s22 =	sadd.s32 $0x40, s20;
	v59 =	vshrl.u32 v56, $0x2  }
0xb1: {  	v61 =	vmov s24;
	v60 =	vmov s22;
	v59 =	vand.u32 $0x1C0, v59;
	[tilespmem:v50+s29+$0x0] =	vst.idx.msk $0xffff, v26  }
0xb2: {  	v50 =	vmov s25;
	v26 =	vshrl.u32 v56, $0x7;
	v56 =	vshll.u32 v59, $0x3;
	[tilespmem:v49+s29+$0x0] =	vst.idx.msk $0xffff, v27  }
0xb3: {  	v27 =	vshrl.u32 v55, $0x2;
	v26 =	vand.u32 $0x1, v26;
	v49 =	vor.u32 v2, v56;
	[tilespmem:v42+s29+$0x0] =	vst.idx.msk $0xffff, v30  }
0xb4: {  	s10 =	sadd.s32 $0x80, s10;
	v30 =	vshrl.u32 v57, $0x2;
	v42 =	vshrl.u32 v58, $0x2;
	v26 =	vor.u32 v49, v26;
	[tilespmem:v41+s29+$0x0] =	vst.idx.msk $0xffff, v28  }
0xb5: {  	v28 =	vshrl.u32 v60, $0x2;
	v41 =	vshrl.u32 v61, $0x2;
	v49 =	vld [tilespmem:s10+$0x30];
	v56 =	vor.u32 v1, v26;
	[tilespmem:v40+s29+$0x0] =	vst.idx.msk $0xffff, v31  }
0xb6: {  	v27 =	vand.u32 $0x1C0, v27;
	v30 =	vand.u32 $0x1C0, v30;
	v31 =	vshrl.u32 v50, $0x2;
	v40 =	vld [tilespmem:s10+$0xFFFFFFC0];
	[tilespmem:v51+s29+$0x0] =	vst.idx.msk $0xffff, v39  }
0xb7: {  	v28 =	vand.u32 $0x1C0, v28;
	v41 =	vand.u32 $0x1C0, v41;
	v39 =	vand.u32 $0x1C0, v42;
	v26 =	vld [tilespmem:s10+$0xFFFFFFD0];
	[tilespmem:v52+s29+$0x0] =	vst.idx.msk $0xffff, v25  }
0xb8: {  	v42 =	vshll.u32 v27, $0x3;
	v31 =	vand.u32 $0x1C0, v31;
	v25 =	vand.u32 $0x1C0, v54;
	v27 =	vld [tilespmem:s10+$0xFFFFFFE0]  }
0xb9: {  	v51 =	vshll.u32 v30, $0x3;
	v52 =	vshll.u32 v39, $0x3;
	v54 =	vshll.u32 v28, $0x3;
	v30 =	vld [tilespmem:s10+$0xFFFFFFF0]  }
0xba: {  	v41 =	vshll.u32 v41, $0x3;
	v62 =	vshll.u32 v31, $0x3;
	v59 =	vshll.u32 v25, $0x3;
	v28 =	vld [tilespmem:s10+$0x0];
	[tilespmem:v56+s29+$0x0] =	vst.idx.msk $0xffff, v49  }
0xbb: {  	v49 =	vshrl.u32 v55, $0x7;
	v55 =	vshrl.u32 v57, $0x7;
	v56 =	vshrl.u32 v58, $0x7;
	v31 =	vld [tilespmem:s10+$0x10];
	v25 =	vmovc v40  }
0xbc: {  	v50 =	vshrl.u32 v50, $0x7;
	v57 =	vshrl.u32 v61, $0x7;
	v40 =	vshrl.u32 v60, $0x7;
	v39 =	vld [tilespmem:s10+$0x20]  }
0xbd: {  	v53 =	vshrl.u32 v53, $0x7;
	v42 =	vor.u32 v8, v42;
	v51 =	vor.u32 v7, v51  }
0xbe: {  	v41 =	vor.u32 v4, v41;
	v52 =	vor.u32 v6, v52;
	v54 =	vor.u32 v5, v54  }
0xbf: {  	v58 =	vor.u32 v0, v59;
	v59 =	vor.u32 v3, v62;
	v49 =	vand.u32 $0x1, v49  }
0xc0: {  	v55 =	vand.u32 $0x1, v55;
	v56 =	vand.u32 $0x1, v56;
	v40 =	vand.u32 $0x1, v40  }
.Ltmp0:
0xc1: {  	v53 =	vand.u32 $0x1, v53;
	v50 =	vand.u32 $0x1, v50;
	v57 =	vand.u32 $0x1, v57;
	(pc) =	sbr.rel @p2 .LBB2_3-.Ltmp0, $4  }
0xc2: {  	v42 =	vor.u32 v42, v49;
	v49 =	vor.u32 v51, v55;
	v55 =	vor.u32 v52, v56  }
0xc3: {  	v51 =	vor.u32 v59, v50;
	v40 =	vor.u32 v54, v40;
	v54 =	vor.u32 v41, v57  }
0xc4: {  	v52 =	vor.u32 v58, v53;
	v50 =	vor.u32 v1, v42;
	v49 =	vor.u32 v1, v49  }
0xc5: {  	s20 =	sadd.s32 $0x80, s20;
	v42 =	vor.u32 v1, v55;
	v41 =	vor.u32 v1, v40;
	v40 =	vor.u32 v1, v54  }
0xc6: {  	_ =	sdelay $0x1  }
0xc7: {  	s10 =	simm.s32 $0x0;
	v52 =	vor.u32 v1, v52;
	s11 =	simm.s32 $0x10  }
0xc8: {  	v51 =	vor.u32 v1, v51;
	s20 =	simm.s32 $0x70;
	s18 =	simm.s32 $0x20;
	s22 =	simm.s32 $0x30;
	v53 =	vmov s10;
	v55 =	vmov s11  }
0xc9: {  	s24 =	simm.s32 $0x50;
	[tilespmem:v50+s29+$0x0] =	vst.idx.msk $0xffff, v26;
	s25 =	simm.s32 $0x60;
	v56 =	vmov s20;
	v57 =	vmov s18;
	v58 =	vmov s22  }
0xca: {  	[tilespmem:v49+s29+$0x0] =	vst.idx.msk $0xffff, v27;
	s22 =	simm.s32 $0x40;
	v50 =	vmov s24;
	v27 =	vmov s25;
	v54 =	vshrl.u32 v53, $0x2  }
0xcb: {  	[tilespmem:v42+s29+$0x0] =	vst.idx.msk $0xffff, v30;
	v59 =	vshrl.u32 v56, $0x2;
	v26 =	vmov s22;
	v45 =	vshrl.u32 v56, $0x7  }
0xcc: {  	[tilespmem:v41+s29+$0x0] =	vst.idx.msk $0xffff, v28;
	v30 =	vshrl.u32 v55, $0x2;
	v28 =	vshrl.u32 v57, $0x2;
	v60 =	vshrl.u32 v50, $0x2  }
0xcd: {  	v61 =	vshrl.u32 v27, $0x2;
	v63 =	vshrl.u32 v55, $0x7;
	v33 =	vshrl.u32 v57, $0x7  }
0xce: {  	v34 =	vshrl.u32 v58, $0x7;
	v50 =	vshrl.u32 v50, $0x7;
	v53 =	vshrl.u32 v53, $0x7  }
0xcf: {  	[tilespmem:v40+s29+$0x0] =	vst.idx.msk $0xffff, v31;
	v59 =	vand.u32 $0x1C0, v59;
	v47 =	vand.u32 $0x1, v45;
	v31 =	vshrl.u32 v26, $0x2  }
0xd0: {  	v30 =	vand.u32 $0x1C0, v30;
	v28 =	vand.u32 $0x1C0, v28;
	v40 =	vand.u32 $0x1C0, v60  }
0xd1: {  	v62 =	vand.u32 $0x1C0, v54;
	v44 =	vshrl.u32 v26, $0x7;
	v45 =	vshrl.u32 v27, $0x7  }
0xd2: {  	v49 =	vand.u32 $0x1, v63;
	v60 =	vand.u32 $0x1, v53;
	v50 =	vand.u32 $0x1, v50;
	[tilespmem:v51+s29+$0x0] =	vst.idx.msk $0xffff, v39  }
0xd3: {  	s8 =	sadd.s32 s9, s8;
	v46 =	vshll.u32 v59, $0x3;
	v59 =	vshrl.u32 v58, $0x2;
	v31 =	vand.u32 $0x1C0, v31;
	[tilespmem:v52+s29+$0x0] =	vst.idx.msk $0xffff, v25  }
0xd4: {  	v30 =	vshll.u32 v30, $0x3;
	v28 =	vshll.u32 v28, $0x3;
	v41 =	vshll.u32 v62, $0x3;
	[tilespmem:s26], [sflag:$0x3] =	stream.linear.gather [hbm4b:s8+s10], $0x800, $0x38;
	[tilespmem:$0x1E050] =	vst v63  }
0xd5: {  	v40 =	vshll.u32 v40, $0x3;
	v55 =	vand.u32 $0x1, v44;
	v56 =	vor.u32 v2, v46;
	_ =	swait.ge [sflag:s28], $0x800  }
0xd6: {  	v25 =	vand.u32 $0x1C0, v59;
	v39 =	vand.u32 $0x1C0, v61;
	v31 =	vshll.u32 v31, $0x3;
	[sflag:s28] =	ssyncset.done $0x0  }
0xd7: {  	v30 =	vor.u32 v8, v30;
	v46 =	vor.u32 v7, v28;
	v40 =	vor.u32 v4, v40;
	s8 =	simm.s32 $0x1B840;
	[sflag:s28] =	ssyncadd.s32 $0xFFFFF800  }
0xd8: {  	v41 =	vor.u32 v0, v41;
	v51 =	vand.u32 $0x1, v33;
	v25 =	vshll.u32 v25, $0x3;
	v35 =	vld [tilespmem:s8+$0x30]  }
0xd9: {  	v52 =	vand.u32 $0x1, v34;
	v42 =	vor.u32 v56, v47;
	v47 =	vor.u32 v6, v25;
	v25 =	vld [tilespmem:s8+$0xFFFFFFC0]  }
0xda: {  	v61 =	vand.u32 $0x1, v45;
	v39 =	vshll.u32 v39, $0x3;
	v42 =	vor.u32 v9, v42;
	v26 =	vld [tilespmem:s8+$0xFFFFFFD0]  }
0xdb: {  	v31 =	vor.u32 v5, v31;
	v49 =	vor.u32 v30, v49;
	v62 =	vor.u32 v46, v51;
	v27 =	vld [tilespmem:s8+$0xFFFFFFE0]  }
0xdc: {  	v40 =	vor.u32 v40, v50;
	v39 =	vor.u32 v3, v39;
	v55 =	vor.u32 v31, v55;
	v28 =	vld [tilespmem:s8+$0xFFFFFFF0]  }
0xdd: {  	v50 =	vor.u32 v9, v49;
	v49 =	vor.u32 v9, v62;
	v40 =	vor.u32 v9, v40;
	v30 =	vld [tilespmem:s8+$0x0]  }
0xde: {  	v63 =	vor.u32 v47, v52;
	v51 =	vor.u32 v39, v61;
	v52 =	vor.u32 v41, v60;
	v31 =	vld [tilespmem:s8+$0x10]  }
0xdf: {  	s11 =	simm.s32 $0x80;
	s10 =	simm.s32 $0x0;
	v41 =	vor.u32 v9, v55;
	v39 =	vld [tilespmem:s8+$0x20];
	[tilespmem:v42+s29+$0x0] =	vst.idx.msk $0xffff, v35;
	v42 =	vor.u32 v9, v63  }
.LBB2_5:
0xe0: {  	v53 =	vmov s11;
	s20 =	sadd.s32 $0x10, s11;
	s22 =	sadd.s32 $0x70, s11;
	s10 =	sadd.s32 $0x8, s10;
	v52 =	vor.u32 v9, v52;
	v51 =	vor.u32 v9, v51  }
0xe1: {  	s24 =	sadd.s32 $0x30, s11;
	v54 =	vshrl.u32 v53, $0x2;
	v55 =	vmov s20;
	s20 =	sadd.s32 $0x20, s11;
	v56 =	vmov s22;
	p2 =	slt.u32 s10, $0x78  }
0xe2: {  	v58 =	vmov s24;
	s22 =	sadd.s32 $0x50, s11;
	s24 =	sadd.s32 $0x60, s11;
	v57 =	vmov s20;
	s20 =	sadd.s32 $0x40, s11;
	v59 =	vshrl.u32 v56, $0x2  }
0xe3: {  	v61 =	vmov s22;
	v60 =	vmov s20;
	v59 =	vand.u32 $0x1C0, v59;
	[tilespmem:v50+s29+$0x0] =	vst.idx.msk $0xffff, v26  }
0xe4: {  	v50 =	vmov s24;
	v26 =	vshrl.u32 v56, $0x7;
	v56 =	vshll.u32 v59, $0x3;
	[tilespmem:v49+s29+$0x0] =	vst.idx.msk $0xffff, v27  }
0xe5: {  	v27 =	vshrl.u32 v55, $0x2;
	v26 =	vand.u32 $0x1, v26;
	v49 =	vor.u32 v2, v56;
	[tilespmem:v42+s29+$0x0] =	vst.idx.msk $0xffff, v28  }
0xe6: {  	s8 =	sadd.s32 $0x80, s8;
	v28 =	vshrl.u32 v57, $0x2;
	v42 =	vshrl.u32 v58, $0x2;
	v26 =	vor.u32 v49, v26;
	[tilespmem:v41+s29+$0x0] =	vst.idx.msk $0xffff, v30  }
0xe7: {  	v30 =	vshrl.u32 v60, $0x2;
	v41 =	vshrl.u32 v61, $0x2;
	v49 =	vld [tilespmem:s8+$0x30];
	v56 =	vor.u32 v9, v26;
	[tilespmem:v40+s29+$0x0] =	vst.idx.msk $0xffff, v31  }
0xe8: {  	v27 =	vand.u32 $0x1C0, v27;
	v28 =	vand.u32 $0x1C0, v28;
	v31 =	vshrl.u32 v50, $0x2;
	v40 =	vld [tilespmem:s8+$0xFFFFFFC0];
	[tilespmem:v51+s29+$0x0] =	vst.idx.msk $0xffff, v39  }
0xe9: {  	v30 =	vand.u32 $0x1C0, v30;
	v41 =	vand.u32 $0x1C0, v41;
	v39 =	vand.u32 $0x1C0, v42;
	v26 =	vld [tilespmem:s8+$0xFFFFFFD0];
	[tilespmem:v52+s29+$0x0] =	vst.idx.msk $0xffff, v25  }
0xea: {  	v42 =	vshll.u32 v27, $0x3;
	v31 =	vand.u32 $0x1C0, v31;
	v25 =	vand.u32 $0x1C0, v54;
	v27 =	vld [tilespmem:s8+$0xFFFFFFE0]  }
0xeb: {  	v51 =	vshll.u32 v28, $0x3;
	v52 =	vshll.u32 v39, $0x3;
	v54 =	vshll.u32 v30, $0x3;
	v28 =	vld [tilespmem:s8+$0xFFFFFFF0]  }
0xec: {  	v41 =	vshll.u32 v41, $0x3;
	v62 =	vshll.u32 v31, $0x3;
	v59 =	vshll.u32 v25, $0x3;
	v30 =	vld [tilespmem:s8+$0x0];
	[tilespmem:v56+s29+$0x0] =	vst.idx.msk $0xffff, v49  }
0xed: {  	v49 =	vshrl.u32 v55, $0x7;
	v55 =	vshrl.u32 v57, $0x7;
	v56 =	vshrl.u32 v58, $0x7;
	v31 =	vld [tilespmem:s8+$0x10];
	v25 =	vmovc v40  }
0xee: {  	v50 =	vshrl.u32 v50, $0x7;
	v57 =	vshrl.u32 v61, $0x7;
	v40 =	vshrl.u32 v60, $0x7;
	v39 =	vld [tilespmem:s8+$0x20]  }
0xef: {  	v53 =	vshrl.u32 v53, $0x7;
	v42 =	vor.u32 v8, v42;
	v51 =	vor.u32 v7, v51  }
0xf0: {  	v41 =	vor.u32 v4, v41;
	v52 =	vor.u32 v6, v52;
	v54 =	vor.u32 v5, v54  }
0xf1: {  	v58 =	vor.u32 v0, v59;
	v59 =	vor.u32 v3, v62;
	v49 =	vand.u32 $0x1, v49  }
0xf2: {  	v55 =	vand.u32 $0x1, v55;
	v56 =	vand.u32 $0x1, v56;
	v40 =	vand.u32 $0x1, v40  }
.Ltmp1:
0xf3: {  	v53 =	vand.u32 $0x1, v53;
	v50 =	vand.u32 $0x1, v50;
	v57 =	vand.u32 $0x1, v57;
	(pc) =	sbr.rel @p2 .LBB2_5-.Ltmp1, $4  }
0xf4: {  	v42 =	vor.u32 v42, v49;
	v49 =	vor.u32 v51, v55;
	v55 =	vor.u32 v52, v56  }
0xf5: {  	v51 =	vor.u32 v59, v50;
	v40 =	vor.u32 v54, v40;
	v54 =	vor.u32 v41, v57  }
0xf6: {  	v52 =	vor.u32 v58, v53;
	v50 =	vor.u32 v9, v42;
	v49 =	vor.u32 v9, v49  }
0xf7: {  	s11 =	sadd.s32 $0x80, s11;
	v42 =	vor.u32 v9, v55;
	v41 =	vor.u32 v9, v40;
	v40 =	vor.u32 v9, v54  }
0xf8: {  	_ =	sdelay $0x3  }
0xf9: {  	v51 =	vor.u32 v9, v51;
	[tilespmem:v50+s29+$0x0] =	vst.idx.msk $0xffff, v26  }
0xfa: {  	v26 =	vor.u32 v9, v52;
	[tilespmem:v49+s29+$0x0] =	vst.idx.msk $0xffff, v27  }
0xfb: {  	[tilespmem:v42+s29+$0x0] =	vst.idx.msk $0xffff, v28  }
0xfc: {  	[tilespmem:v41+s29+$0x0] =	vst.idx.msk $0xffff, v30;
	s7 =	sshll.u32 s7, $0x9  }
0xfd: {  	[tilespmem:v40+s29+$0x0] =	vst.idx.msk $0xffff, v31;
	s5 =	sadd.s32 $0x1, s5;
	s7 =	sadd.s32 s14, s7  }
0xfe: {  	p2 =	sne.s32 s5, $0x3D;
	s7 =	sshrl.u32 s7, $0x3;
	[tilespmem:v51+s29+$0x0] =	vst.idx.msk $0xffff, v39  }
.Ltmp2:
0xff: {  	s7 =	sadd.s32 s13, s7;
	[tilespmem:v26+s29+$0x0] =	vst.idx.msk $0xffff, v25;
	(pc) =	sbr.rel @p2 .LBB2_2-.Ltmp2, $4  }
0x100: {  	[hbm4b:s7+s4] =	stream.linear.scatter [tilespmem:s29], [sflag:$0x3], $0x1000, $0x38;
	[tilespmem:$0x1E050] =	vst v63  }
0x101: {  	_ =	swait.ge [sflag:s28], $0x1000  }
0x102: {  	[sflag:s28] =	ssyncset.done $0x0  }
0x103: {  	[sflag:s28] =	ssyncadd.s32 $0xFFFFF000  }
.Ltmp3:
0x104: {  	(pc) =	sbr.rel @p0 .LBB2_13-.Ltmp3, $2  }
0x105: {  	_ =	sdelay $0x2  }
0x106: {  	[dreg:$0x14] =	wrdreg s1  }
0x107: {  	s5 =	simm.s32 $0x0;
	s0 =	rddreg [dreg:$0xc]  }
0x108: {  	[tilespmem:s26], [sflag:$0x3] =	stream.linear.gather [hbm4b:s0+s5], $0x100, $0x38;
	[tilespmem:$0x1E050] =	vst v63  }
0x109: {  	_ =	swait.ge [sflag:s28], $0x100  }
0x10a: {  	[sflag:s28] =	ssyncset.done $0x0  }
0x10b: {  	p2 =	por $0x1, $0x1;
	[sflag:s28] =	ssyncadd.s32 $0xFFFFFF00  }
.LBB2_9:
0x10c: {  	v25 =	vmov s5;
	s7 =	sor.u32 $0x10, s5;
	s8 =	sor.u32 $0x20, s5  }
0x10d: {  	s18 =	sor.u32 $0x30, s5;
	s20 =	sor.u32 $0x40, s5;
	s22 =	sor.u32 $0x50, s5;
	v25 =	vshrl.u32 v25, $0x7;
	v26 =	vmov s7;
	v27 =	vmov s8  }
0x10e: {  	s24 =	sor.u32 $0x60, s5;
	v28 =	vmov s18;
	v31 =	vmov s20;
	v40 =	vmov s22  }
0x10f: {  	s25 =	sor.u32 $0x70, s5;
	v42 =	vmov s24;
	v25 =	vbroadcast v25, $0x0;
	v26 =	vshrl.u32 v26, $0x7  }
0x110: {  	v50 =	vmov s25;
	v27 =	vshrl.u32 v27, $0x7;
	v26 =	vbroadcast v26, $0x0  }
0x111: {  	v30 =	vld [tilespmem:s5+$0x1B800];
	v28 =	vshrl.u32 v28, $0x7;
	v27 =	vbroadcast v27, $0x0;
	v25 =	vor.u32 v10, v25  }
0x112: {  	v39 =	vld [tilespmem:s5+$0x1B810];
	v31 =	vshrl.u32 v31, $0x7;
	v28 =	vbroadcast v28, $0x0;
	v26 =	vor.u32 v11, v26  }
0x113: {  	v41 =	vld [tilespmem:s5+$0x1B820];
	v40 =	vshrl.u32 v40, $0x7;
	v31 =	vbroadcast v31, $0x0;
	v27 =	vor.u32 v12, v27  }
0x114: {  	v49 =	vld [tilespmem:s5+$0x1B830];
	v42 =	vshrl.u32 v42, $0x7;
	v40 =	vbroadcast v40, $0x0;
	v28 =	vor.u32 v13, v28  }
0x115: {  	v51 =	vld [tilespmem:s5+$0x1B840];
	v50 =	vshrl.u32 v50, $0x7;
	v42 =	vbroadcast v42, $0x0;
	v31 =	vor.u32 v14, v31  }
0x116: {  	v62 =	vbroadcast v50, $0x0;
	[tilespmem:v25+s29+$0x0] =	vst.idx.msk $0xffff, v30;
	v25 =	vld [tilespmem:s5+$0x1B850];
	v30 =	vor.u32 v15, v40  }
0x117: {  	v63 =	vor.u32 v16, v42;
	[tilespmem:v26+s29+$0x0] =	vst.idx.msk $0xffff, v39;
	v26 =	vld [tilespmem:s5+$0x1B860]  }
0x118: {  	p3 =	por p2, p2;
	v40 =	vor.u32 v17, v62;
	[tilespmem:v27+s29+$0x0] =	vst.idx.msk $0xffff, v41;
	v27 =	vld [tilespmem:s5+$0x1B870]  }
.Ltmp4:
0x119: {  	[tilespmem:v28+s29+$0x0] =	vst.idx.msk $0xffff, v49;
	(pc) =	sbr.rel @p3 .LBB2_9-.Ltmp4, $4  }
0x11a: {  	[tilespmem:v31+s29+$0x0] =	vst.idx.msk $0xffff, v51  }
0x11b: {  	[tilespmem:v30+s29+$0x0] =	vst.idx.msk $0xffff, v25  }
0x11c: {  	[tilespmem:v63+s29+$0x0] =	vst.idx.msk $0xffff, v26  }
0x11d: {  	p2 =	por $0x0, $0x0;
	s5 =	simm.s32 $0x80;
	[tilespmem:v40+s29+$0x0] =	vst.idx.msk $0xffff, v27  }
0x11e: {  	s5 =	simm.s32 $0x0;
	s0 =	rddreg [dreg:$0xd]  }
0x11f: {  	[tilespmem:s26], [sflag:$0x3] =	stream.linear.gather [hbm4b:s0+s5], $0x100, $0x38;
	[tilespmem:$0x1E050] =	vst v63  }
0x120: {  	_ =	swait.ge [sflag:s28], $0x100  }
0x121: {  	[sflag:s28] =	ssyncset.done $0x0  }
0x122: {  	p2 =	por $0x1, $0x1;
	[sflag:s28] =	ssyncadd.s32 $0xFFFFFF00  }
.LBB2_11:
0x123: {  	v25 =	vmov s5;
	s7 =	sor.u32 $0x10, s5;
	s8 =	sor.u32 $0x20, s5  }
0x124: {  	s18 =	sor.u32 $0x30, s5;
	s20 =	sor.u32 $0x40, s5;
	s22 =	sor.u32 $0x50, s5;
	v25 =	vshrl.u32 v25, $0x7;
	v26 =	vmov s7;
	v27 =	vmov s8  }
0x125: {  	s24 =	sor.u32 $0x60, s5;
	v28 =	vmov s18;
	v31 =	vmov s20;
	v40 =	vmov s22  }
0x126: {  	s25 =	sor.u32 $0x70, s5;
	v42 =	vmov s24;
	v25 =	vbroadcast v25, $0x0;
	v26 =	vshrl.u32 v26, $0x7  }
0x127: {  	v50 =	vmov s25;
	v27 =	vshrl.u32 v27, $0x7;
	v26 =	vbroadcast v26, $0x0  }
0x128: {  	v30 =	vld [tilespmem:s5+$0x1B800];
	v28 =	vshrl.u32 v28, $0x7;
	v27 =	vbroadcast v27, $0x0;
	v25 =	vor.u32 v18, v25  }
0x129: {  	v39 =	vld [tilespmem:s5+$0x1B810];
	v31 =	vshrl.u32 v31, $0x7;
	v28 =	vbroadcast v28, $0x0;
	v26 =	vor.u32 v19, v26  }
0x12a: {  	v41 =	vld [tilespmem:s5+$0x1B820];
	v40 =	vshrl.u32 v40, $0x7;
	v31 =	vbroadcast v31, $0x0;
	v27 =	vor.u32 v20, v27  }
0x12b: {  	v49 =	vld [tilespmem:s5+$0x1B830];
	v42 =	vshrl.u32 v42, $0x7;
	v40 =	vbroadcast v40, $0x0;
	v28 =	vor.u32 v21, v28  }
0x12c: {  	v51 =	vld [tilespmem:s5+$0x1B840];
	v50 =	vshrl.u32 v50, $0x7;
	v42 =	vbroadcast v42, $0x0;
	v31 =	vor.u32 v22, v31  }
0x12d: {  	v62 =	vbroadcast v50, $0x0;
	[tilespmem:v25+s29+$0x0] =	vst.idx.msk $0xffff, v30;
	v25 =	vld [tilespmem:s5+$0x1B850];
	v30 =	vor.u32 v23, v40  }
0x12e: {  	v63 =	vor.u32 v24, v42;
	[tilespmem:v26+s29+$0x0] =	vst.idx.msk $0xffff, v39;
	v26 =	vld [tilespmem:s5+$0x1B860]  }
0x12f: {  	p3 =	por p2, p2;
	v40 =	vor.u32 v29, v62;
	[tilespmem:v27+s29+$0x0] =	vst.idx.msk $0xffff, v41;
	v27 =	vld [tilespmem:s5+$0x1B870]  }
.Ltmp5:
0x130: {  	[tilespmem:v28+s29+$0x0] =	vst.idx.msk $0xffff, v49;
	(pc) =	sbr.rel @p3 .LBB2_11-.Ltmp5, $4  }
0x131: {  	[tilespmem:v31+s29+$0x0] =	vst.idx.msk $0xffff, v51  }
0x132: {  	[tilespmem:v30+s29+$0x0] =	vst.idx.msk $0xffff, v25  }
0x133: {  	[tilespmem:v63+s29+$0x0] =	vst.idx.msk $0xffff, v26  }
0x134: {  	p2 =	por $0x0, $0x0;
	s5 =	simm.s32 $0x80;
	[tilespmem:v40+s29+$0x0] =	vst.idx.msk $0xffff, v27  }
.Ltmp6:
0x135: {  	s0 =	rddreg [dreg:$0xe];
	(pc) =	sbr.rel .LBB2_15-.Ltmp6, $4  }
0x136: {  	[hbm4b:s0+s4] =	stream.linear.scatter [tilespmem:s29], [sflag:$0x3], $0x200, $0x38;
	[tilespmem:$0x1E050] =	vst v63  }
0x137: {  	_ =	swait.ge [sflag:s28], $0x200  }
0x138: {  	[sflag:s28] =	ssyncset.done $0x0  }
0x139: {  	[sflag:s28] =	ssyncadd.s32 $0xFFFFFE00  }
.LBB2_13:
.Ltmp7:
0x13a: {  	(pc) =	sbr.rel @p1 .LBB2_15-.Ltmp7, $1  }
0x13b: {  	_ =	sdelay $0x3  }
0x13c: {  	s0 =	rddreg [dreg:$0x7]  }
0x13d: {  	[tilespmem:s26], [sflag:$0x3] =	stream.linear.gather [hbm4b:s0+s4], $0x80, $0x38;
	[tilespmem:$0x1E050] =	vst v63  }
0x13e: {  	_ =	swait.ge [sflag:s28], $0x80  }
0x13f: {  	v26 =	vld [tilespmem:$0x1FD40]  }
0x140: {  	[sflag:s28] =	ssyncset.done $0x0  }
0x141: {  	[sflag:s28] =	ssyncadd.s32 $0xFFFFFF80  }
0x142: {  	v25 =	vld [tilespmem:$0x1B800];
	_ =	sdelay $0x2  }
0x143: {  	v48 =	vld [tilespmem:$0x1FD50];
	_ =	sdelay $0x1  }
0x144: {  	[tilespmem:v26+s29+$0x0] =	vst.idx.msk $0xffff, v25  }
0x145: {  	v25 =	vld [tilespmem:$0x1B810];
	_ =	sdelay $0x2  }
0x146: {  	v49 =	vld [tilespmem:$0x1FD60];
	_ =	sdelay $0x1  }
0x147: {  	[tilespmem:v48+s29+$0x0] =	vst.idx.msk $0xffff, v25  }
0x148: {  	v25 =	vld [tilespmem:$0x1B820];
	_ =	sdelay $0x2  }
0x149: {  	v50 =	vld [tilespmem:$0x1FD70];
	_ =	sdelay $0x1  }
0x14a: {  	[tilespmem:v49+s29+$0x0] =	vst.idx.msk $0xffff, v25  }
0x14b: {  	v25 =	vld [tilespmem:$0x1B830];
	_ =	sdelay $0x2  }
0x14c: {  	v51 =	vld [tilespmem:$0x1FDE0];
	_ =	sdelay $0x1  }
0x14d: {  	[tilespmem:v50+s29+$0x0] =	vst.idx.msk $0xffff, v25  }
0x14e: {  	v25 =	vld [tilespmem:$0x1B840];
	_ =	sdelay $0x2  }
0x14f: {  	v52 =	vld [tilespmem:$0x1FDF0];
	_ =	sdelay $0x1  }
0x150: {  	[tilespmem:v51+s29+$0x0] =	vst.idx.msk $0xffff, v25  }
0x151: {  	v25 =	vld [tilespmem:$0x1B850];
	_ =	sdelay $0x2  }
0x152: {  	v53 =	vld [tilespmem:$0x1FE00];
	_ =	sdelay $0x1  }
0x153: {  	[tilespmem:v52+s29+$0x0] =	vst.idx.msk $0xffff, v25  }
0x154: {  	v25 =	vld [tilespmem:$0x1B860];
	_ =	sdelay $0x2  }
0x155: {  	v54 =	vld [tilespmem:$0x1FE10];
	_ =	sdelay $0x1  }
0x156: {  	[tilespmem:v53+s29+$0x0] =	vst.idx.msk $0xffff, v25  }
0x157: {  	v25 =	vld [tilespmem:$0x1B870];
	_ =	sdelay $0x4  }
0x158: {  	s24 =	rddreg [dreg:$0x9];
	[tilespmem:v54+s29+$0x0] =	vst.idx.msk $0xffff, v25  }
0x159: {  	[tilespmem:s26], [sflag:$0x3] =	stream.linear.gather [hbm4b:s24+s4], $0x80, $0x38;
	[tilespmem:$0x1E050] =	vst v63  }
0x15a: {  	_ =	swait.ge [sflag:s28], $0x80  }
0x15b: {  	v56 =	vld [tilespmem:$0x1FD80]  }
0x15c: {  	[sflag:s28] =	ssyncset.done $0x0  }
0x15d: {  	[sflag:s28] =	ssyncadd.s32 $0xFFFFFF80  }
0x15e: {  	v55 =	vld [tilespmem:$0x1B800];
	_ =	sdelay $0x2  }
0x15f: {  	v57 =	vld [tilespmem:$0x1FD90];
	_ =	sdelay $0x1  }
0x160: {  	[tilespmem:v56+s29+$0x0] =	vst.idx.msk $0xffff, v55  }
0x161: {  	v25 =	vld [tilespmem:$0x1B810];
	_ =	sdelay $0x2  }
0x162: {  	v58 =	vld [tilespmem:$0x1FE20];
	_ =	sdelay $0x1  }
0x163: {  	[tilespmem:v57+s29+$0x0] =	vst.idx.msk $0xffff, v25  }
0x164: {  	v25 =	vld [tilespmem:$0x1B820];
	_ =	sdelay $0x2  }
0x165: {  	v59 =	vld [tilespmem:$0x1FE30];
	_ =	sdelay $0x1  }
0x166: {  	[tilespmem:v58+s29+$0x0] =	vst.idx.msk $0xffff, v25  }
0x167: {  	v25 =	vld [tilespmem:$0x1B830];
	_ =	sdelay $0x2  }
0x168: {  	v60 =	vld [tilespmem:$0x1FE40];
	_ =	sdelay $0x1  }
0x169: {  	[tilespmem:v59+s29+$0x0] =	vst.idx.msk $0xffff, v25  }
0x16a: {  	v25 =	vld [tilespmem:$0x1B840];
	_ =	sdelay $0x2  }
0x16b: {  	v61 =	vld [tilespmem:$0x1FE50];
	_ =	sdelay $0x1  }
0x16c: {  	[tilespmem:v60+s29+$0x0] =	vst.idx.msk $0xffff, v25  }
0x16d: {  	v25 =	vld [tilespmem:$0x1B850];
	_ =	sdelay $0x2  }
0x16e: {  	v62 =	vld [tilespmem:$0x1FE60];
	_ =	sdelay $0x1  }
0x16f: {  	[tilespmem:v61+s29+$0x0] =	vst.idx.msk $0xffff, v25  }
0x170: {  	v25 =	vld [tilespmem:$0x1B860];
	_ =	sdelay $0x2  }
0x171: {  	v63 =	vld [tilespmem:$0x1FE70];
	_ =	sdelay $0x1  }
0x172: {  	[tilespmem:v62+s29+$0x0] =	vst.idx.msk $0xffff, v25  }
0x173: {  	v25 =	vld [tilespmem:$0x1B870];
	_ =	sdelay $0x4  }
0x174: {  	s25 =	rddreg [dreg:$0xf];
	[tilespmem:v63+s29+$0x0] =	vst.idx.msk $0xffff, v25  }
0x175: {  	[hbm4b:s25+s4] =	stream.linear.scatter [tilespmem:s29], [sflag:$0x3], $0x100, $0x38;
	[tilespmem:$0x1E050] =	vst v63  }
0x176: {  	_ =	swait.ge [sflag:s28], $0x100  }
0x177: {  	[sflag:s28] =	ssyncset.done $0x0  }
0x178: {  	[sflag:s28] =	ssyncadd.s32 $0xFFFFFF00  }
.LBB2_15:
0x179: {  	[bflag:$0x0] =	sbarrier.arrive $0xFFFF  }
0x17a: {  	s1 =	simm.s32 $0x1E040;
	s0 =	rddreg [dreg:$0xb]  }
0x17b: {  	[tilespmem:s1], [sflag:$0x3] =	stream.linear.gather [hbm4b:s0+s4], $0x10, $0x38;
	[tilespmem:$0x1E050] =	vst v63  }
0x17c: {  	_ =	swait.ge [sflag:s28], $0x10  }
0x17d: {  	[sflag:s28] =	ssyncset.done $0x0  }
0x17e: {  	s24 =	rddreg [dreg:$0x5];
	[sflag:s28] =	ssyncadd.s32 $0xFFFFFFF0  }
0x17f: {  	[tilespmem:s31], [sflag:$0x3] =	stream.linear.gather [hbm4b:s24+s4], $0x40, $0x38;
	[tilespmem:$0x1E050] =	vst v63  }
0x180: {  	_ =	swait.ge [sflag:s28], $0x40  }
0x181: {  	v0 =	vld [tilespmem:$0x1FDC0]  }
0x182: {  	v2 =	vld [tilespmem:$0x1FDA0];
	_ =	sdelay $0x4  }
0x183: {  	[sflag:s28] =	ssyncset.done $0x0  }
0x184: {  	[sflag:s28] =	ssyncadd.s32 $0xFFFFFFC0  }
0x185: {  	v25 =	vld.idx.msk [tilespmem:v0+s31+$0x0], $0xffff  }
0x186: {  	v26 =	vld.idx.msk [tilespmem:v2+s31+$0x0], $0xffff;
	_ =	sdelay $0x4  }
0x187: {  	v27 =	vmul.f32 v25, v25;
	v28 =	vmul.f32 v26, v26;
	_ =	sdelay $0x1  }
0x188: {  	v27 =	vadd.f32 v28, v27;
	_ =	sdelay $0x1  }
0x189: {  	v28 =	vshra.s32 v27, $0x1;
	v30 =	vmul.f32 $5.000000000e-01, v27  }
0x18a: {  	v28 =	vsub.s32 $0x5F3759DF, v28  }
0x18b: {  	v31 =	vmul.f32 v28, v30;
	_ =	sdelay $0x1  }
0x18c: {  	v31 =	vmul.f32 v28, v31;
	_ =	sdelay $0x1  }
0x18d: {  	v31 =	vsub.f32 $1.500000000e+00, v31;
	_ =	sdelay $0x1  }
0x18e: {  	v28 =	vmul.f32 v28, v31;
	_ =	sdelay $0x1  }
0x18f: {  	v31 =	vmul.f32 v28, v30;
	_ =	sdelay $0x1  }
0x190: {  	v31 =	vmul.f32 v31, v28;
	_ =	sdelay $0x1  }
0x191: {  	v31 =	vsub.f32 $1.500000000e+00, v31;
	_ =	sdelay $0x1  }
0x192: {  	v28 =	vmul.f32 v31, v28;
	_ =	sdelay $0x1  }
0x193: {  	v30 =	vmul.f32 v28, v30;
	_ =	sdelay $0x1  }
0x194: {  	v30 =	vmul.f32 v30, v28;
	_ =	sdelay $0x1  }
0x195: {  	v30 =	vsub.f32 $1.500000000e+00, v30;
	_ =	sdelay $0x1  }
0x196: {  	v28 =	vmul.f32 v30, v28;
	_ =	sdelay $0x1  }
0x197: {  	v28 =	vmul.f32 v28, v27;
	_ =	sdelay $0x1  }
0x198: {  	v28 =	vadd.f32 $1.000000010e-07, v28;
	_ =	sdelay $0x1  }
0x199: {  	(erf) = vrcp.f32 v28;
	_ =	sdelay $0x8  }
0x19a: {  	vm0 =	vgt.f32 v27, $1.000000000e+00;
	v27 =	vpop (erf)  }
0x19b: {  	v27 =	vnsel vm0, $0x3F800000, v27  }
0x19c: {  	v25 =	vmul.f32 v27, v25  }
0x19d: {  	v39 =	vld [tilespmem:$0x1E040];
	v26 =	vmul.f32 v27, v26  }
0x19e: {  	[tilespmem:v0+s31+$0x0] =	vst.idx.msk $0xffff, v25;
	v0 =	vld [tilespmem:$0x1FDB0]  }
0x19f: {  	[tilespmem:v2+s31+$0x0] =	vst.idx.msk $0xffff, v26;
	v2 =	vld [tilespmem:$0x1FDD0];
	_ =	sdelay $0x6  }
0x1a0: {  	v25 =	vld.idx.msk [tilespmem:v0+s31+$0x0], $0xffff  }
0x1a1: {  	v26 =	vld.idx.msk [tilespmem:v2+s31+$0x0], $0xffff;
	_ =	sdelay $0x4  }
0x1a2: {  	v27 =	vmul.f32 v25, v25;
	v28 =	vmul.f32 v26, v26;
	_ =	sdelay $0x1  }
0x1a3: {  	v27 =	vadd.f32 v28, v27;
	_ =	sdelay $0x1  }
0x1a4: {  	v28 =	vshra.s32 v27, $0x1;
	v30 =	vmul.f32 $5.000000000e-01, v27  }
0x1a5: {  	v28 =	vsub.s32 $0x5F3759DF, v28  }
0x1a6: {  	v31 =	vmul.f32 v28, v30;
	_ =	sdelay $0x1  }
0x1a7: {  	v31 =	vmul.f32 v28, v31;
	_ =	sdelay $0x1  }
0x1a8: {  	v31 =	vsub.f32 $1.500000000e+00, v31;
	_ =	sdelay $0x1  }
0x1a9: {  	v28 =	vmul.f32 v28, v31;
	_ =	sdelay $0x1  }
0x1aa: {  	v31 =	vmul.f32 v28, v30;
	_ =	sdelay $0x1  }
0x1ab: {  	v31 =	vmul.f32 v31, v28;
	_ =	sdelay $0x1  }
0x1ac: {  	v31 =	vsub.f32 $1.500000000e+00, v31;
	_ =	sdelay $0x1  }
0x1ad: {  	v28 =	vmul.f32 v31, v28;
	_ =	sdelay $0x1  }
0x1ae: {  	v30 =	vmul.f32 v28, v30;
	_ =	sdelay $0x1  }
0x1af: {  	v30 =	vmul.f32 v30, v28;
	_ =	sdelay $0x1  }
0x1b0: {  	v30 =	vsub.f32 $1.500000000e+00, v30;
	_ =	sdelay $0x1  }
0x1b1: {  	v28 =	vmul.f32 v30, v28;
	_ =	sdelay $0x1  }
0x1b2: {  	v28 =	vmul.f32 v28, v27;
	_ =	sdelay $0x1  }
0x1b3: {  	v28 =	vadd.f32 $1.000000010e-07, v28;
	_ =	sdelay $0x1  }
0x1b4: {  	(erf) = vrcp.f32 v28;
	_ =	sdelay $0x8  }
0x1b5: {  	vm15 =	vgt.f32 v27, $1.000000000e+00;
	v27 =	vpop (erf)  }
0x1b6: {  	v27 =	vnsel vm15, $0x3F800000, v27  }
0x1b7: {  	v25 =	vmul.f32 v27, v25  }
0x1b8: {  	v26 =	vmul.f32 v27, v26  }
0x1b9: {  	[tilespmem:v0+s31+$0x0] =	vst.idx.msk $0xffff, v25  }
0x1ba: {  	s25 =	rddreg [dreg:$0x10];
	[tilespmem:v2+s31+$0x0] =	vst.idx.msk $0xffff, v26  }
0x1bb: {  	[tilespmem:s4], [sflag:$0x3] =	stream.linear.gather [hbm4b:s25+s4], $0x1400, $0x38;
	[tilespmem:$0x1E050] =	vst v63  }
0x1bc: {  	_ =	swait.ge [sflag:s28], $0x1400  }
0x1bd: {  	[sflag:s28] =	ssyncset.done $0x0  }
0x1be: {  	s8 =	simm.s32 $0x40;
	[sflag:s28] =	ssyncadd.s32 $0xFFFFEC00  }
0x1bf: {  	v25 =	vld [tilespmem:s8+$0x30]  }
0x1c0: {  	v26 =	vld [tilespmem:s8+$0xFFFFFFD0]  }
0x1c1: {  	v40 =	vld [tilespmem:s8+$0xFFFFFFE0]  }
0x1c2: {  	v30 =	vld [tilespmem:s8+$0xFFFFFFF0]  }
0x1c3: {  	v27 =	vld [tilespmem:s8+$0x0]  }
0x1c4: {  	s5 =	simm.s32 $0x2840;
	v0 =	vimm.s32 $0x0;
	v28 =	vld [tilespmem:s8+$0x10];
	v25 =	vshra.s32 v25, $0x1  }
0x1c5: {  	v31 =	vld [tilespmem:s8+$0x20];
	v41 =	vshra.s32 v26, $0x1;
	[tilespmem:s5+$0x30] =	vst v25;
	v25 =	vperm.xlane v39, v0;
	v0 =	vimm.s32 $0x1  }
0x1c6: {  	s7 =	simm.s32 $0x0;
	v40 =	vshra.s32 v40, $0x1;
	[tilespmem:s5+$0xFFFFFFD0] =	vst v41;
	v26 =	vperm.xlane v39, v0;
	v39 =	vld [tilespmem:s8+$0xFFFFFFC0];
	s8 =	simm.s32 $0xC0  }
.LBB2_16:
0x1c7: {  	v41 =	vld [tilespmem:s8+$0x30];
	s7 =	sadd.s32 $0x8, s7;
	[tilespmem:s5+$0xFFFFFFE0] =	vst v40;
	v30 =	vshra.s32 v30, $0x1  }
0x1c8: {  	v40 =	vld [tilespmem:s8+$0xFFFFFFD0];
	p2 =	slt.u32 s7, $0x138;
	[tilespmem:s5+$0xFFFFFFF0] =	vst v30;
	v27 =	vshra.s32 v27, $0x1  }
0x1c9: {  	v42 =	vld [tilespmem:s8+$0xFFFFFFE0];
	[tilespmem:s5+$0x0] =	vst v27;
	v27 =	vshra.s32 v28, $0x1  }
.Ltmp8:
0x1ca: {  	v30 =	vld [tilespmem:s8+$0xFFFFFFF0];
	[tilespmem:s5+$0x10] =	vst v27;
	v28 =	vshra.s32 v31, $0x1;
	(pc) =	sbr.rel @p2 .LBB2_16-.Ltmp8, $4  }
0x1cb: {  	v27 =	vld [tilespmem:s8+$0x0];
	v31 =	vshra.s32 v39, $0x1;
	[tilespmem:s5+$0x20] =	vst v28  }
0x1cc: {  	v28 =	vld [tilespmem:s8+$0x10];
	v39 =	vshra.s32 v41, $0x1;
	[tilespmem:s5+$0xFFFFFFC0] =	vst v31;
	s5 =	sadd.s32 $0x80, s5  }
0x1cd: {  	v40 =	vshra.s32 v40, $0x1;
	v31 =	vld [tilespmem:s8+$0x20];
	[tilespmem:s5+$0x30] =	vst v39  }
0x1ce: {  	v39 =	vld [tilespmem:s8+$0xFFFFFFC0];
	[tilespmem:s5+$0xFFFFFFD0] =	vst v40;
	v40 =	vshra.s32 v42, $0x1;
	s8 =	sadd.s32 $0x80, s8  }
0x1cf: {  	[tilespmem:s5+$0xFFFFFFE0] =	vst v40;
	v30 =	vshra.s32 v30, $0x1  }
0x1d0: {  	[tilespmem:s5+$0xFFFFFFF0] =	vst v30;
	v27 =	vshra.s32 v27, $0x1  }
0x1d1: {  	[tilespmem:s5+$0x0] =	vst v27;
	v61 =	vshra.s32 v28, $0x1  }
0x1d2: {  	[tilespmem:s5+$0x10] =	vst v61;
	v62 =	vshra.s32 v31, $0x1  }
0x1d3: {  	v63 =	vshra.s32 v39, $0x1;
	[tilespmem:s5+$0x20] =	vst v62  }
0x1d4: {  	s0 =	simm.s32 $0x2800;
	[tilespmem:s5+$0xFFFFFFC0] =	vst v63  }
0x1d5: {  	[tilespmem:s29], [sflag:$0x1] =	stream.indirect.gather [hbm4b:s21+s2], $0x8, s0, s2, $0xb8;
	[tilespmem:$0x1E050] =	vst v63  }
0x1d6: {  	s11 =	simm.s32 $0x0;
	s1 =	simm.s32 $0x5000;
	s25 =	rddreg [dreg:$0x11]  }
0x1d7: {  	[tilespmem:s1], [sflag:$0x3] =	stream.linear.gather [hbm4b:s25+s11], $0x1400, $0x38;
	[tilespmem:$0x1E050] =	vst v63  }
0x1d8: {  	_ =	swait.ge [sflag:s28], $0x1400  }
0x1d9: {  	[sflag:s28] =	ssyncset.done $0x0  }
0x1da: {  	v49 =	vmul.f32 v25, v25;
	v50 =	vmul.f32 v26, v26;
	[sflag:s28] =	ssyncadd.s32 $0xFFFFEC00  }
.LBB2_18:
0x1db: {  	s22 =	smul.u32 $0x2800, s11;
	_ =	sdelay $0x1  }
0x1dc: {  	s5 =	sadd.s32 s22, s23  }
0x1dd: {  	s0 =	rddreg [dreg:$0x1];
	s20 =	sshrl.u32 s5, $0x3  }
0x1de: {  	s5 =	sadd.s32 s0, s20  }
0x1df: {  	[tilespmem:s2], [sflag:$0x3] =	stream.linear.gather [hbm4b:s5+s4], $0x1400, $0x38;
	[tilespmem:$0x1E050] =	vst v63  }
0x1e0: {  	_ =	swait.ge [sflag:s28], $0x1400  }
0x1e1: {  	[sflag:s28] =	ssyncset.done $0x0  }
0x1e2: {  	s8 =	simm.s32 $0x1440;
	[sflag:s28] =	ssyncadd.s32 $0xFFFFEC00  }
0x1e3: {  	v28 =	vld [tilespmem:s8+$0x30]  }
0x1e4: {  	v30 =	vld [tilespmem:s8+$0xFFFFFFD0]  }
0x1e5: {  	v31 =	vld [tilespmem:s8+$0xFFFFFFE0]  }
0x1e6: {  	v27 =	vld [tilespmem:s8+$0xFFFFFFF0]  }
0x1e7: {  	v25 =	vld [tilespmem:s8+$0x0]  }
0x1e8: {  	s5 =	simm.s32 $0x3C40;
	v26 =	vld [tilespmem:s8+$0x10];
	v39 =	vshra.s32 v28, $0x1  }
0x1e9: {  	v40 =	vshra.s32 v30, $0x1;
	v28 =	vld [tilespmem:s8+$0x20];
	[tilespmem:s5+$0x30] =	vst v39  }
0x1ea: {  	s12 =	smov.u32 s30;
	s7 =	simm.s32 $0x0;
	v30 =	vld [tilespmem:s8+$0xFFFFFFC0];
	v31 =	vshra.s32 v31, $0x1;
	s8 =	simm.s32 $0x14C0;
	[tilespmem:s5+$0xFFFFFFD0] =	vst v40  }
.LBB2_19:
0x1eb: {  	v39 =	vld [tilespmem:s8+$0x30];
	s7 =	sadd.s32 $0x8, s7;
	[tilespmem:s5+$0xFFFFFFE0] =	vst v31;
	v27 =	vshra.s32 v27, $0x1  }
0x1ec: {  	v31 =	vld [tilespmem:s8+$0xFFFFFFD0];
	p2 =	slt.u32 s7, $0x138;
	[tilespmem:s5+$0xFFFFFFF0] =	vst v27;
	v25 =	vshra.s32 v25, $0x1  }
0x1ed: {  	v40 =	vld [tilespmem:s8+$0xFFFFFFE0];
	[tilespmem:s5+$0x0] =	vst v25;
	v25 =	vshra.s32 v26, $0x1  }
.Ltmp9:
0x1ee: {  	v27 =	vld [tilespmem:s8+$0xFFFFFFF0];
	[tilespmem:s5+$0x10] =	vst v25;
	v26 =	vshra.s32 v28, $0x1;
	(pc) =	sbr.rel @p2 .LBB2_19-.Ltmp9, $4  }
0x1ef: {  	v25 =	vld [tilespmem:s8+$0x0];
	v28 =	vshra.s32 v30, $0x1;
	[tilespmem:s5+$0x20] =	vst v26  }
0x1f0: {  	v26 =	vld [tilespmem:s8+$0x10];
	v30 =	vshra.s32 v39, $0x1;
	[tilespmem:s5+$0xFFFFFFC0] =	vst v28;
	s5 =	sadd.s32 $0x80, s5  }
0x1f1: {  	v31 =	vshra.s32 v31, $0x1;
	v28 =	vld [tilespmem:s8+$0x20];
	[tilespmem:s5+$0x30] =	vst v30  }
0x1f2: {  	v30 =	vld [tilespmem:s8+$0xFFFFFFC0];
	[tilespmem:s5+$0xFFFFFFD0] =	vst v31;
	v31 =	vshra.s32 v40, $0x1;
	s8 =	sadd.s32 $0x80, s8  }
0x1f3: {  	[tilespmem:s5+$0xFFFFFFE0] =	vst v31;
	v27 =	vshra.s32 v27, $0x1  }
0x1f4: {  	[tilespmem:s5+$0xFFFFFFF0] =	vst v27;
	v25 =	vshra.s32 v25, $0x1  }
0x1f5: {  	[tilespmem:s5+$0x0] =	vst v25;
	v25 =	vshra.s32 v26, $0x1  }
0x1f6: {  	[tilespmem:s5+$0x10] =	vst v25;
	v25 =	vshra.s32 v28, $0x1  }
0x1f7: {  	v26 =	vshra.s32 v30, $0x1;
	[tilespmem:s5+$0x20] =	vst v25  }
0x1f8: {  	s0 =	simm.s32 $0x3C00;
	s8 =	rddreg [dreg:$0x0];
	[tilespmem:s5+$0xFFFFFFC0] =	vst v26  }
0x1f9: {  	[tilespmem:s19], [sflag:$0x2] =	stream.indirect.gather [hbm4b:s21+s2], $0x8, s0, s2, $0xb8;
	[tilespmem:$0x1E050] =	vst v63  }
0x1fa: {  	s10 =	simm.s32 $0x6400;
	s9 =	sadd.s32 s8, s20  }
0x1fb: {  	[tilespmem:s10], [sflag:$0x3] =	stream.linear.gather [hbm4b:s9+s4], $0x1400, $0x38;
	[tilespmem:$0x1E050] =	vst v63  }
0x1fc: {  	_ =	swait.ge [sflag:s28], $0x1400  }
0x1fd: {  	[sflag:s28] =	ssyncset.done $0x0  }
0x1fe: {  	[sflag:s28] =	ssyncadd.s32 $0xFFFFEC00  }
0x1ff: {  	_ =	swait.ge [sflag:s15], $0xA000  }
0x200: {  	[sflag:s15] =	ssyncset.done $0x0  }
0x201: {  	s7 =	simm.s32 $0x5040;
	[sflag:s15] =	ssyncadd.s32 $0xFFFF6000  }
0x202: {  	s25 =	simm.s32 $0x40;
	v25 =	vld [tilespmem:s7+$0x30]  }
0x203: {  	v26 =	vld [tilespmem:s25+$0x30]  }
0x204: {  	v27 =	vld [tilespmem:s25+$0xFFFFFFC0]  }
0x205: {  	v28 =	vld [tilespmem:s25+$0xFFFFFFD0]  }
0x206: {  	v30 =	vld [tilespmem:s25+$0xFFFFFFE0]  }
0x207: {  	v31 =	vld [tilespmem:s25+$0xFFFFFFF0]  }
0x208: {  	s24 =	simm.s32 $0x20;
	s30 =	simm.s32 $0x30;
	v53 =	vld [tilespmem:s7+$0xFFFFFFD0]  }
0x209: {  	s18 =	simm.s32 $0x40;
	s8 =	simm.s32 $0x10;
	v58 =	vmov s24;
	v59 =	vmov s30;
	v40 =	vld [tilespmem:s25+$0x0]  }
0x20a: {  	s24 =	simm.s32 $0x50;
	v46 =	vmov s18;
	v57 =	vmov s8;
	v59 =	vshll.u32 v59, $0x3;
	s5 =	simm.s32 $0x70;
	v41 =	vld [tilespmem:s25+$0x10]  }
0x20b: {  	v47 =	vmov s24;
	v46 =	vshll.u32 v46, $0x3;
	v39 =	vmov s5;
	v51 =	vld [tilespmem:s25+$0x20]  }
0x20c: {  	v57 =	vshll.u32 v57, $0x3;
	v39 =	vshll.u32 v39, $0x3;
	v13 =	vld [tilespmem:s7+$0xFFFFFFC0];
	v25 =	vshll.u32 v25, $0x1  }
0x20d: {  	v39 =	vor.u32 v38, v39;
	v14 =	vld [tilespmem:s7+$0xFFFFFFE0];
	v26 =	vshll.u32 v26, $0x1;
	v53 =	vshll.u32 v53, $0x1  }
0x20e: {  	v16 =	vld [tilespmem:s7+$0x0];
	v28 =	vshll.u32 v28, $0x1;
	v26 =	vand.u32 $0x2, v26;
	v42 =	vor.u32 $0x1, v25  }
0x20f: {  	v57 =	vor.u32 v38, v57;
	v61 =	vld [tilespmem:s7+$0x10];
	v28 =	vand.u32 $0x2, v28;
	v26 =	vor.u32 v39, v26  }
0x210: {  	v47 =	vshll.u32 v47, $0x3;
	v17 =	vld [tilespmem:s7+$0x20];
	v41 =	vshll.u32 v41, $0x1;
	v28 =	vor.u32 v57, v28  }
0x211: {  	v47 =	vor.u32 v38, v47;
	v41 =	vand.u32 $0x2, v41;
	v39 =	vshll.u32 v13, $0x1;
	v55 =	vld.idx.msk [tilespmem:v25+s31+$0x0], $0xffff  }
0x212: {  	v15 =	vor.u32 v38, v59;
	v46 =	vor.u32 v38, v46;
	v41 =	vor.u32 v47, v41;
	v35 =	vld.idx.msk [tilespmem:v53+s31+$0x0], $0xffff  }
0x213: {  	v31 =	vshll.u32 v31, $0x1;
	v40 =	vshll.u32 v40, $0x1;
	v52 =	vor.u32 $0x1, v26;
	v42 =	vld.idx.msk [tilespmem:v42+s31+$0x0], $0xffff  }
0x214: {  	v31 =	vand.u32 $0x2, v31;
	v54 =	vor.u32 $0x4, v26;
	v25 =	vor.u32 $0x5, v26;
	v26 =	vld.idx.msk [tilespmem:v26+s29+$0x0], $0xffff  }
0x215: {  	v40 =	vand.u32 $0x2, v40;
	v31 =	vor.u32 v15, v31;
	v34 =	vor.u32 $0x1, v28;
	v63 =	vld.idx.msk [tilespmem:v28+s29+$0x0], $0xffff  }
0x216: {  	v40 =	vor.u32 v46, v40;
	v36 =	vor.u32 $0x4, v28;
	v11 =	vor.u32 $0x1, v31;
	v48 =	vld.idx.msk [tilespmem:v39+s31+$0x0], $0xffff  }
0x217: {  	s30 =	simm.s32 $0x60;
	v12 =	vor.u32 $0x1, v41;
	v4 =	vor.u32 $0x4, v41;
	v5 =	vor.u32 $0x5, v41;
	v41 =	vld.idx.msk [tilespmem:v41+s29+$0x0], $0xffff  }
0x218: {  	v33 =	vmov s30;
	v21 =	vor.u32 $0x1, v40;
	v52 =	vld.idx.msk [tilespmem:v52+s29+$0x0], $0xffff  }
0x219: {  	v58 =	vshll.u32 v58, $0x3;
	v33 =	vshll.u32 v33, $0x3;
	s10 =	simm.s32 $0x0;
	v54 =	vld.idx.msk [tilespmem:v54+s29+$0x0], $0xffff  }
0x21a: {  	v58 =	vor.u32 v38, v58;
	v33 =	vor.u32 v38, v33;
	v56 =	vmov s10;
	v34 =	vld.idx.msk [tilespmem:v34+s29+$0x0], $0xffff  }
0x21b: {  	v56 =	vshll.u32 v56, $0x3;
	v27 =	vshll.u32 v27, $0x1;
	v30 =	vshll.u32 v30, $0x1;
	v36 =	vld.idx.msk [tilespmem:v36+s29+$0x0], $0xffff  }
0x21c: {  	v51 =	vshll.u32 v51, $0x1;
	v59 =	vshll.u32 v16, $0x1;
	v53 =	vor.u32 $0x1, v53;
	v11 =	vld.idx.msk [tilespmem:v11+s29+$0x0], $0xffff  }
0x21d: {  	v61 =	vshll.u32 v61, $0x1;
	v16 =	vshll.u32 v17, $0x1;
	v51 =	vand.u32 $0x2, v51;
	v6 =	vld.idx.msk [tilespmem:v21+s29+$0x0], $0xffff  }
0x21e: {  	v27 =	vand.u32 $0x2, v27;
	v33 =	vor.u32 v33, v51;
	v18 =	vor.u32 $0x4, v31;
	v12 =	vld.idx.msk [tilespmem:v12+s29+$0x0], $0xffff  }
0x21f: {  	v22 =	vor.u32 $0x4, v40;
	v23 =	vor.u32 $0x5, v40;
	v7 =	vor.u32 $0x1, v33;
	v51 =	vld.idx.msk [tilespmem:v5+s29+$0x0], $0xffff  }
0x220: {  	v13 =	vor.u32 $0x5, v33;
	v28 =	vor.u32 $0x5, v28;
	v60 =	vld.idx.msk [tilespmem:v25+s29+$0x0], $0xffff;
	v25 =	vor.u32 v38, v56  }
0x221: {  	v39 =	vor.u32 $0x1, v39;
	v53 =	vld.idx.msk [tilespmem:v53+s31+$0x0], $0xffff;
	v27 =	vor.u32 v25, v27;
	v25 =	vand.u32 $0x2, v30  }
0x222: {  	v56 =	vshll.u32 v14, $0x1;
	v14 =	vor.u32 $0x1, v61;
	v61 =	vld.idx.msk [tilespmem:v61+s31+$0x0], $0xffff;
	v58 =	vor.u32 v58, v25  }
0x223: {  	v30 =	vld [tilespmem:s7+$0xFFFFFFF0];
	v44 =	vor.u32 $0x1, v27;
	v45 =	vor.u32 $0x4, v27;
	v26 =	vsub.f32 v55, v26  }
0x224: {  	v25 =	vld.idx.msk [tilespmem:v31+s29+$0x0], $0xffff;
	v31 =	vor.u32 $0x5, v31;
	v63 =	vsub.f32 v35, v63;
	v32 =	vor.u32 $0x1, v58  }
0x225: {  	v28 =	vld.idx.msk [tilespmem:v28+s29+$0x0], $0xffff;
	v10 =	vor.u32 $0x4, v58;
	v52 =	vsub.f32 v42, v52;
	v54 =	vsub.f32 v55, v54  }
0x226: {  	v55 =	vld.idx.msk [tilespmem:v18+s29+$0x0], $0xffff;
	v18 =	vor.u32 $0x1, v59;
	v35 =	vsub.f32 v35, v36;
	v26 =	vmul.f32 v26, v26  }
0x227: {  	v39 =	vld.idx.msk [tilespmem:v39+s31+$0x0], $0xffff;
	v63 =	vmul.f32 v63, v63;
	v42 =	vsub.f32 v42, v60;
	v19 =	vmul.f32 v52, v52  }
0x228: {  	v20 =	vmul.f32 v54, v54;
	v60 =	vld.idx.msk [tilespmem:v22+s29+$0x0], $0xffff;
	v22 =	vor.u32 $0x4, v33;
	v35 =	vmul.f32 v35, v35  }
0x229: {  	v34 =	vsub.f32 v53, v34;
	v41 =	vsub.f32 v61, v41;
	v62 =	vld.idx.msk [tilespmem:v27+s29+$0x0], $0xffff;
	v27 =	vor.u32 $0x5, v27  }
0x22a: {  	v14 =	vld.idx.msk [tilespmem:v14+s31+$0x0], $0xffff;
	v26 =	vmul.f32 v26, v49;
	v30 =	vshll.u32 v30, $0x1;
	v42 =	vmul.f32 v42, v42  }
0x22b: {  	v43 =	vld.idx.msk [tilespmem:v58+s29+$0x0], $0xffff;
	v58 =	vor.u32 $0x5, v58;
	v46 =	vmul.f32 v19, v50;
	v52 =	vmul.f32 v20, v49  }
0x22c: {  	v37 =	vld.idx.msk [tilespmem:v56+s31+$0x0], $0xffff;
	v35 =	vmul.f32 v35, v49;
	v28 =	vsub.f32 v53, v28;
	v34 =	vmul.f32 v34, v34  }
0x22d: {  	v45 =	vld.idx.msk [tilespmem:v45+s29+$0x0], $0xffff;
	v17 =	vor.u32 $0x1, v30;
	v41 =	vmul.f32 v41, v41;
	v42 =	vmul.f32 v42, v50  }
0x22e: {  	v44 =	vld.idx.msk [tilespmem:v44+s29+$0x0], $0xffff;
	v26 =	vadd.f32 v46, v26;
	v28 =	vmul.f32 v28, v28;
	v34 =	vmul.f32 v34, v50  }
0x22f: {  	v47 =	vld.idx.msk [tilespmem:v23+s29+$0x0], $0xffff;
	v41 =	vmul.f32 v41, v49;
	v12 =	vsub.f32 v14, v12;
	v14 =	vsub.f32 v14, v51  }
0x230: {  	v10 =	vld.idx.msk [tilespmem:v10+s29+$0x0], $0xffff;
	v42 =	vadd.f32 v42, v52;
	v26 =	vmul.f32 $-5.000000000e-01, v26;
	v62 =	vsub.f32 v48, v62  }
0x231: {  	v57 =	vld.idx.msk [tilespmem:v18+s31+$0x0], $0xffff;
	v28 =	vmul.f32 v28, v50;
	v43 =	vsub.f32 v37, v43;
	v12 =	vmul.f32 v12, v12  }
0x232: {  	v13 =	vld.idx.msk [tilespmem:v13+s29+$0x0], $0xffff;
	v45 =	vsub.f32 v48, v45;
	v14 =	vmul.f32 v14, v14;
	v42 =	vmul.f32 $-5.000000000e-01, v42  }
0x233: {  	v46 =	vld.idx.msk [tilespmem:v4+s29+$0x0], $0xffff;
	v44 =	vsub.f32 v39, v44;
	v26 =	vmul.f32 $1.442695020e+00, v26;
	v62 =	vmul.f32 v62, v62  }
0x234: {  	v19 =	vor.u32 $0x1, v16;
	v27 =	vld.idx.msk [tilespmem:v27+s29+$0x0], $0xffff;
	v43 =	vmul.f32 v43, v43;
	v45 =	vmul.f32 v45, v45  }
0x235: {  	v30 =	vld.idx.msk [tilespmem:v30+s31+$0x0], $0xffff;
	v10 =	vsub.f32 v37, v10;
	v44 =	vmul.f32 v44, v44;
	v12 =	vmul.f32 v12, v50  }
0x236: {  	v54 =	vld.idx.msk [tilespmem:v7+s29+$0x0], $0xffff;
	v47 =	vsub.f32 v57, v47;
	v14 =	vmul.f32 v14, v50;
	v42 =	vmul.f32 $1.442695020e+00, v42  }
0x237: {  	v31 =	vld.idx.msk [tilespmem:v31+s29+$0x0], $0xffff;
	v28 =	vadd.f32 v28, v35;
	(erf) = vpow2.f32 v26;
	v20 =	vmul.f32 v62, v49  }
0x238: {  	v21 =	vld.idx.msk [tilespmem:v17+s31+$0x0], $0xffff;
	v7 =	vsub.f32 v61, v46;
	v62 =	vmul.f32 v63, v49;
	v10 =	vmul.f32 v10, v10  }
0x239: {  	v23 =	vld.idx.msk [tilespmem:v19+s31+$0x0], $0xffff;
	v26 =	vor.u32 $0x1, v56;
	v47 =	vmul.f32 v47, v47;
	v45 =	vmul.f32 v45, v49  }
0x23a: {  	v33 =	vld.idx.msk [tilespmem:v33+s29+$0x0], $0xffff;
	v43 =	vmul.f32 v43, v49;
	v27 =	vsub.f32 v39, v27;
	v5 =	vsub.f32 v30, v55  }
0x23b: {  	v32 =	vld.idx.msk [tilespmem:v32+s29+$0x0], $0xffff;
	v25 =	vsub.f32 v30, v25;
	v39 =	vmul.f32 v7, v7;
	v44 =	vmul.f32 v44, v50  }
0x23c: {  	v63 =	vld.idx.msk [tilespmem:v16+s31+$0x0], $0xffff;
	v41 =	vadd.f32 v12, v41;
	(erf) = vpow2.f32 v42;
	v10 =	vmul.f32 v10, v49  }
0x23d: {  	v11 =	vsub.f32 v21, v11;
	v42 =	vld.idx.msk [tilespmem:v22+s29+$0x0], $0xffff;
	v31 =	vsub.f32 v21, v31;
	v22 =	vmul.f32 v47, v50  }
0x23e: {  	v58 =	vld.idx.msk [tilespmem:v58+s29+$0x0], $0xffff;
	v4 =	vsub.f32 v23, v54;
	v27 =	vmul.f32 v27, v27;
	v30 =	vmul.f32 v5, v5  }
0x23f: {  	v13 =	vsub.f32 v23, v13;
	v25 =	vmul.f32 v25, v25;
	v11 =	vmul.f32 v11, v11;
	v26 =	vld.idx.msk [tilespmem:v26+s31+$0x0], $0xffff  }
0x240: {  	v36 =	vadd.f32 v44, v20;
	v31 =	vmul.f32 v31, v31;
	v17 =	vmul.f32 v4, v4  }
0x241: {  	v13 =	vmul.f32 v13, v13;
	v33 =	vsub.f32 v63, v33;
	v27 =	vmul.f32 v27, v50  }
0x242: {  	v11 =	vmul.f32 v11, v50;
	v56 =	vmul.f32 v17, v50;
	v42 =	vsub.f32 v63, v42  }
0x243: {  	v40 =	vld.idx.msk [tilespmem:v40+s29+$0x0], $0xffff;
	v20 =	vadd.f32 v27, v45;
	v27 =	vmul.f32 v30, v49;
	v30 =	vmul.f32 v31, v50  }
0x244: {  	v42 =	vmul.f32 v42, v42;
	v32 =	vsub.f32 v26, v32;
	v26 =	vsub.f32 v26, v58;
	v58 =	vld.idx.msk [tilespmem:v59+s31+$0x0], $0xffff  }
0x245: {  	v13 =	vmul.f32 v13, v50;
	v23 =	vadd.f32 v30, v27;
	v30 =	vmul.f32 v25, v49  }
0x246: {  	v33 =	vmul.f32 v33, v33;
	v59 =	vsub.f32 v57, v6;
	v27 =	vmul.f32 v42, v49  }
0x247: {  	v11 =	vadd.f32 v11, v30;
	v30 =	vmul.f32 $-5.000000000e-01, v28;
	v52 =	vmul.f32 $-5.000000000e-01, v23  }
0x248: {  	v34 =	vadd.f32 v34, v62;
	v32 =	vmul.f32 v32, v32;
	v26 =	vmul.f32 v26, v26  }
0x249: {  	v18 =	vpop (erf);
	v37 =	vmul.f32 v59, v59;
	v53 =	vmul.f32 $-5.000000000e-01, v11;
	v40 =	vsub.f32 v58, v40  }
0x24a: {  	v19 =	vpop (erf);
	v32 =	vmul.f32 v32, v50;
	v26 =	vmul.f32 v26, v50;
	v6 =	vsub.f32 v58, v60  }
0x24b: {  	v51 =	vsub.f32 v18, v19;
	v21 =	vmul.f32 v37, v50;
	v40 =	vmul.f32 v40, v40  }
0x24c: {  	v58 =	vmul.f32 v33, v49;
	v32 =	vadd.f32 v32, v43;
	v16 =	vmul.f32 v6, v6  }
0x24d: {  	v10 =	vadd.f32 v26, v10;
	v26 =	vmul.f32 v39, v49;
	v57 =	vmul.f32 v40, v49  }
0x24e: {  	v27 =	vadd.f32 v13, v27;
	v39 =	vmul.f32 $-5.000000000e-01, v34;
	v31 =	vmul.f32 v16, v49  }
0x24f: {  	v42 =	vadd.f32 v56, v58;
	v28 =	vmul.f32 $-5.000000000e-01, v32;
	v59 =	vadd.f32 v21, v57  }
0x250: {  	s8 =	simm.s32 $0x1B840;
	v62 =	vmul.f32 $-5.000000000e-01, v10;
	v40 =	vmul.f32 $-5.000000000e-01, v36;
	v25 =	vadd.f32 v22, v31  }
0x251: {  	s24 =	simm.s32 $0x0;
	s10 =	simm.s32 $0x50C0;
	s7 =	simm.s32 $0x1B840;
	[tilespmem:s8+$0x30] =	vst v51;
	v26 =	vadd.f32 v14, v26;
	v31 =	vmul.f32 $-5.000000000e-01, v20;
	v51 =	vmul.f32 $-5.000000000e-01, v59  }
.LBB2_21:
0x252: {  	v10 =	vld [tilespmem:s10+$0x30];
	v59 =	vmul.f32 $-5.000000000e-01, v25;
	v60 =	vmul.f32 $-5.000000000e-01, v41;
	s25 =	sadd.s32 $0x80, s25  }
0x253: {  	v61 =	vmul.f32 $-5.000000000e-01, v26;
	v55 =	vmul.f32 $-5.000000000e-01, v42;
	v11 =	vld [tilespmem:s25+$0x30]  }
0x254: {  	v13 =	vmul.f32 $1.442695020e+00, v40;
	v57 =	vmul.f32 $-5.000000000e-01, v27;
	v12 =	vld [tilespmem:s25+$0xFFFFFFC0]  }
0x255: {  	s24 =	sadd.s32 $0x8, s24;
	v63 =	vmul.f32 $1.442695020e+00, v31;
	v56 =	vmul.f32 $1.442695020e+00, v39;
	v14 =	vld [tilespmem:s25+$0xFFFFFFD0]  }
0x256: {  	v58 =	vmul.f32 $1.442695020e+00, v30;
	v54 =	vmul.f32 $1.442695020e+00, v28;
	s5 =	sadd.s32 $0x80, s5;
	p2 =	slt.u32 s24, $0x138;
	v25 =	vld [tilespmem:s25+$0xFFFFFFE0]  }
0x257: {  	s30 =	sadd.s32 $0xFFFFFFA0, s5;
	s18 =	sadd.s32 $0xFFFFFFB0, s5;
	s0 =	sadd.s32 $0xFFFFFFC0, s5;
	v27 =	vmov s5;
	v26 =	vld [tilespmem:s25+$0xFFFFFFF0];
	(erf) = vpow2.f32 v13  }
0x258: {  	s1 =	sadd.s32 $0xFFFFFFD0, s5;
	s3 =	sadd.s32 $0xFFFFFFE0, s5;
	s6 =	sadd.s32 $0xFFFFFFF0, s5;
	v27 =	vshll.u32 v27, $0x3;
	v10 =	vshll.u32 v10, $0x1;
	v13 =	vld [tilespmem:s25+$0x0];
	v11 =	vshll.u32 v11, $0x1  }
0x259: {  	s9 =	sadd.s32 $0xFFFFFF90, s5;
	v27 =	vor.u32 v38, v27;
	v30 =	vor.u32 $0x1, v10;
	v28 =	vld [tilespmem:s25+$0x10];
	v11 =	vand.u32 $0x2, v11  }
0x25a: {  	v31 =	vmov s9;
	v32 =	vmov s30;
	v33 =	vld [tilespmem:s25+$0x20];
	v11 =	vor.u32 v27, v11  }
0x25b: {  	v34 =	vmov s18;
	v35 =	vmov s0;
	v27 =	vld [tilespmem:s10+$0xFFFFFFC0];
	v36 =	vor.u32 $0x1, v11  }
0x25c: {  	v39 =	vmov s1;
	v40 =	vmov s3;
	v41 =	vor.u32 $0x4, v11;
	v37 =	vld [tilespmem:s10+$0xFFFFFFD0]  }
0x25d: {  	v42 =	vmov s6;
	v12 =	vshll.u32 v12, $0x1;
	v43 =	vor.u32 $0x5, v11;
	v10 =	vld.idx.msk [tilespmem:v10+s31+$0x0], $0xffff  }
0x25e: {  	v14 =	vshll.u32 v14, $0x1;
	v44 =	vshll.u32 v25, $0x1;
	v26 =	vshll.u32 v26, $0x1;
	v30 =	vld.idx.msk [tilespmem:v30+s31+$0x0], $0xffff  }
0x25f: {  	v13 =	vshll.u32 v13, $0x1;
	v28 =	vshll.u32 v28, $0x1;
	v33 =	vshll.u32 v33, $0x1;
	v11 =	vld.idx.msk [tilespmem:v11+s29+$0x0], $0xffff  }
0x260: {  	v31 =	vshll.u32 v31, $0x3;
	v32 =	vshll.u32 v32, $0x3;
	v34 =	vshll.u32 v34, $0x3;
	v36 =	vld.idx.msk [tilespmem:v36+s29+$0x0], $0xffff;
	v25 =	vpop (erf)  }
0x261: {  	v35 =	vshll.u32 v35, $0x3;
	v39 =	vshll.u32 v39, $0x3;
	v40 =	vshll.u32 v40, $0x3;
	v41 =	vld.idx.msk [tilespmem:v41+s29+$0x0], $0xffff  }
0x262: {  	v42 =	vshll.u32 v42, $0x3;
	v12 =	vand.u32 $0x2, v12;
	v14 =	vand.u32 $0x2, v14;
	v43 =	vld.idx.msk [tilespmem:v43+s29+$0x0], $0xffff  }
0x263: {  	v44 =	vand.u32 $0x2, v44;
	v26 =	vand.u32 $0x2, v26;
	v13 =	vand.u32 $0x2, v13;
	v45 =	vld [tilespmem:s10+$0xFFFFFFE0]  }
0x264: {  	v31 =	vor.u32 v38, v31;
	v28 =	vand.u32 $0x2, v28;
	v33 =	vand.u32 $0x2, v33;
	v46 =	vld [tilespmem:s10+$0xFFFFFFF0]  }
0x265: {  	v32 =	vor.u32 v38, v32;
	v34 =	vor.u32 v38, v34;
	v35 =	vor.u32 v38, v35;
	v47 =	vld [tilespmem:s10+$0x0]  }
0x266: {  	v39 =	vor.u32 v38, v39;
	v40 =	vor.u32 v38, v40;
	v42 =	vor.u32 v38, v42;
	v48 =	vld [tilespmem:s10+$0x10]  }
0x267: {  	v12 =	vor.u32 v31, v12;
	v11 =	vsub.f32 v10, v11;
	v36 =	vsub.f32 v30, v36;
	v31 =	vld [tilespmem:s10+$0x20]  }
0x268: {  	v14 =	vor.u32 v32, v14;
	v10 =	vsub.f32 v10, v41;
	v30 =	vsub.f32 v30, v43  }
0x269: {  	v32 =	vor.u32 v34, v44;
	v11 =	vmul.f32 v11, v11;
	v34 =	vmul.f32 v36, v36  }
0x26a: {  	v35 =	vor.u32 v35, v26;
	v10 =	vmul.f32 v10, v10;
	v26 =	vmul.f32 v30, v30  }
0x26b: {  	v13 =	vor.u32 v39, v13;
	v11 =	vmul.f32 v11, v49;
	v30 =	vmul.f32 v34, v50  }
0x26c: {  	v36 =	vor.u32 v40, v28;
	v10 =	vmul.f32 v10, v49;
	v26 =	vmul.f32 v26, v50;
	v34 =	vld.idx.msk [tilespmem:v12+s29+$0x0], $0xffff  }
0x26d: {  	v33 =	vor.u32 v42, v33;
	v41 =	vshll.u32 v27, $0x1;
	v11 =	vadd.f32 v30, v11;
	v43 =	vld.idx.msk [tilespmem:v14+s29+$0x0], $0xffff  }
0x26e: {  	v37 =	vshll.u32 v37, $0x1;
	v44 =	vshll.u32 v45, $0x1;
	v10 =	vadd.f32 v26, v10;
	v45 =	vld.idx.msk [tilespmem:v32+s29+$0x0], $0xffff  }
0x26f: {  	v42 =	vshll.u32 v46, $0x1;
	v40 =	vshll.u32 v47, $0x1;
	v11 =	vmul.f32 $-5.000000000e-01, v11;
	v27 =	vld.idx.msk [tilespmem:v35+s29+$0x0], $0xffff  }
0x270: {  	v39 =	vshll.u32 v48, $0x1;
	v31 =	vshll.u32 v31, $0x1;
	v10 =	vmul.f32 $-5.000000000e-01, v10;
	v26 =	vld.idx.msk [tilespmem:v13+s29+$0x0], $0xffff  }
0x271: {  	v46 =	vor.u32 $0x1, v12;
	v47 =	vor.u32 $0x4, v12;
	v11 =	vmul.f32 $1.442695020e+00, v11;
	v28 =	vld.idx.msk [tilespmem:v36+s29+$0x0], $0xffff  }
0x272: {  	v48 =	vor.u32 $0x1, v14;
	v12 =	vor.u32 $0x5, v12;
	v10 =	vmul.f32 $1.442695020e+00, v10;
	v30 =	vld.idx.msk [tilespmem:v33+s29+$0x0], $0xffff  }
0x273: {  	v16 =	vor.u32 $0x4, v14;
	v14 =	vor.u32 $0x5, v14;
	v15 =	vld.idx.msk [tilespmem:v41+s31+$0x0], $0xffff;
	(erf) = vpow2.f32 v11  }
0x274: {  	v17 =	vor.u32 $0x1, v32;
	v18 =	vor.u32 $0x4, v32;
	v11 =	vld.idx.msk [tilespmem:v37+s31+$0x0], $0xffff;
	(erf) = vpow2.f32 v10  }
0x275: {  	v19 =	vor.u32 $0x1, v35;
	v20 =	vor.u32 $0x4, v35;
	v32 =	vor.u32 $0x5, v32;
	v10 =	vld.idx.msk [tilespmem:v44+s31+$0x0], $0xffff  }
0x276: {  	v21 =	vor.u32 $0x1, v13;
	v22 =	vor.u32 $0x4, v13;
	v35 =	vor.u32 $0x5, v35;
	v46 =	vld.idx.msk [tilespmem:v46+s29+$0x0], $0xffff  }
0x277: {  	v23 =	vor.u32 $0x1, v36;
	v24 =	vor.u32 $0x4, v36;
	v13 =	vor.u32 $0x5, v13;
	v47 =	vld.idx.msk [tilespmem:v47+s29+$0x0], $0xffff  }
0x278: {  	v29 =	vor.u32 $0x1, v33;
	v0 =	vor.u32 $0x4, v33;
	v36 =	vor.u32 $0x5, v36;
	v12 =	vld.idx.msk [tilespmem:v12+s29+$0x0], $0xffff  }
0x279: {  	v2 =	vor.u32 $0x1, v41;
	v33 =	vor.u32 $0x5, v33;
	v37 =	vor.u32 $0x1, v37;
	v48 =	vld.idx.msk [tilespmem:v48+s29+$0x0], $0xffff  }
0x27a: {  	v3 =	vor.u32 $0x1, v42;
	v4 =	vor.u32 $0x1, v40;
	v44 =	vor.u32 $0x1, v44;
	v16 =	vld.idx.msk [tilespmem:v16+s29+$0x0], $0xffff  }
0x27b: {  	v5 =	vor.u32 $0x1, v39;
	v6 =	vor.u32 $0x1, v31;
	v34 =	vsub.f32 v15, v34;
	v14 =	vld.idx.msk [tilespmem:v14+s29+$0x0], $0xffff  }
0x27c: {  	v7 =	vmul.f32 $1.442695020e+00, v62;
	v41 =	vsub.f32 v11, v43;
	v43 =	vsub.f32 v10, v45;
	v17 =	vld.idx.msk [tilespmem:v17+s29+$0x0], $0xffff;
	v45 =	vpop (erf)  }
0x27d: {  	v8 =	vmul.f32 $1.442695020e+00, v53;
	v34 =	vmul.f32 v34, v34;
	v15 =	vsub.f32 v15, v47;
	v18 =	vld.idx.msk [tilespmem:v18+s29+$0x0], $0xffff;
	v47 =	vpop (erf)  }
0x27e: {  	v41 =	vmul.f32 v41, v41;
	v43 =	vmul.f32 v43, v43;
	v32 =	vld.idx.msk [tilespmem:v32+s29+$0x0], $0xffff;
	v45 =	vsub.f32 v45, v47  }
0x27f: {  	s8 =	sadd.s32 $0x80, s8;
	v62 =	vmul.f32 v34, v49;
	v15 =	vmul.f32 v15, v15;
	v19 =	vld.idx.msk [tilespmem:v19+s29+$0x0], $0xffff  }
0x280: {  	v53 =	vmul.f32 v41, v49;
	v11 =	vsub.f32 v11, v16;
	v16 =	vld.idx.msk [tilespmem:v20+s29+$0x0], $0xffff;
	[tilespmem:s8+$0x30] =	vst v45;
	v20 =	vmul.f32 $1.442695020e+00, v52  }
0x281: {  	v41 =	vmul.f32 v15, v49;
	v52 =	vmul.f32 v43, v49;
	v15 =	vld.idx.msk [tilespmem:v35+s29+$0x0], $0xffff  }
0x282: {  	v34 =	vmul.f32 $1.442695020e+00, v51;
	v11 =	vmul.f32 v11, v11;
	v21 =	vld.idx.msk [tilespmem:v21+s29+$0x0], $0xffff  }
0x283: {  	v35 =	vmul.f32 $1.442695020e+00, v60;
	v10 =	vsub.f32 v10, v18;
	v18 =	vld.idx.msk [tilespmem:v22+s29+$0x0], $0xffff;
	v22 =	vmul.f32 $1.442695020e+00, v59  }
0x284: {  	v51 =	vmul.f32 v11, v49;
	v11 =	vld.idx.msk [tilespmem:v13+s29+$0x0], $0xffff;
	v13 =	vmul.f32 $1.442695020e+00, v61  }
0x285: {  	v43 =	vmul.f32 $1.442695020e+00, v55;
	v10 =	vmul.f32 v10, v10;
	v23 =	vld.idx.msk [tilespmem:v23+s29+$0x0], $0xffff  }
0x286: {  	v45 =	vmul.f32 $1.442695020e+00, v57;
	v24 =	vld.idx.msk [tilespmem:v24+s29+$0x0], $0xffff;
	(erf) = vpow2.f32 v63  }
0x287: {  	v55 =	vmul.f32 v10, v49;
	v10 =	vld.idx.msk [tilespmem:v36+s29+$0x0], $0xffff;
	(erf) = vpow2.f32 v56  }
0x288: {  	v29 =	vld.idx.msk [tilespmem:v29+s29+$0x0], $0xffff;
	(erf) = vpow2.f32 v58  }
0x289: {  	v0 =	vld.idx.msk [tilespmem:v0+s29+$0x0], $0xffff;
	(erf) = vpow2.f32 v54  }
0x28a: {  	v33 =	vld.idx.msk [tilespmem:v33+s29+$0x0], $0xffff;
	(erf) = vpow2.f32 v7  }
0x28b: {  	v2 =	vld.idx.msk [tilespmem:v2+s31+$0x0], $0xffff;
	(erf) = vpow2.f32 v8  }
0x28c: {  	v7 =	vld.idx.msk [tilespmem:v37+s31+$0x0], $0xffff;
	(erf) = vpow2.f32 v20  }
0x28d: {  	v8 =	vld.idx.msk [tilespmem:v44+s31+$0x0], $0xffff;
	(erf) = vpow2.f32 v34  }
0x28e: {  	v3 =	vld.idx.msk [tilespmem:v3+s31+$0x0], $0xffff;
	(erf) = vpow2.f32 v22  }
0x28f: {  	v4 =	vld.idx.msk [tilespmem:v4+s31+$0x0], $0xffff;
	v20 =	vpop (erf);
	(erf) = vpow2.f32 v35  }
0x290: {  	v5 =	vld.idx.msk [tilespmem:v5+s31+$0x0], $0xffff;
	v35 =	vsub.f32 v25, v20;
	v22 =	vpop (erf);
	(erf) = vpow2.f32 v13  }
0x291: {  	v13 =	vsub.f32 v2, v46;
	v2 =	vsub.f32 v2, v12;
	v6 =	vld.idx.msk [tilespmem:v6+s31+$0x0], $0xffff;
	v12 =	vpop (erf);
	(erf) = vpow2.f32 v43  }
0x292: {  	v25 =	vsub.f32 v7, v48;
	v7 =	vsub.f32 v7, v14;
	v14 =	vld.idx.msk [tilespmem:v42+s31+$0x0], $0xffff;
	[tilespmem:s7+$0xFFFFFFC0] =	vst v35;
	v20 =	vpop (erf);
	(erf) = vpow2.f32 v45  }
0x293: {  	v13 =	vmul.f32 v13, v13;
	v17 =	vsub.f32 v8, v17;
	v8 =	vsub.f32 v8, v32;
	v32 =	vld.idx.msk [tilespmem:v40+s31+$0x0], $0xffff;
	v34 =	vpop (erf)  }
0x294: {  	v2 =	vmul.f32 v2, v2;
	v19 =	vsub.f32 v3, v19;
	v3 =	vsub.f32 v3, v15;
	v15 =	vld.idx.msk [tilespmem:v39+s31+$0x0], $0xffff;
	v35 =	vpop (erf)  }
0x295: {  	v25 =	vmul.f32 v25, v25;
	v21 =	vsub.f32 v4, v21;
	v4 =	vsub.f32 v4, v11;
	v11 =	vld.idx.msk [tilespmem:v31+s31+$0x0], $0xffff;
	v31 =	vpop (erf)  }
0x296: {  	v7 =	vmul.f32 v7, v7;
	v23 =	vsub.f32 v5, v23;
	v5 =	vsub.f32 v5, v10;
	v10 =	vpop (erf)  }
0x297: {  	v17 =	vmul.f32 v17, v17;
	v29 =	vsub.f32 v6, v29;
	v6 =	vsub.f32 v6, v33;
	v33 =	vpop (erf)  }
0x298: {  	v8 =	vmul.f32 v8, v8;
	v27 =	vsub.f32 v14, v27;
	v14 =	vsub.f32 v14, v16;
	v16 =	vpop (erf)  }
0x299: {  	v19 =	vmul.f32 v19, v19;
	v26 =	vsub.f32 v32, v26;
	v18 =	vsub.f32 v32, v18;
	v32 =	vpop (erf)  }
0x29a: {  	v14 =	vmul.f32 v14, v14;
	v28 =	vsub.f32 v15, v28;
	v15 =	vsub.f32 v15, v24;
	v24 =	vpop (erf)  }
0x29b: {  	v3 =	vmul.f32 v3, v3;
	v30 =	vsub.f32 v11, v30;
	v0 =	vsub.f32 v11, v0;
	v11 =	vpop (erf)  }
0x29c: {  	v12 =	vsub.f32 v22, v12;
	v21 =	vmul.f32 v21, v21;
	v18 =	vmul.f32 v18, v18  }
0x29d: {  	v20 =	vsub.f32 v20, v34;
	v4 =	vmul.f32 v4, v4;
	v22 =	vmul.f32 v23, v23  }
0x29e: {  	v5 =	vmul.f32 v5, v5;
	v15 =	vmul.f32 v15, v15;
	[tilespmem:s7+$0xFFFFFFD0] =	vst v12;
	v12 =	vsub.f32 v35, v31  }
0x29f: {  	v23 =	vmul.f32 v29, v29;
	v10 =	vsub.f32 v10, v33;
	v0 =	vmul.f32 v0, v0;
	[tilespmem:s7+$0xFFFFFFE0] =	vst v20  }
0x2a0: {  	v6 =	vmul.f32 v6, v6;
	v20 =	vmul.f32 v27, v27;
	[tilespmem:s7+$0xFFFFFFF0] =	vst v12;
	v12 =	vsub.f32 v16, v32  }
0x2a1: {  	v16 =	vmul.f32 v26, v26;
	v26 =	vmul.f32 v28, v28;
	[tilespmem:s7+$0x0] =	vst v10;
	v10 =	vsub.f32 v24, v11  }
0x2a2: {  	v11 =	vmul.f32 v13, v50;
	v13 =	vmul.f32 v30, v30;
	[tilespmem:s7+$0x10] =	vst v12  }
0x2a3: {  	v2 =	vmul.f32 v2, v50;
	v12 =	vmul.f32 v25, v50;
	[tilespmem:s7+$0x20] =	vst v10;
	s7 =	smov.u32 s8  }
0x2a4: {  	v7 =	vmul.f32 v7, v50;
	v10 =	vadd.f32 v11, v62;
	v11 =	vmul.f32 v17, v50  }
0x2a5: {  	v2 =	vadd.f32 v2, v41;
	v8 =	vmul.f32 v8, v50;
	v17 =	vmul.f32 v19, v50  }
0x2a6: {  	v3 =	vmul.f32 v3, v50;
	v14 =	vmul.f32 v14, v49;
	v12 =	vadd.f32 v12, v53  }
0x2a7: {  	v7 =	vadd.f32 v7, v51;
	v18 =	vmul.f32 v18, v49;
	v19 =	vmul.f32 v21, v50  }
0x2a8: {  	v4 =	vmul.f32 v4, v50;
	v21 =	vmul.f32 v22, v50;
	v11 =	vadd.f32 v11, v52  }
0x2a9: {  	v8 =	vadd.f32 v8, v55;
	v5 =	vmul.f32 v5, v50;
	v15 =	vmul.f32 v15, v49  }
0x2aa: {  	v3 =	vadd.f32 v3, v14;
	v14 =	vmul.f32 v23, v50;
	v0 =	vmul.f32 v0, v49  }
0x2ab: {  	v20 =	vmul.f32 v20, v49;
	v25 =	vadd.f32 v4, v18;
	v4 =	vmul.f32 v6, v50  }
0x2ac: {  	v6 =	vmul.f32 v16, v49;
	v16 =	vmul.f32 v26, v49;
	v26 =	vadd.f32 v5, v15  }
0x2ad: {  	v13 =	vmul.f32 v13, v49;
	v27 =	vadd.f32 v4, v0;
	v5 =	vadd.f32 v17, v20  }
.Ltmp10:
0x2ae: {  	v40 =	vmul.f32 $-5.000000000e-01, v10;
	v0 =	vadd.f32 v19, v6;
	v41 =	vadd.f32 v21, v16;
	(pc) =	sbr.rel @p2 .LBB2_21-.Ltmp10, $4  }
0x2af: {  	v31 =	vmul.f32 $-5.000000000e-01, v2;
	v42 =	vadd.f32 v14, v13;
	v39 =	vmul.f32 $-5.000000000e-01, v12  }
0x2b0: {  	v30 =	vmul.f32 $-5.000000000e-01, v7;
	v28 =	vmul.f32 $-5.000000000e-01, v11  }
0x2b1: {  	v62 =	vmul.f32 $-5.000000000e-01, v8;
	v53 =	vmul.f32 $-5.000000000e-01, v5  }
0x2b2: {  	s10 =	sadd.s32 $0x80, s10;
	v52 =	vmul.f32 $-5.000000000e-01, v3;
	v51 =	vmul.f32 $-5.000000000e-01, v0  }
0x2b3: {  	v0 =	vmul.f32 $-5.000000000e-01, v25;
	v2 =	vmul.f32 $-5.000000000e-01, v41  }
0x2b4: {  	v3 =	vmul.f32 $-5.000000000e-01, v26;
	v4 =	vmul.f32 $-5.000000000e-01, v42  }
0x2b5: {  	v5 =	vmul.f32 $1.442695020e+00, v40;
	v6 =	vmul.f32 $-5.000000000e-01, v27  }
0x2b6: {  	v7 =	vmul.f32 $1.442695020e+00, v31;
	v8 =	vmul.f32 $1.442695020e+00, v39  }
0x2b7: {  	v47 =	vmul.f32 $1.442695020e+00, v30;
	(erf) = vpow2.f32 v5  }
0x2b8: {  	v48 =	vmul.f32 $1.442695020e+00, v28;
	(erf) = vpow2.f32 v7  }
0x2b9: {  	v54 =	vmul.f32 $1.442695020e+00, v53;
	(erf) = vpow2.f32 v8  }
0x2ba: {  	v8 =	vmul.f32 $1.442695020e+00, v62;
	(erf) = vpow2.f32 v47  }
0x2bb: {  	v55 =	vmul.f32 $1.442695020e+00, v52;
	(erf) = vpow2.f32 v48  }
0x2bc: {  	v0 =	vmul.f32 $1.442695020e+00, v0;
	(erf) = vpow2.f32 v8  }
0x2bd: {  	v8 =	vmul.f32 $1.442695020e+00, v51;
	(erf) = vpow2.f32 v54  }
0x2be: {  	v2 =	vmul.f32 $1.442695020e+00, v2;
	(erf) = vpow2.f32 v55  }
0x2bf: {  	v3 =	vmul.f32 $1.442695020e+00, v3;
	(erf) = vpow2.f32 v8  }
0x2c0: {  	v56 =	vpop (erf);
	(erf) = vpow2.f32 v0;
	v0 =	vmul.f32 $1.442695020e+00, v4  }
0x2c1: {  	v57 =	vpop (erf);
	(erf) = vpow2.f32 v2;
	v2 =	vmul.f32 $1.442695020e+00, v6  }
0x2c2: {  	v58 =	vpop (erf);
	(erf) = vpow2.f32 v3  }
0x2c3: {  	v3 =	vpop (erf);
	(erf) = vpow2.f32 v0  }
0x2c4: {  	v0 =	vpop (erf);
	(erf) = vpow2.f32 v2  }
0x2c5: {  	v2 =	vpop (erf)  }
0x2c6: {  	v59 =	vpop (erf)  }
0x2c7: {  	v8 =	vpop (erf)  }
0x2c8: {  	v4 =	vsub.f32 v56, v57;
	v60 =	vpop (erf)  }
0x2c9: {  	v3 =	vsub.f32 v58, v3;
	v10 =	vpop (erf)  }
0x2ca: {  	[tilespmem:s7+$0xFFFFFFC0] =	vst v4;
	v0 =	vsub.f32 v0, v2;
	v61 =	vpop (erf)  }
0x2cb: {  	[tilespmem:s7+$0xFFFFFFD0] =	vst v3;
	v3 =	vsub.f32 v59, v8;
	v2 =	vpop (erf)  }
0x2cc: {  	[tilespmem:s7+$0xFFFFFFE0] =	vst v0;
	v0 =	vsub.f32 v60, v10;
	v62 =	vpop (erf)  }
0x2cd: {  	[tilespmem:s7+$0xFFFFFFF0] =	vst v3;
	v2 =	vsub.f32 v61, v2;
	v63 =	vpop (erf)  }
0x2ce: {  	s0 =	sadd.s32 s17, s22;
	[tilespmem:s7+$0x0] =	vst v0;
	v0 =	vsub.f32 v62, v63  }
0x2cf: {  	p2 =	seq.s32 s11, $0x9;
	s0 =	sshrl.u32 s0, $0x3;
	[tilespmem:s7+$0x10] =	vst v2  }
.Ltmp11:
0x2d0: {  	s0 =	sadd.s32 s12, s0;
	[tilespmem:s7+$0x20] =	vst v0;
	(pc) =	sbr.rel @p2 .LBB2_26-.Ltmp11, $4  }
0x2d1: {  	[hbm4b:s0+s4] =	stream.linear.scatter [tilespmem:s26], [sflag:$0x3], $0x1400, $0x38;
	[tilespmem:$0x1E050] =	vst v63  }
0x2d2: {  	_ =	swait.ge [sflag:s28], $0x1400  }
0x2d3: {  	[sflag:s28] =	ssyncset.done $0x0  }
0x2d4: {  	s30 =	smov.u32 s12;
	[sflag:s28] =	ssyncadd.s32 $0xFFFFEC00  }
0x2d5: {  	s0 =	rddreg [dreg:$0x12]  }
0x2d6: {  	s0 =	sadd.s32 s22, s0  }
0x2d7: {  	s24 =	rddreg [dreg:$0x1];
	s5 =	sshrl.u32 s0, $0x3  }
0x2d8: {  	s0 =	sadd.s32 s24, s5  }
0x2d9: {  	[tilespmem:s4], [sflag:$0x3] =	stream.linear.gather [hbm4b:s0+s4], $0x1400, $0x38;
	[tilespmem:$0x1E050] =	vst v63  }
0x2da: {  	_ =	swait.ge [sflag:s28], $0x1400  }
0x2db: {  	[sflag:s28] =	ssyncset.done $0x0  }
0x2dc: {  	s25 =	simm.s32 $0x40;
	[sflag:s28] =	ssyncadd.s32 $0xFFFFEC00  }
0x2dd: {  	v0 =	vld [tilespmem:s25+$0x30]  }
0x2de: {  	v2 =	vld [tilespmem:s25+$0xFFFFFFD0]  }
0x2df: {  	v3 =	vld [tilespmem:s25+$0xFFFFFFE0]  }
0x2e0: {  	v27 =	vld [tilespmem:s25+$0xFFFFFFF0]  }
0x2e1: {  	v25 =	vld [tilespmem:s25+$0x0]  }
0x2e2: {  	s7 =	simm.s32 $0x2840;
	v26 =	vld [tilespmem:s25+$0x10];
	v0 =	vshra.s32 v0, $0x1  }
0x2e3: {  	v28 =	vld [tilespmem:s25+$0x20];
	v2 =	vshra.s32 v2, $0x1;
	[tilespmem:s7+$0x30] =	vst v0  }
0x2e4: {  	s8 =	simm.s32 $0x0;
	s10 =	simm.s32 $0xC0;
	v30 =	vld [tilespmem:s25+$0xFFFFFFC0];
	v31 =	vshra.s32 v3, $0x1;
	[tilespmem:s7+$0xFFFFFFD0] =	vst v2  }
.LBB2_24:
0x2e5: {  	v0 =	vld [tilespmem:s10+$0x30];
	s8 =	sadd.s32 $0x8, s8;
	[tilespmem:s7+$0xFFFFFFE0] =	vst v31;
	v2 =	vshra.s32 v27, $0x1  }
0x2e6: {  	v3 =	vld [tilespmem:s10+$0xFFFFFFD0];
	p2 =	slt.u32 s8, $0x138;
	[tilespmem:s7+$0xFFFFFFF0] =	vst v2;
	v2 =	vshra.s32 v25, $0x1  }
0x2e7: {  	v4 =	vld [tilespmem:s10+$0xFFFFFFE0];
	[tilespmem:s7+$0x0] =	vst v2;
	v2 =	vshra.s32 v26, $0x1  }
.Ltmp12:
0x2e8: {  	v27 =	vld [tilespmem:s10+$0xFFFFFFF0];
	[tilespmem:s7+$0x10] =	vst v2;
	v2 =	vshra.s32 v28, $0x1;
	(pc) =	sbr.rel @p2 .LBB2_24-.Ltmp12, $4  }
0x2e9: {  	v25 =	vld [tilespmem:s10+$0x0];
	v5 =	vshra.s32 v30, $0x1;
	[tilespmem:s7+$0x20] =	vst v2  }
0x2ea: {  	v26 =	vld [tilespmem:s10+$0x10];
	v0 =	vshra.s32 v0, $0x1;
	[tilespmem:s7+$0xFFFFFFC0] =	vst v5;
	s7 =	sadd.s32 $0x80, s7  }
0x2eb: {  	v2 =	vshra.s32 v3, $0x1;
	v28 =	vld [tilespmem:s10+$0x20];
	[tilespmem:s7+$0x30] =	vst v0  }
0x2ec: {  	v30 =	vld [tilespmem:s10+$0xFFFFFFC0];
	[tilespmem:s7+$0xFFFFFFD0] =	vst v2;
	v31 =	vshra.s32 v4, $0x1;
	s10 =	sadd.s32 $0x80, s10  }
0x2ed: {  	[tilespmem:s7+$0xFFFFFFE0] =	vst v31;
	v0 =	vshra.s32 v27, $0x1  }
0x2ee: {  	[tilespmem:s7+$0xFFFFFFF0] =	vst v0;
	v0 =	vshra.s32 v25, $0x1  }
0x2ef: {  	[tilespmem:s7+$0x0] =	vst v0;
	v0 =	vshra.s32 v26, $0x1  }
0x2f0: {  	[tilespmem:s7+$0x10] =	vst v0;
	v0 =	vshra.s32 v28, $0x1  }
0x2f1: {  	v2 =	vshra.s32 v30, $0x1;
	[tilespmem:s7+$0x20] =	vst v0  }
0x2f2: {  	s0 =	simm.s32 $0x2800;
	s25 =	rddreg [dreg:$0x0];
	[tilespmem:s7+$0xFFFFFFC0] =	vst v2  }
0x2f3: {  	[tilespmem:s29], [sflag:$0x1] =	stream.indirect.gather [hbm4b:s21+s2], $0x8, s0, s2, $0xb8;
	[tilespmem:$0x1E050] =	vst v63  }
0x2f4: {  	s1 =	simm.s32 $0x5000;
	s0 =	sadd.s32 s25, s5  }
0x2f5: {  	[tilespmem:s1], [sflag:$0x3] =	stream.linear.gather [hbm4b:s0+s4], $0x1400, $0x38;
	[tilespmem:$0x1E050] =	vst v63  }
0x2f6: {  	_ =	swait.ge [sflag:s28], $0x1400  }
0x2f7: {  	[sflag:s28] =	ssyncset.done $0x0  }
0x2f8: {  	[sflag:s28] =	ssyncadd.s32 $0xFFFFEC00  }
.LBB2_26:
0x2f9: {  	_ =	swait.ge [sflag:s16], $0xA000  }
0x2fa: {  	[sflag:s16] =	ssyncset.done $0x0  }
0x2fb: {  	s7 =	simm.s32 $0x6440;
	[sflag:s16] =	ssyncadd.s32 $0xFFFF6000  }
0x2fc: {  	s22 =	simm.s32 $0x1440;
	v0 =	vld [tilespmem:s7+$0x30]  }
0x2fd: {  	v2 =	vld [tilespmem:s22+$0x30]  }
0x2fe: {  	v3 =	vld [tilespmem:s22+$0xFFFFFFC0]  }
0x2ff: {  	v4 =	vld [tilespmem:s22+$0xFFFFFFD0]  }
0x300: {  	v5 =	vld [tilespmem:s22+$0xFFFFFFE0]  }
0x301: {  	v6 =	vld [tilespmem:s22+$0xFFFFFFF0]  }
0x302: {  	v8 =	vld [tilespmem:s22+$0x0]  }
0x303: {  	s5 =	simm.s32 $0x70;
	s1 =	simm.s32 $0x0;
	v14 =	vld [tilespmem:s7+$0xFFFFFFD0]  }
0x304: {  	s0 =	simm.s32 $0x10;
	s3 =	simm.s32 $0x20;
	s6 =	simm.s32 $0x30;
	v7 =	vmov s5;
	v17 =	vmov s1;
	v21 =	vld [tilespmem:s7+$0xFFFFFFE0]  }
0x305: {  	v18 =	vmov s0;
	v19 =	vmov s3;
	v20 =	vmov s6;
	v55 =	vld [tilespmem:s7+$0x0]  }
0x306: {  	v7 =	vshll.u32 v7, $0x3;
	v17 =	vshll.u32 v17, $0x3;
	v18 =	vshll.u32 v18, $0x3;
	v10 =	vld [tilespmem:s22+$0x10]  }
0x307: {  	v19 =	vshll.u32 v19, $0x3;
	v20 =	vshll.u32 v20, $0x3;
	v12 =	vld [tilespmem:s22+$0x20];
	v0 =	vshll.u32 v0, $0x1  }
0x308: {  	v7 =	vor.u32 v38, v7;
	v52 =	vld [tilespmem:s7+$0xFFFFFFC0];
	v17 =	vor.u32 v38, v17;
	v14 =	vshll.u32 v14, $0x1  }
0x309: {  	v18 =	vor.u32 v38, v18;
	v53 =	vld [tilespmem:s7+$0xFFFFFFF0];
	v19 =	vor.u32 v38, v19;
	v21 =	vshll.u32 v21, $0x1  }
0x30a: {  	v54 =	vor.u32 v38, v20;
	v56 =	vld [tilespmem:s7+$0x10];
	v2 =	vshll.u32 v2, $0x1;
	v20 =	vshll.u32 v55, $0x1  }
0x30b: {  	v57 =	vld [tilespmem:s7+$0x20];
	v3 =	vshll.u32 v3, $0x1;
	v2 =	vand.u32 $0x2, v2;
	v11 =	vor.u32 $0x1, v0  }
0x30c: {  	v4 =	vshll.u32 v4, $0x1;
	v3 =	vand.u32 $0x2, v3;
	v2 =	vor.u32 v7, v2;
	v0 =	vld.idx.msk [tilespmem:v0+s31+$0x0], $0xffff  }
0x30d: {  	v5 =	vshll.u32 v5, $0x1;
	v4 =	vand.u32 $0x2, v4;
	v3 =	vor.u32 v17, v3;
	v33 =	vld.idx.msk [tilespmem:v14+s31+$0x0], $0xffff  }
0x30e: {  	v6 =	vshll.u32 v6, $0x1;
	v5 =	vand.u32 $0x2, v5;
	v4 =	vor.u32 v18, v4;
	v35 =	vld.idx.msk [tilespmem:v21+s31+$0x0], $0xffff  }
0x30f: {  	v6 =	vand.u32 $0x2, v6;
	v5 =	vor.u32 v19, v5;
	v17 =	vshll.u32 v53, $0x1;
	v53 =	vld.idx.msk [tilespmem:v20+s31+$0x0], $0xffff  }
0x310: {  	v6 =	vor.u32 v54, v6;
	v7 =	vshll.u32 v52, $0x1;
	v11 =	vld.idx.msk [tilespmem:v11+s31+$0x0], $0xffff  }
0x311: {  	v13 =	vor.u32 $0x1, v2;
	v15 =	vor.u32 $0x4, v2;
	v16 =	vor.u32 $0x5, v2;
	v2 =	vld.idx.msk [tilespmem:v2+s19+$0x0], $0xffff  }
0x312: {  	v22 =	vld.idx.msk [tilespmem:v3+s19+$0x0], $0xffff  }
0x313: {  	s18 =	simm.s32 $0x40;
	s24 =	simm.s32 $0x50;
	s25 =	simm.s32 $0x60;
	v23 =	vld.idx.msk [tilespmem:v4+s19+$0x0], $0xffff  }
0x314: {  	v28 =	vmov s18;
	v29 =	vmov s24;
	v31 =	vmov s25;
	v24 =	vld.idx.msk [tilespmem:v5+s19+$0x0], $0xffff  }
0x315: {  	v28 =	vshll.u32 v28, $0x3;
	v29 =	vshll.u32 v29, $0x3;
	v31 =	vshll.u32 v31, $0x3;
	v25 =	vld.idx.msk [tilespmem:v6+s19+$0x0], $0xffff  }
0x316: {  	v28 =	vor.u32 v38, v28;
	v29 =	vor.u32 v38, v29;
	v26 =	vor.u32 $0x1, v3;
	v30 =	vld.idx.msk [tilespmem:v7+s31+$0x0], $0xffff  }
0x317: {  	v31 =	vor.u32 v38, v31;
	v8 =	vshll.u32 v8, $0x1;
	v27 =	vor.u32 $0x4, v3;
	v51 =	vld.idx.msk [tilespmem:v17+s31+$0x0], $0xffff  }
0x318: {  	v10 =	vshll.u32 v10, $0x1;
	v12 =	vshll.u32 v12, $0x1;
	v32 =	vor.u32 $0x1, v4;
	v13 =	vld.idx.msk [tilespmem:v13+s19+$0x0], $0xffff  }
0x319: {  	v8 =	vand.u32 $0x2, v8;
	v10 =	vand.u32 $0x2, v10;
	v34 =	vor.u32 $0x4, v4;
	v15 =	vld.idx.msk [tilespmem:v15+s19+$0x0], $0xffff  }
0x31a: {  	v12 =	vand.u32 $0x2, v12;
	v8 =	vor.u32 v28, v8;
	v37 =	vor.u32 $0x4, v5;
	v16 =	vld.idx.msk [tilespmem:v16+s19+$0x0], $0xffff  }
0x31b: {  	v10 =	vor.u32 v29, v10;
	v12 =	vor.u32 v31, v12;
	v28 =	vor.u32 $0x1, v8;
	v26 =	vld.idx.msk [tilespmem:v26+s19+$0x0], $0xffff  }
0x31c: {  	v19 =	vshll.u32 v56, $0x1;
	v18 =	vshll.u32 v57, $0x1;
	v61 =	vor.u32 $0x4, v8;
	v27 =	vld.idx.msk [tilespmem:v27+s19+$0x0], $0xffff  }
0x31d: {  	v36 =	vor.u32 $0x1, v5;
	v39 =	vor.u32 $0x1, v6;
	v31 =	vor.u32 $0x1, v12;
	v32 =	vld.idx.msk [tilespmem:v32+s19+$0x0], $0xffff  }
0x31e: {  	v58 =	vor.u32 $0x4, v6;
	v29 =	vor.u32 $0x5, v8;
	v40 =	vor.u32 $0x1, v10;
	v34 =	vld.idx.msk [tilespmem:v34+s19+$0x0], $0xffff  }
0x31f: {  	v14 =	vor.u32 $0x1, v14;
	v3 =	vor.u32 $0x5, v3;
	v60 =	vld.idx.msk [tilespmem:v37+s19+$0x0], $0xffff;
	v2 =	vsub.f32 v0, v2  }
0x320: {  	v4 =	vor.u32 $0x5, v4;
	v28 =	vld.idx.msk [tilespmem:v28+s19+$0x0], $0xffff;
	v22 =	vsub.f32 v30, v22;
	v23 =	vsub.f32 v33, v23  }
0x321: {  	v7 =	vor.u32 $0x1, v7;
	v37 =	vld.idx.msk [tilespmem:v61+s19+$0x0], $0xffff;
	v24 =	vsub.f32 v35, v24;
	v13 =	vsub.f32 v11, v13  }
0x322: {  	v63 =	vld.idx.msk [tilespmem:v31+s19+$0x0], $0xffff;
	v31 =	vor.u32 $0x1, v20;
	v0 =	vsub.f32 v0, v15;
	v11 =	vsub.f32 v11, v16  }
0x323: {  	v29 =	vld.idx.msk [tilespmem:v29+s19+$0x0], $0xffff;
	v27 =	vsub.f32 v30, v27;
	v2 =	vmul.f32 v2, v2;
	v22 =	vmul.f32 v22, v22  }
0x324: {  	v14 =	vld.idx.msk [tilespmem:v14+s31+$0x0], $0xffff;
	v33 =	vsub.f32 v33, v34;
	v23 =	vmul.f32 v23, v23;
	v24 =	vmul.f32 v24, v24  }
0x325: {  	v3 =	vld.idx.msk [tilespmem:v3+s19+$0x0], $0xffff;
	v44 =	vsub.f32 v35, v60;
	v13 =	vmul.f32 v13, v13;
	v0 =	vmul.f32 v0, v0  }
0x326: {  	v62 =	vor.u32 $0x4, v10;
	v7 =	vld.idx.msk [tilespmem:v7+s31+$0x0], $0xffff;
	v11 =	vmul.f32 v11, v11;
	v27 =	vmul.f32 v27, v27  }
0x327: {  	v4 =	vld.idx.msk [tilespmem:v4+s19+$0x0], $0xffff;
	v30 =	vor.u32 $0x1, v18;
	v33 =	vmul.f32 v33, v33;
	v34 =	vmul.f32 v44, v44  }
0x328: {  	v41 =	vor.u32 $0x5, v12;
	v31 =	vld.idx.msk [tilespmem:v31+s31+$0x0], $0xffff;
	v2 =	vmul.f32 v2, v49;
	v22 =	vmul.f32 v22, v49  }
0x329: {  	v42 =	vor.u32 $0x1, v19;
	v15 =	vld.idx.msk [tilespmem:v58+s19+$0x0], $0xffff;
	v23 =	vmul.f32 v23, v49;
	v24 =	vmul.f32 v24, v49  }
0x32a: {  	v45 =	vor.u32 $0x4, v12;
	v12 =	vld.idx.msk [tilespmem:v12+s19+$0x0], $0xffff;
	v13 =	vmul.f32 v13, v50;
	v0 =	vmul.f32 v0, v49  }
0x32b: {  	v18 =	vld.idx.msk [tilespmem:v18+s31+$0x0], $0xffff;
	v11 =	vmul.f32 v11, v50;
	v26 =	vsub.f32 v7, v26;
	v3 =	vsub.f32 v7, v3  }
0x32c: {  	v27 =	vmul.f32 v27, v49;
	v4 =	vsub.f32 v14, v4;
	v47 =	vld.idx.msk [tilespmem:v30+s31+$0x0], $0xffff;
	v30 =	vsub.f32 v14, v32  }
0x32d: {  	v33 =	vmul.f32 v33, v49;
	v55 =	vsub.f32 v31, v28;
	v29 =	vsub.f32 v31, v29  }
0x32e: {  	v48 =	vmul.f32 v34, v49;
	v15 =	vsub.f32 v51, v15;
	v31 =	vsub.f32 v53, v37  }
0x32f: {  	v40 =	vld.idx.msk [tilespmem:v40+s19+$0x0], $0xffff;
	v14 =	vsub.f32 v51, v25;
	v52 =	vmul.f32 v26, v26;
	v3 =	vmul.f32 v3, v3  }
0x330: {  	v46 =	vld.idx.msk [tilespmem:v42+s31+$0x0], $0xffff;
	v2 =	vadd.f32 v13, v2;
	v4 =	vmul.f32 v4, v4;
	v28 =	vmul.f32 v30, v30  }
0x331: {  	v12 =	vsub.f32 v18, v12;
	v15 =	vmul.f32 v15, v15;
	v25 =	vmul.f32 v31, v31  }
0x332: {  	v19 =	vld.idx.msk [tilespmem:v19+s31+$0x0], $0xffff;
	v0 =	vadd.f32 v11, v0;
	v29 =	vmul.f32 v29, v29;
	v2 =	vmul.f32 $-5.000000000e-01, v2  }
0x333: {  	v41 =	vld.idx.msk [tilespmem:v41+s19+$0x0], $0xffff;
	v11 =	vor.u32 $0x5, v10;
	v14 =	vmul.f32 v14, v14;
	v12 =	vmul.f32 v12, v12  }
0x334: {  	v5 =	vor.u32 $0x5, v5;
	v13 =	vld.idx.msk [tilespmem:v62+s19+$0x0], $0xffff;
	v0 =	vmul.f32 $-5.000000000e-01, v0;
	v2 =	vmul.f32 $1.442695020e+00, v2  }
0x335: {  	v26 =	vld.idx.msk [tilespmem:v45+s19+$0x0], $0xffff;
	v30 =	vsub.f32 v46, v40;
	v3 =	vmul.f32 v3, v50;
	v4 =	vmul.f32 v4, v50  }
0x336: {  	v10 =	vld.idx.msk [tilespmem:v10+s19+$0x0], $0xffff;
	v0 =	vmul.f32 $1.442695020e+00, v0;
	(erf) = vpow2.f32 v2;
	v2 =	vor.u32 $0x1, v21  }
0x337: {  	v6 =	vor.u32 $0x5, v6;
	v8 =	vld.idx.msk [tilespmem:v8+s19+$0x0], $0xffff;
	v30 =	vmul.f32 v30, v30;
	v60 =	vmul.f32 v28, v50  }
0x338: {  	v15 =	vmul.f32 v15, v49;
	v11 =	vld.idx.msk [tilespmem:v11+s19+$0x0], $0xffff;
	(erf) = vpow2.f32 v0;
	v0 =	vor.u32 $0x1, v17  }
0x339: {  	v59 =	vld.idx.msk [tilespmem:v36+s19+$0x0], $0xffff;
	v61 =	vmul.f32 v25, v49;
	v62 =	vmul.f32 v29, v50;
	v7 =	vsub.f32 v47, v41  }
0x33a: {  	v39 =	vld.idx.msk [tilespmem:v39+s19+$0x0], $0xffff;
	v14 =	vmul.f32 v14, v49;
	v3 =	vadd.f32 v3, v27;
	v13 =	vsub.f32 v19, v13  }
0x33b: {  	v26 =	vsub.f32 v18, v26;
	v10 =	vsub.f32 v19, v10;
	v7 =	vmul.f32 v7, v7;
	v2 =	vld.idx.msk [tilespmem:v2+s31+$0x0], $0xffff  }
0x33c: {  	v5 =	vld.idx.msk [tilespmem:v5+s19+$0x0], $0xffff;
	v21 =	vsub.f32 v47, v63;
	v31 =	vmul.f32 $-5.000000000e-01, v3;
	v17 =	vmul.f32 v52, v50  }
0x33d: {  	v57 =	vmul.f32 v26, v26;
	v10 =	vmul.f32 v10, v10;
	v11 =	vsub.f32 v46, v11;
	v0 =	vld.idx.msk [tilespmem:v0+s31+$0x0], $0xffff  }
0x33e: {  	v6 =	vld.idx.msk [tilespmem:v6+s19+$0x0], $0xffff;
	v56 =	vmul.f32 v21, v21;
	v7 =	vmul.f32 v7, v50;
	v17 =	vadd.f32 v17, v22  }
0x33f: {  	v21 =	vadd.f32 v60, v23;
	v63 =	vmul.f32 v57, v49;
	v11 =	vmul.f32 v11, v11  }
0x340: {  	v10 =	vmul.f32 v10, v49;
	v40 =	vmul.f32 $-5.000000000e-01, v17;
	v16 =	vsub.f32 v2, v59  }
0x341: {  	v11 =	vmul.f32 v11, v50;
	v2 =	vsub.f32 v2, v5;
	v5 =	vsub.f32 v53, v8  }
0x342: {  	v8 =	vmul.f32 v13, v13;
	v13 =	vmul.f32 v56, v50;
	v54 =	vsub.f32 v0, v39  }
0x343: {  	v0 =	vsub.f32 v0, v6;
	v6 =	vmul.f32 v55, v55;
	v39 =	vmul.f32 $-5.000000000e-01, v21  }
0x344: {  	v16 =	vmul.f32 v16, v16;
	v2 =	vmul.f32 v2, v2  }
0x345: {  	v4 =	vadd.f32 v4, v33;
	v5 =	vmul.f32 v5, v5;
	v8 =	vmul.f32 v8, v49  }
0x346: {  	v25 =	vadd.f32 v62, v61;
	v58 =	vpop (erf);
	v20 =	vmul.f32 v54, v54;
	v0 =	vmul.f32 v0, v0  }
0x347: {  	v27 =	vadd.f32 v7, v63;
	v59 =	vpop (erf);
	v6 =	vmul.f32 v6, v50;
	v16 =	vmul.f32 v16, v50  }
0x348: {  	v18 =	vsub.f32 v58, v59;
	v2 =	vmul.f32 v2, v50;
	v5 =	vmul.f32 v5, v49  }
0x349: {  	v26 =	vadd.f32 v11, v8;
	v11 =	vmul.f32 v12, v49;
	v20 =	vmul.f32 v20, v50  }
0x34a: {  	v0 =	vmul.f32 v0, v50;
	v16 =	vadd.f32 v16, v24;
	v24 =	vmul.f32 v30, v50  }
0x34b: {  	v2 =	vadd.f32 v2, v48;
	v3 =	vadd.f32 v6, v5;
	v30 =	vmul.f32 $-5.000000000e-01, v4  }
0x34c: {  	v0 =	vadd.f32 v0, v15;
	v8 =	vadd.f32 v20, v14;
	v28 =	vmul.f32 $-5.000000000e-01, v16  }
0x34d: {  	s8 =	simm.s32 $0x1CC40;
	v41 =	vadd.f32 v24, v10;
	v62 =	vmul.f32 $-5.000000000e-01, v2;
	v51 =	vmul.f32 $-5.000000000e-01, v3  }
0x34e: {  	s10 =	simm.s32 $0x64C0;
	s24 =	simm.s32 $0x0;
	s7 =	simm.s32 $0x1CC40;
	[tilespmem:s8+$0x30] =	vst v18;
	v42 =	vadd.f32 v13, v11;
	v53 =	vmul.f32 $-5.000000000e-01, v8;
	v52 =	vmul.f32 $-5.000000000e-01, v0  }
.LBB2_27:
0x34f: {  	v0 =	vld [tilespmem:s10+$0x30];
	v59 =	vmul.f32 $-5.000000000e-01, v25;
	v60 =	vmul.f32 $-5.000000000e-01, v41;
	s22 =	sadd.s32 $0x80, s22  }
0x350: {  	v61 =	vmul.f32 $-5.000000000e-01, v26;
	v55 =	vmul.f32 $-5.000000000e-01, v42;
	v2 =	vld [tilespmem:s22+$0x30]  }
0x351: {  	v4 =	vmul.f32 $1.442695020e+00, v40;
	v57 =	vmul.f32 $-5.000000000e-01, v27;
	v3 =	vld [tilespmem:s22+$0xFFFFFFC0]  }
0x352: {  	s24 =	sadd.s32 $0x8, s24;
	v63 =	vmul.f32 $1.442695020e+00, v31;
	v56 =	vmul.f32 $1.442695020e+00, v39;
	v5 =	vld [tilespmem:s22+$0xFFFFFFD0]  }
0x353: {  	v58 =	vmul.f32 $1.442695020e+00, v30;
	v54 =	vmul.f32 $1.442695020e+00, v28;
	s5 =	sadd.s32 $0x80, s5;
	p2 =	slt.u32 s24, $0x138;
	v6 =	vld [tilespmem:s22+$0xFFFFFFE0]  }
0x354: {  	s0 =	sadd.s32 $0xFFFFFFA0, s5;
	s1 =	sadd.s32 $0xFFFFFFB0, s5;
	s3 =	sadd.s32 $0xFFFFFFC0, s5;
	v8 =	vmov s5;
	v7 =	vld [tilespmem:s22+$0xFFFFFFF0];
	(erf) = vpow2.f32 v4  }
0x355: {  	s6 =	sadd.s32 $0xFFFFFFD0, s5;
	s9 =	sadd.s32 $0xFFFFFFE0, s5;
	s18 =	sadd.s32 $0xFFFFFFF0, s5;
	v8 =	vshll.u32 v8, $0x3;
	v0 =	vshll.u32 v0, $0x1;
	v4 =	vld [tilespmem:s22+$0x0];
	v2 =	vshll.u32 v2, $0x1  }
0x356: {  	s25 =	sadd.s32 $0xFFFFFF90, s5;
	v8 =	vor.u32 v38, v8;
	v11 =	vor.u32 $0x1, v0;
	v10 =	vld [tilespmem:s22+$0x10];
	v2 =	vand.u32 $0x2, v2  }
0x357: {  	v12 =	vmov s25;
	v13 =	vmov s0;
	v14 =	vld [tilespmem:s22+$0x20];
	v2 =	vor.u32 v8, v2  }
0x358: {  	v15 =	vmov s1;
	v16 =	vmov s3;
	v8 =	vld [tilespmem:s10+$0xFFFFFFC0];
	v17 =	vor.u32 $0x1, v2  }
0x359: {  	v19 =	vmov s6;
	v20 =	vmov s9;
	v21 =	vor.u32 $0x4, v2;
	v18 =	vld [tilespmem:s10+$0xFFFFFFD0]  }
0x35a: {  	v22 =	vmov s18;
	v3 =	vshll.u32 v3, $0x1;
	v23 =	vor.u32 $0x5, v2;
	v0 =	vld.idx.msk [tilespmem:v0+s31+$0x0], $0xffff  }
0x35b: {  	v5 =	vshll.u32 v5, $0x1;
	v6 =	vshll.u32 v6, $0x1;
	v7 =	vshll.u32 v7, $0x1;
	v11 =	vld.idx.msk [tilespmem:v11+s31+$0x0], $0xffff  }
0x35c: {  	v4 =	vshll.u32 v4, $0x1;
	v10 =	vshll.u32 v10, $0x1;
	v14 =	vshll.u32 v14, $0x1;
	v2 =	vld.idx.msk [tilespmem:v2+s19+$0x0], $0xffff  }
0x35d: {  	v12 =	vshll.u32 v12, $0x3;
	v13 =	vshll.u32 v13, $0x3;
	v15 =	vshll.u32 v15, $0x3;
	v17 =	vld.idx.msk [tilespmem:v17+s19+$0x0], $0xffff;
	v25 =	vpop (erf)  }
0x35e: {  	v16 =	vshll.u32 v16, $0x3;
	v19 =	vshll.u32 v19, $0x3;
	v20 =	vshll.u32 v20, $0x3;
	v21 =	vld.idx.msk [tilespmem:v21+s19+$0x0], $0xffff  }
0x35f: {  	v22 =	vshll.u32 v22, $0x3;
	v3 =	vand.u32 $0x2, v3;
	v5 =	vand.u32 $0x2, v5;
	v23 =	vld.idx.msk [tilespmem:v23+s19+$0x0], $0xffff  }
0x360: {  	v6 =	vand.u32 $0x2, v6;
	v7 =	vand.u32 $0x2, v7;
	v4 =	vand.u32 $0x2, v4;
	v24 =	vld [tilespmem:s10+$0xFFFFFFE0]  }
0x361: {  	v12 =	vor.u32 v38, v12;
	v10 =	vand.u32 $0x2, v10;
	v14 =	vand.u32 $0x2, v14;
	v26 =	vld [tilespmem:s10+$0xFFFFFFF0]  }
0x362: {  	v13 =	vor.u32 v38, v13;
	v15 =	vor.u32 v38, v15;
	v16 =	vor.u32 v38, v16;
	v28 =	vld [tilespmem:s10+$0x0]  }
0x363: {  	v19 =	vor.u32 v38, v19;
	v20 =	vor.u32 v38, v20;
	v22 =	vor.u32 v38, v22;
	v29 =	vld [tilespmem:s10+$0x10]  }
0x364: {  	v3 =	vor.u32 v12, v3;
	v2 =	vsub.f32 v0, v2;
	v17 =	vsub.f32 v11, v17;
	v12 =	vld [tilespmem:s10+$0x20]  }
0x365: {  	v5 =	vor.u32 v13, v5;
	v0 =	vsub.f32 v0, v21;
	v11 =	vsub.f32 v11, v23  }
0x366: {  	v6 =	vor.u32 v15, v6;
	v2 =	vmul.f32 v2, v2;
	v13 =	vmul.f32 v17, v17  }
0x367: {  	v7 =	vor.u32 v16, v7;
	v0 =	vmul.f32 v0, v0;
	v11 =	vmul.f32 v11, v11  }
0x368: {  	v4 =	vor.u32 v19, v4;
	v2 =	vmul.f32 v2, v49;
	v13 =	vmul.f32 v13, v50  }
0x369: {  	v10 =	vor.u32 v20, v10;
	v0 =	vmul.f32 v0, v49;
	v11 =	vmul.f32 v11, v50;
	v15 =	vld.idx.msk [tilespmem:v3+s19+$0x0], $0xffff  }
0x36a: {  	v8 =	vshll.u32 v8, $0x1;
	v14 =	vor.u32 v22, v14;
	v2 =	vadd.f32 v13, v2;
	v16 =	vld.idx.msk [tilespmem:v5+s19+$0x0], $0xffff  }
0x36b: {  	v17 =	vshll.u32 v24, $0x1;
	v13 =	vshll.u32 v18, $0x1;
	v0 =	vadd.f32 v11, v0;
	v18 =	vld.idx.msk [tilespmem:v6+s19+$0x0], $0xffff  }
0x36c: {  	v42 =	vshll.u32 v26, $0x1;
	v41 =	vshll.u32 v28, $0x1;
	v2 =	vmul.f32 $-5.000000000e-01, v2;
	v27 =	vld.idx.msk [tilespmem:v7+s19+$0x0], $0xffff  }
0x36d: {  	v40 =	vshll.u32 v29, $0x1;
	v31 =	vshll.u32 v12, $0x1;
	v0 =	vmul.f32 $-5.000000000e-01, v0;
	v26 =	vld.idx.msk [tilespmem:v4+s19+$0x0], $0xffff  }
0x36e: {  	v12 =	vor.u32 $0x4, v3;
	v11 =	vor.u32 $0x1, v3;
	v2 =	vmul.f32 $1.442695020e+00, v2;
	v28 =	vld.idx.msk [tilespmem:v10+s19+$0x0], $0xffff  }
0x36f: {  	v19 =	vor.u32 $0x1, v5;
	v3 =	vor.u32 $0x5, v3;
	v0 =	vmul.f32 $1.442695020e+00, v0;
	v30 =	vld.idx.msk [tilespmem:v14+s19+$0x0], $0xffff  }
0x370: {  	v21 =	vor.u32 $0x4, v5;
	v5 =	vor.u32 $0x5, v5;
	v20 =	vld.idx.msk [tilespmem:v8+s31+$0x0], $0xffff;
	(erf) = vpow2.f32 v2  }
0x371: {  	v22 =	vor.u32 $0x1, v6;
	v23 =	vor.u32 $0x4, v6;
	v2 =	vld.idx.msk [tilespmem:v13+s31+$0x0], $0xffff;
	(erf) = vpow2.f32 v0  }
0x372: {  	v24 =	vor.u32 $0x1, v7;
	v29 =	vor.u32 $0x4, v7;
	v6 =	vor.u32 $0x5, v6;
	v0 =	vld.idx.msk [tilespmem:v17+s31+$0x0], $0xffff  }
0x373: {  	v32 =	vor.u32 $0x1, v4;
	v33 =	vor.u32 $0x4, v4;
	v7 =	vor.u32 $0x5, v7;
	v11 =	vld.idx.msk [tilespmem:v11+s19+$0x0], $0xffff  }
0x374: {  	v34 =	vor.u32 $0x1, v10;
	v35 =	vor.u32 $0x4, v10;
	v4 =	vor.u32 $0x5, v4;
	v12 =	vld.idx.msk [tilespmem:v12+s19+$0x0], $0xffff  }
0x375: {  	v36 =	vor.u32 $0x1, v14;
	v37 =	vor.u32 $0x4, v14;
	v10 =	vor.u32 $0x5, v10;
	v3 =	vld.idx.msk [tilespmem:v3+s19+$0x0], $0xffff  }
0x376: {  	v14 =	vor.u32 $0x5, v14;
	v8 =	vor.u32 $0x1, v8;
	v13 =	vor.u32 $0x1, v13;
	v19 =	vld.idx.msk [tilespmem:v19+s19+$0x0], $0xffff  }
0x377: {  	v43 =	vor.u32 $0x1, v42;
	v44 =	vor.u32 $0x1, v41;
	v17 =	vor.u32 $0x1, v17;
	v21 =	vld.idx.msk [tilespmem:v21+s19+$0x0], $0xffff  }
0x378: {  	v45 =	vor.u32 $0x1, v40;
	v46 =	vor.u32 $0x1, v31;
	v15 =	vsub.f32 v20, v15;
	v5 =	vld.idx.msk [tilespmem:v5+s19+$0x0], $0xffff  }
0x379: {  	v47 =	vmul.f32 $1.442695020e+00, v62;
	v16 =	vsub.f32 v2, v16;
	v18 =	vsub.f32 v0, v18;
	v22 =	vld.idx.msk [tilespmem:v22+s19+$0x0], $0xffff;
	v39 =	vpop (erf)  }
0x37a: {  	v48 =	vmul.f32 $1.442695020e+00, v53;
	v15 =	vmul.f32 v15, v15;
	v12 =	vsub.f32 v20, v12;
	v20 =	vld.idx.msk [tilespmem:v23+s19+$0x0], $0xffff;
	v23 =	vpop (erf)  }
0x37b: {  	v16 =	vmul.f32 v16, v16;
	v18 =	vmul.f32 v18, v18;
	v6 =	vld.idx.msk [tilespmem:v6+s19+$0x0], $0xffff;
	v23 =	vsub.f32 v39, v23  }
0x37c: {  	s8 =	sadd.s32 $0x80, s8;
	v39 =	vmul.f32 v15, v49;
	v12 =	vmul.f32 v12, v12;
	v15 =	vld.idx.msk [tilespmem:v24+s19+$0x0], $0xffff  }
0x37d: {  	v53 =	vmul.f32 v16, v49;
	v2 =	vsub.f32 v2, v21;
	v21 =	vmul.f32 $1.442695020e+00, v52;
	v16 =	vld.idx.msk [tilespmem:v29+s19+$0x0], $0xffff;
	[tilespmem:s8+$0x30] =	vst v23  }
0x37e: {  	v52 =	vmul.f32 v18, v49;
	v62 =	vmul.f32 v12, v49;
	v7 =	vld.idx.msk [tilespmem:v7+s19+$0x0], $0xffff  }
0x37f: {  	v18 =	vmul.f32 $1.442695020e+00, v51;
	v2 =	vmul.f32 v2, v2;
	v12 =	vld.idx.msk [tilespmem:v32+s19+$0x0], $0xffff  }
0x380: {  	v24 =	vmul.f32 $1.442695020e+00, v60;
	v23 =	vmul.f32 $1.442695020e+00, v59;
	v0 =	vsub.f32 v0, v20;
	v20 =	vld.idx.msk [tilespmem:v33+s19+$0x0], $0xffff  }
0x381: {  	v51 =	vmul.f32 v2, v49;
	v2 =	vld.idx.msk [tilespmem:v4+s19+$0x0], $0xffff;
	v4 =	vmul.f32 $1.442695020e+00, v61  }
0x382: {  	v32 =	vmul.f32 $1.442695020e+00, v55;
	v0 =	vmul.f32 v0, v0;
	v29 =	vld.idx.msk [tilespmem:v34+s19+$0x0], $0xffff  }
0x383: {  	v34 =	vmul.f32 $1.442695020e+00, v57;
	v33 =	vld.idx.msk [tilespmem:v35+s19+$0x0], $0xffff;
	(erf) = vpow2.f32 v63  }
0x384: {  	v55 =	vmul.f32 v0, v49;
	v0 =	vld.idx.msk [tilespmem:v10+s19+$0x0], $0xffff;
	(erf) = vpow2.f32 v56  }
0x385: {  	v10 =	vld.idx.msk [tilespmem:v36+s19+$0x0], $0xffff;
	(erf) = vpow2.f32 v58  }
0x386: {  	v35 =	vld.idx.msk [tilespmem:v37+s19+$0x0], $0xffff;
	(erf) = vpow2.f32 v54  }
0x387: {  	v14 =	vld.idx.msk [tilespmem:v14+s19+$0x0], $0xffff;
	(erf) = vpow2.f32 v47  }
0x388: {  	v8 =	vld.idx.msk [tilespmem:v8+s31+$0x0], $0xffff;
	(erf) = vpow2.f32 v48  }
0x389: {  	v13 =	vld.idx.msk [tilespmem:v13+s31+$0x0], $0xffff;
	(erf) = vpow2.f32 v21  }
0x38a: {  	v17 =	vld.idx.msk [tilespmem:v17+s31+$0x0], $0xffff;
	(erf) = vpow2.f32 v18  }
0x38b: {  	v18 =	vld.idx.msk [tilespmem:v43+s31+$0x0], $0xffff;
	(erf) = vpow2.f32 v23  }
0x38c: {  	v21 =	vld.idx.msk [tilespmem:v44+s31+$0x0], $0xffff;
	v23 =	vpop (erf);
	(erf) = vpow2.f32 v24  }
0x38d: {  	v24 =	vld.idx.msk [tilespmem:v45+s31+$0x0], $0xffff;
	v36 =	vsub.f32 v25, v23;
	v25 =	vpop (erf);
	(erf) = vpow2.f32 v4  }
0x38e: {  	v4 =	vsub.f32 v8, v11;
	v3 =	vsub.f32 v8, v3;
	v8 =	vld.idx.msk [tilespmem:v46+s31+$0x0], $0xffff;
	v11 =	vpop (erf);
	(erf) = vpow2.f32 v32  }
0x38f: {  	v19 =	vsub.f32 v13, v19;
	v5 =	vsub.f32 v13, v5;
	v13 =	vld.idx.msk [tilespmem:v42+s31+$0x0], $0xffff;
	[tilespmem:s7+$0xFFFFFFC0] =	vst v36;
	v23 =	vpop (erf);
	(erf) = vpow2.f32 v34  }
0x390: {  	v4 =	vmul.f32 v4, v4;
	v22 =	vsub.f32 v17, v22;
	v6 =	vsub.f32 v17, v6;
	v17 =	vld.idx.msk [tilespmem:v41+s31+$0x0], $0xffff;
	v32 =	vpop (erf)  }
0x391: {  	v3 =	vmul.f32 v3, v3;
	v15 =	vsub.f32 v18, v15;
	v7 =	vsub.f32 v18, v7;
	v18 =	vld.idx.msk [tilespmem:v40+s31+$0x0], $0xffff;
	v34 =	vpop (erf)  }
0x392: {  	v19 =	vmul.f32 v19, v19;
	v12 =	vsub.f32 v21, v12;
	v2 =	vsub.f32 v21, v2;
	v21 =	vld.idx.msk [tilespmem:v31+s31+$0x0], $0xffff;
	v31 =	vpop (erf)  }
0x393: {  	v5 =	vmul.f32 v5, v5;
	v29 =	vsub.f32 v24, v29;
	v0 =	vsub.f32 v24, v0;
	v24 =	vpop (erf)  }
0x394: {  	v22 =	vmul.f32 v22, v22;
	v10 =	vsub.f32 v8, v10;
	v8 =	vsub.f32 v8, v14;
	v14 =	vpop (erf)  }
0x395: {  	v6 =	vmul.f32 v6, v6;
	v27 =	vsub.f32 v13, v27;
	v13 =	vsub.f32 v13, v16;
	v16 =	vpop (erf)  }
0x396: {  	v15 =	vmul.f32 v15, v15;
	v26 =	vsub.f32 v17, v26;
	v17 =	vsub.f32 v17, v20;
	v20 =	vpop (erf)  }
0x397: {  	v13 =	vmul.f32 v13, v13;
	v28 =	vsub.f32 v18, v28;
	v18 =	vsub.f32 v18, v33;
	v33 =	vpop (erf)  }
0x398: {  	v7 =	vmul.f32 v7, v7;
	v30 =	vsub.f32 v21, v30;
	v21 =	vsub.f32 v21, v35;
	v35 =	vpop (erf)  }
0x399: {  	v11 =	vsub.f32 v25, v11;
	v12 =	vmul.f32 v12, v12;
	v17 =	vmul.f32 v17, v17  }
0x39a: {  	v23 =	vsub.f32 v23, v32;
	v2 =	vmul.f32 v2, v2;
	v25 =	vmul.f32 v29, v29  }
0x39b: {  	v0 =	vmul.f32 v0, v0;
	v18 =	vmul.f32 v18, v18;
	[tilespmem:s7+$0xFFFFFFD0] =	vst v11;
	v11 =	vsub.f32 v34, v31  }
0x39c: {  	v10 =	vmul.f32 v10, v10;
	v14 =	vsub.f32 v24, v14;
	v21 =	vmul.f32 v21, v21;
	[tilespmem:s7+$0xFFFFFFE0] =	vst v23  }
0x39d: {  	v8 =	vmul.f32 v8, v8;
	v23 =	vmul.f32 v27, v27;
	[tilespmem:s7+$0xFFFFFFF0] =	vst v11;
	v11 =	vsub.f32 v16, v20  }
0x39e: {  	v16 =	vmul.f32 v26, v26;
	v20 =	vmul.f32 v28, v28;
	[tilespmem:s7+$0x0] =	vst v14;
	v14 =	vsub.f32 v33, v35  }
0x39f: {  	v4 =	vmul.f32 v4, v50;
	v24 =	vmul.f32 v30, v30;
	[tilespmem:s7+$0x10] =	vst v11  }
0x3a0: {  	v3 =	vmul.f32 v3, v50;
	v11 =	vmul.f32 v19, v50;
	[tilespmem:s7+$0x20] =	vst v14;
	s7 =	smov.u32 s8  }
0x3a1: {  	v5 =	vmul.f32 v5, v50;
	v4 =	vadd.f32 v4, v39;
	v14 =	vmul.f32 v22, v50  }
0x3a2: {  	v3 =	vadd.f32 v3, v62;
	v6 =	vmul.f32 v6, v50;
	v15 =	vmul.f32 v15, v50  }
0x3a3: {  	v7 =	vmul.f32 v7, v50;
	v13 =	vmul.f32 v13, v49;
	v11 =	vadd.f32 v11, v53  }
0x3a4: {  	v5 =	vadd.f32 v5, v51;
	v12 =	vmul.f32 v12, v50;
	v17 =	vmul.f32 v17, v49  }
0x3a5: {  	v2 =	vmul.f32 v2, v50;
	v19 =	vmul.f32 v25, v50;
	v14 =	vadd.f32 v14, v52  }
0x3a6: {  	v6 =	vadd.f32 v6, v55;
	v0 =	vmul.f32 v0, v50;
	v18 =	vmul.f32 v18, v49  }
0x3a7: {  	v10 =	vmul.f32 v10, v50;
	v7 =	vadd.f32 v7, v13;
	v13 =	vmul.f32 v21, v49  }
0x3a8: {  	v21 =	vmul.f32 v23, v49;
	v25 =	vadd.f32 v2, v17;
	v2 =	vmul.f32 v8, v50  }
0x3a9: {  	v26 =	vadd.f32 v0, v18;
	v8 =	vmul.f32 v16, v49;
	v16 =	vmul.f32 v20, v49  }
0x3aa: {  	v0 =	vadd.f32 v15, v21;
	v15 =	vmul.f32 v24, v49;
	v27 =	vadd.f32 v2, v13  }
.Ltmp13:
0x3ab: {  	v40 =	vmul.f32 $-5.000000000e-01, v4;
	v2 =	vadd.f32 v12, v8;
	v41 =	vadd.f32 v19, v16;
	(pc) =	sbr.rel @p2 .LBB2_27-.Ltmp13, $4  }
0x3ac: {  	v31 =	vmul.f32 $-5.000000000e-01, v3;
	v42 =	vadd.f32 v10, v15;
	v39 =	vmul.f32 $-5.000000000e-01, v11  }
0x3ad: {  	v30 =	vmul.f32 $-5.000000000e-01, v5;
	v28 =	vmul.f32 $-5.000000000e-01, v14  }
0x3ae: {  	v62 =	vmul.f32 $-5.000000000e-01, v6;
	v53 =	vmul.f32 $-5.000000000e-01, v0  }
0x3af: {  	s10 =	sadd.s32 $0x80, s10;
	v52 =	vmul.f32 $-5.000000000e-01, v7;
	v51 =	vmul.f32 $-5.000000000e-01, v2  }
0x3b0: {  	v0 =	vmul.f32 $-5.000000000e-01, v25;
	v2 =	vmul.f32 $-5.000000000e-01, v41  }
0x3b1: {  	v3 =	vmul.f32 $-5.000000000e-01, v26;
	v4 =	vmul.f32 $-5.000000000e-01, v42  }
0x3b2: {  	v5 =	vmul.f32 $1.442695020e+00, v40;
	v6 =	vmul.f32 $-5.000000000e-01, v27  }
0x3b3: {  	v7 =	vmul.f32 $1.442695020e+00, v31;
	v8 =	vmul.f32 $1.442695020e+00, v39  }
0x3b4: {  	v47 =	vmul.f32 $1.442695020e+00, v30;
	(erf) = vpow2.f32 v5  }
0x3b5: {  	v48 =	vmul.f32 $1.442695020e+00, v28;
	(erf) = vpow2.f32 v7  }
0x3b6: {  	v54 =	vmul.f32 $1.442695020e+00, v53;
	(erf) = vpow2.f32 v8  }
0x3b7: {  	v8 =	vmul.f32 $1.442695020e+00, v62;
	(erf) = vpow2.f32 v47  }
0x3b8: {  	v55 =	vmul.f32 $1.442695020e+00, v52;
	(erf) = vpow2.f32 v48  }
0x3b9: {  	v0 =	vmul.f32 $1.442695020e+00, v0;
	(erf) = vpow2.f32 v8  }
0x3ba: {  	v8 =	vmul.f32 $1.442695020e+00, v51;
	(erf) = vpow2.f32 v54  }
0x3bb: {  	v2 =	vmul.f32 $1.442695020e+00, v2;
	(erf) = vpow2.f32 v55  }
0x3bc: {  	v3 =	vmul.f32 $1.442695020e+00, v3;
	(erf) = vpow2.f32 v8  }
0x3bd: {  	v56 =	vpop (erf);
	(erf) = vpow2.f32 v0;
	v0 =	vmul.f32 $1.442695020e+00, v4  }
0x3be: {  	v57 =	vpop (erf);
	(erf) = vpow2.f32 v2;
	v2 =	vmul.f32 $1.442695020e+00, v6  }
0x3bf: {  	v58 =	vpop (erf);
	(erf) = vpow2.f32 v3  }
0x3c0: {  	v3 =	vpop (erf);
	(erf) = vpow2.f32 v0  }
0x3c1: {  	v0 =	vpop (erf);
	(erf) = vpow2.f32 v2  }
0x3c2: {  	v2 =	vpop (erf)  }
0x3c3: {  	v59 =	vpop (erf)  }
0x3c4: {  	v8 =	vpop (erf)  }
0x3c5: {  	v4 =	vsub.f32 v56, v57;
	v60 =	vpop (erf)  }
0x3c6: {  	v3 =	vsub.f32 v58, v3;
	v10 =	vpop (erf)  }
0x3c7: {  	[tilespmem:s7+$0xFFFFFFC0] =	vst v4;
	v0 =	vsub.f32 v0, v2;
	v61 =	vpop (erf)  }
0x3c8: {  	[tilespmem:s7+$0xFFFFFFD0] =	vst v3;
	v3 =	vsub.f32 v59, v8;
	v2 =	vpop (erf)  }
0x3c9: {  	[tilespmem:s7+$0xFFFFFFE0] =	vst v0;
	v0 =	vsub.f32 v60, v10;
	v62 =	vpop (erf)  }
0x3ca: {  	[tilespmem:s7+$0xFFFFFFF0] =	vst v3;
	v2 =	vsub.f32 v61, v2;
	v63 =	vpop (erf)  }
0x3cb: {  	s11 =	sadd.s32 $0x1, s11;
	[tilespmem:s7+$0x0] =	vst v0;
	v0 =	vsub.f32 v62, v63  }
0x3cc: {  	p2 =	sne.s32 s11, $0xA;
	[tilespmem:s7+$0x10] =	vst v2  }
.Ltmp14:
0x3cd: {  	s0 =	sadd.s32 s30, s20;
	s1 =	simm.s32 $0x1CC00;
	[tilespmem:s7+$0x20] =	vst v0;
	(pc) =	sbr.rel @p2 .LBB2_18-.Ltmp14, $4  }
0x3ce: {  	[hbm4b:s0+s4] =	stream.linear.scatter [tilespmem:s1], [sflag:$0x3], $0x1400, $0x38;
	[tilespmem:$0x1E050] =	vst v63  }
0x3cf: {  	_ =	swait.ge [sflag:s28], $0x1400  }
0x3d0: {  	[sflag:s28] =	ssyncset.done $0x0  }
0x3d1: {  	[sflag:s28] =	ssyncadd.s32 $0xFFFFEC00  }
0x3d2: {  	v0 =	vld [tilespmem:$0x1FE80]  }
0x3d3: {  	v2 =	vld [tilespmem:$0x1FE90]  }
0x3d4: {  	v3 =	vld [tilespmem:$0x1FEA0]  }
0x3d5: {  	v4 =	vld [tilespmem:$0x1FEB0]  }
0x3d6: {  	v5 =	vld [tilespmem:$0x1FEC0]  }
0x3d7: {  	v6 =	vld [tilespmem:$0x1FED0]  }
0x3d8: {  	v7 =	vld [tilespmem:$0x1FEE0]  }
0x3d9: {  	v8 =	vld [tilespmem:$0x1FEF0]  }
0x3da: {  	v10 =	vld [tilespmem:$0x1FF00]  }
0x3db: {  	v11 =	vld [tilespmem:$0x1FF10]  }
0x3dc: {  	v12 =	vld [tilespmem:$0x1FF20]  }
0x3dd: {  	v13 =	vld [tilespmem:$0x1FF30]  }
0x3de: {  	v14 =	vld [tilespmem:$0x1FF40]  }
0x3df: {  	v15 =	vld [tilespmem:$0x1FF50]  }
0x3e0: {  	v16 =	vld [tilespmem:$0x1FF60]  }
0x3e1: {  	v17 =	vld [tilespmem:$0x1FF70]  }
0x3e2: {  	s1 =	rddreg [dreg:$0x14];
	v18 =	vld [tilespmem:$0x1FF80]  }
0x3e3: {  	s0 =	rddreg [dreg:$0x13];
	v19 =	vld [tilespmem:$0x1FF90];
	s1 =	sadd.s32 $0x1, s1  }
0x3e4: {  	v20 =	vld [tilespmem:$0x1FFA0];
	p2 =	sne.s32 s1, s0  }
.Ltmp15:
0x3e5: {  	v21 =	vld [tilespmem:$0x1FFB0];
	(pc) =	sbr.rel @p2 .LBB2_1-.Ltmp15, $4  }
0x3e6: {  	v22 =	vld [tilespmem:$0x1FFC0]  }
0x3e7: {  	v23 =	vld [tilespmem:$0x1FFD0];
	s3 =	rddreg [dreg:$0x6]  }
0x3e8: {  	v24 =	vld [tilespmem:$0x1FFE0];
	s9 =	rddreg [dreg:$0x8]  }
0x3e9: {  	v29 =	vld [tilespmem:$0x1FFF0];
	s12 =	rddreg [dreg:$0xa]  }
0x3ea: {  	_ =	sfence.sel $0x180000  }
0x3eb: {  	[bflag:$0x0] =	sbarrier.arrive $0xFFFF  }
0x3ec: {  	_ =	strace $0x90000047  }
0x3ed: {  	s0 =	stileid.u32;
	[bflag:$0x2] =	sbarrier.arrive $0xFFFF  }
0x3ee: {  	p0 =	sne.s32 s0, $0x0;
	s0 =	rddreg [dreg:$0x4]  }
0x3ef: {  	s0 =	sadd.s32 @!p0 $0x100000, s0  }
0x3f0: {  	[sflag:s0] =	ssyncadd.tile.s32 @!p0 $0x1;
	_ =	shalt  }
.Lfunc_end2:
_tile_overlayer_lowered:
.L_overlay_start_2:
0x3f1: {  	(tag) =	ssettag $0x2  }
0x3f2: {  	s0 =	rddreg [dreg:$0x0];
	s2 =	stileid.u32  }
0x3f3: {  	s1 =	rddreg [dreg:$0x1];
	p0 =	sne.s32 s2, $0x0  }
0x3f4: {  	s3 =	rddreg [dreg:$0x2];
	[bflag:$0x3] =	sbarrier.arrive $0xFFFF;
	s2 =	simm.s32 @!p0 $0x1C03  }
0x3f5: {  	[timem:s3], [sflag:s2] =	dma.local @!p0 [hbm:s0], s1  }
0x3f6: {  	s0 =	simm.s32 @!p0 $0x3  }
0x3f7: {  	_ =	swait.ge @!p0 [sflag:s0], s1  }
0x3f8: {  	s1 =	ssub.s32 @!p0 $0x0, s1;
	[sflag:s0] =	ssyncset.done @!p0 $0x0  }
0x3f9: {  	[sflag:s0] =	ssyncadd.s32 @!p0 s1  }
0x3fa: {  	[bflag:$0x3] =	sbarrier.arrive $0xFFFF  }
0x3fb: {  	_ =	shalt  }

</sc_bundles>
